<compile_context>
chip_gen: v7x
topology: tpu7x:2x2x1
jax: 0.10.2.dev20260603
libtpu: 0.0.44.dev20260713+nightly
codegen_flags: <defaults>
</compile_context>

<pallas_src>
import jax
import jax.numpy as jnp
from jax import lax
from jax.experimental import pallas as pl
from jax.experimental.pallas import tpu as pltpu
from jax.experimental.pallas import tpu_sc as plsc

N = 10000
E = 320000
IN_DIM = 128
HID = 64
OUT_DIM = 3

N_PAD = 10112
CH = 128
CPT = 80
E_PAD = 32 * CPT * CH
KB = 8
NBLK = CPT // KB
KBG = 4
SB = 20
ROWS_PER_TILE = N_PAD // 16


def _make_scatter(D):
    mesh = plsc.VectorSubcoreMesh(core_axis_name="c", subcore_axis_name="s")

    def body(src_hbm, dst_hbm, table_hbm, zeros_hbm, out_hbm,
             big_sh, src_v, dst_v, rows_v, gsem, ssem):
        c = lax.axis_index("c")
        s = lax.axis_index("s")
        roff = s * ROWS_PER_TILE
        pltpu.sync_copy(zeros_hbm.at[pl.ds(roff, ROWS_PER_TILE)],
                        big_sh.at[pl.ds(roff, ROWS_PER_TILE)])
        toff = s * (N // 16)
        pltpu.sync_copy(table_hbm.at[pl.ds(toff, N // 16)],
                        big_sh.at[pl.ds(N_PAD + toff, N // 16)])
        tid = c * 16 + s
        crow = tid * CPT
        plsc.subcore_barrier()

        def load_sb(sb):
            srow = crow + sb * SB
            slot = lax.rem(sb, 2)
            pltpu.sync_copy(src_hbm.at[pl.ds(srow, SB)], src_v.at[slot])
            pltpu.sync_copy(dst_hbm.at[pl.ds(srow, SB)], dst_v.at[slot])

        def g_desc(j):
            return pltpu.make_async_copy(
                big_sh.at[src_v.at[lax.rem(j // SB, 2), lax.rem(j, SB)]],
                rows_v.at[lax.rem(j, KBG)], gsem)

        def s_wait(j):
            pltpu.make_async_copy(rows_v.at[lax.rem(j, KBG)],
                                  big_sh.at[dst_v.at[lax.rem(j // SB, 2),
                                                     lax.rem(j, SB)]],
                                  ssem).wait()

        load_sb(0)
        g_desc(0).start()
        g_desc(1).start()

        def it(j, carry):
            @pl.when(j >= 2)
            def _():
                s_wait(j - 2)

            jn = j + 2
            @pl.when(jn < CPT)
            def _():
                @pl.when(lax.rem(jn, SB) == 0)
                def _():
                    load_sb(jn // SB)
                g_desc(jn).start()

            g_desc(j).wait()
            pltpu.async_copy(rows_v.at[lax.rem(j, KBG)],
                             big_sh.at[dst_v.at[lax.rem(j // SB, 2),
                                                lax.rem(j, SB)]],
                             ssem, add=True)
            return carry

        lax.fori_loop(0, CPT, it, 0)
        s_wait(CPT - 2)
        s_wait(CPT - 1)
        plsc.subcore_barrier()
        pltpu.sync_copy(big_sh.at[pl.ds(roff, ROWS_PER_TILE)],
                        out_hbm.at[c, pl.ds(roff, ROWS_PER_TILE)])

    return pl.kernel(
        body,
        out_type=jax.ShapeDtypeStruct((2, N_PAD, D), jnp.float32),
        mesh=mesh,
        scratch_types=[
            pltpu.VMEM_SHARED((N_PAD + N, D), jnp.float32),
            pltpu.VMEM((2, SB, CH), jnp.int32),
            pltpu.VMEM((2, SB, CH), jnp.int32),
            pltpu.VMEM((KBG, CH, D), jnp.float32),
            pltpu.SemaphoreType.DMA,
            pltpu.SemaphoreType.DMA,
        ],
        compiler_params=pltpu.CompilerParams(use_tc_tiling_on_sc=False),
    )


_scat8 = _make_scatter(8)
_scat64 = _make_scatter(HID)


def _deg_body(dst_hbm, ones_hbm, zeros_hbm, out_hbm, acc_sh, dst_v, ones_v, ssem):
    c = lax.axis_index("c")
    s = lax.axis_index("s")
    roff = s * ROWS_PER_TILE
    pltpu.sync_copy(zeros_hbm.at[pl.ds(roff, ROWS_PER_TILE)],
                    acc_sh.at[pl.ds(roff, ROWS_PER_TILE)])
    tid = c * 16 + s
    pltpu.sync_copy(dst_hbm.at[pl.ds(tid * CPT, CPT)], dst_v)
    pltpu.sync_copy(ones_hbm, ones_v)
    plsc.subcore_barrier()

    def blk(o, carry):
        jb = o * KB
        sd = [pltpu.async_copy(ones_v, acc_sh.at[dst_v.at[jb + b]],
                               ssem, add=True) for b in range(KB)]
        for d in sd:
            d.wait()
        return carry

    lax.fori_loop(0, NBLK, blk, 0)
    plsc.subcore_barrier()
    pltpu.sync_copy(acc_sh.at[pl.ds(roff, ROWS_PER_TILE)],
                    out_hbm.at[c, pl.ds(roff, ROWS_PER_TILE)])


_deg_scat = pl.kernel(
    _deg_body,
    out_type=jax.ShapeDtypeStruct((2, N_PAD, 8), jnp.float32),
    mesh=plsc.VectorSubcoreMesh(core_axis_name="c", subcore_axis_name="s"),
    scratch_types=[
        pltpu.VMEM_SHARED((N_PAD, 8), jnp.float32),
        pltpu.VMEM((CPT, CH), jnp.int32),
        pltpu.VMEM((CH, 8), jnp.float32),
        pltpu.SemaphoreType.DMA,
    ],
    compiler_params=pltpu.CompilerParams(use_tc_tiling_on_sc=False),
)


def _tc1_body(parts_ref, x_ref, w1_ref, dinv_ref, u1_ref):
    deg = parts_ref[0, :N, 0:1] + parts_ref[1, :N, 0:1] + 1.0
    dinv = lax.rsqrt(deg)
    dinv_ref[...] = dinv
    xw = jnp.dot(x_ref[...], w1_ref[...], preferred_element_type=jnp.float32)
    u1_ref[...] = dinv * xw


_tc1 = pl.pallas_call(
    _tc1_body,
    out_shape=(jax.ShapeDtypeStruct((N, 1), jnp.float32),
               jax.ShapeDtypeStruct((N, HID), jnp.float32)),
)


def _mid_body(parts_ref, u_ref, dinv_ref, b_ref, g_ref, bt_ref, w_ref, out_ref):
    dinv = dinv_ref[...]
    z = dinv * (parts_ref[0, :N, :] + parts_ref[1, :N, :] + u_ref[...]) + b_ref[...]
    mu = jnp.mean(z, axis=0, keepdims=True)
    var = jnp.mean((z - mu) ** 2, axis=0, keepdims=True)
    h = g_ref[...] * (z - mu) * lax.rsqrt(var + 1e-5) + bt_ref[...]
    h = jnp.maximum(h, 0.0)
    out_ref[...] = dinv * jnp.dot(h, w_ref[...], preferred_element_type=jnp.float32)


def _make_mid(d_out):
    return pl.pallas_call(
        _mid_body,
        out_shape=jax.ShapeDtypeStruct((N, d_out), jnp.float32),
    )


_mid64 = _make_mid(HID)
_mid8 = _make_mid(8)


def _final_body(parts_ref, u3_ref, dinv_ref, b3_ref, out_ref):
    z = dinv_ref[...] * (parts_ref[0, :N, :] + parts_ref[1, :N, :] + u3_ref[...]) + b3_ref[...]
    z3 = z[:, :OUT_DIM]
    m = jnp.max(z3, axis=1, keepdims=True)
    e = jnp.exp(z3 - m)
    lse = jnp.log(jnp.sum(e, axis=1, keepdims=True))
    out_ref[...] = (z3 - m) - lse


_final = pl.pallas_call(
    _final_body,
    out_shape=jax.ShapeDtypeStruct((N, OUT_DIM), jnp.float32),
)


def kernel(x, edge_index, W1, b1, g1, bt1, W2, b2, g2, bt2, W3, b3):
    ei = edge_index.astype(jnp.int32)
    src = jnp.concatenate([ei[0], jnp.zeros((E_PAD - E,), jnp.int32)])
    dst = jnp.concatenate([ei[1], jnp.full((E_PAD - E,), N, jnp.int32)])
    src2 = src.reshape(E_PAD // CH, CH) + N_PAD
    dst2 = dst.reshape(E_PAD // CH, CH)
    zeros8 = jnp.zeros((N_PAD, 8), jnp.float32)
    zeros64 = jnp.zeros((N_PAD, HID), jnp.float32)
    ones8 = jnp.ones((CH, 8), jnp.float32)

    deg_parts = _deg_scat(dst2, ones8, zeros8)
    dinv, u1 = _tc1(deg_parts, x, W1)

    s1 = _scat64(src2, dst2, u1, zeros64)
    u2 = _mid64(s1, u1, dinv, b1.reshape(1, -1), g1.reshape(1, -1),
                bt1.reshape(1, -1), W2)

    s2 = _scat64(src2, dst2, u2, zeros64)
    w3p = jnp.pad(W3, ((0, 0), (0, 8 - OUT_DIM)))
    u3 = _mid8(s2, u2, dinv, b2.reshape(1, -1), g2.reshape(1, -1),
               bt2.reshape(1, -1), w3p)

    s3 = _scat8(src2, dst2, u3, zeros8)
    b3p = jnp.pad(b3, (0, 8 - OUT_DIM)).reshape(1, -1)
    return _final(s3, u3, dinv, b3p)

# --- scband reference (transcript-rebuilt; emitter-appended) ---
"""Pipeline reference for scband-supply-chain-gnn-42769284334133 (READ-ONLY COPY).

The authoritative reference and input builder live on the scoring server;
editing this copy changes nothing except your own understanding.
"""

import jax, jax.numpy as jnp
import numpy as np

N_NODES = 10000
N_EDGES = 320000
IN_DIM = 128
HID = 64
OUT_DIM = 3


def gcn_conv(x, edge_index, W, b):
    N = x.shape[0]
    loop = jnp.arange(N, dtype=edge_index.dtype)
    src = jnp.concatenate([edge_index[0], loop])
    dst = jnp.concatenate([edge_index[1], loop])
    deg = jnp.zeros((N,), dtype=x.dtype).at[dst].add(1.0)
    dinv = jnp.where(deg > 0, 1.0 / jnp.sqrt(deg), 0.0)
    norm = dinv[src] * dinv[dst]
    xw = x @ W
    msg = jnp.take(xw, src, axis=0) * norm[:, None]
    out = jnp.zeros((N, W.shape[1]), dtype=x.dtype).at[dst].add(msg)
    return out + b


def batch_norm(x, gamma, beta, eps=1e-5):
    mu = jnp.mean(x, axis=0)
    var = jnp.var(x, axis=0)
    return gamma * (x - mu) / jnp.sqrt(var + eps) + beta


def setup_inputs(seed: int = 0) -> dict:
    key = jax.random.key(seed)
    ks = jax.random.split(key, 8)
    x = jax.random.normal(ks[0], (N_NODES, IN_DIM), dtype=jnp.float32)
    edge_index = jax.random.randint(ks[1], (2, N_EDGES), 0, N_NODES).astype(jnp.int64)
    W1 = jax.random.normal(ks[2], (IN_DIM, HID), dtype=jnp.float32) * (1.0 / np.sqrt(IN_DIM))
    b1 = jnp.zeros((HID,), dtype=jnp.float32)
    g1 = jnp.ones((HID,), dtype=jnp.float32)
    bt1 = jnp.zeros((HID,), dtype=jnp.float32)
    W2 = jax.random.normal(ks[3], (HID, HID), dtype=jnp.float32) * (1.0 / np.sqrt(HID))
    b2 = jnp.zeros((HID,), dtype=jnp.float32)
    g2 = jnp.ones((HID,), dtype=jnp.float32)
    bt2 = jnp.zeros((HID,), dtype=jnp.float32)
    W3 = jax.random.normal(ks[4], (HID, OUT_DIM), dtype=jnp.float32) * (1.0 / np.sqrt(HID))
    b3 = jnp.zeros((OUT_DIM,), dtype=jnp.float32)
    return {"x": x, "edge_index": edge_index, "W1": W1, "b1": b1, "g1": g1, "bt1": bt1,
            "W2": W2, "b2": b2, "g2": g2, "bt2": bt2, "W3": W3, "b3": b3}


def reference(x, edge_index, W1, b1, g1, bt1, W2, b2, g2, bt2, W3, b3):
    h = gcn_conv(x, edge_index, W1, b1)
    h = batch_norm(h, g1, bt1)
    h = jax.nn.relu(h)
    h = gcn_conv(h, edge_index, W2, b2)
    h = batch_norm(h, g2, bt2)
    h = jax.nn.relu(h)
    h = gcn_conv(h, edge_index, W3, b3)
    return jax.nn.log_softmax(h, axis=1)

if __name__ == "__main__":
    import jax
    _d = setup_inputs()
    print(jax.jit(kernel)(*tuple(_d.values())))

</pallas_src>

<mosaic_0001>
#map = affine_map<(d0, d1) -> (0, 0)>
#map1 = affine_map<(d0, d1) -> (0, 0, 0)>
module attributes {stable_mosaic.version = 14 : i64} {
  func.func @_deg_body(%arg0: i32, %arg1: i32, %arg2: memref<2560x128xi32, #tpu.memory_space<hbm>>, %arg3: memref<128x8xf32, #tpu.memory_space<hbm>>, %arg4: memref<10112x8xf32, #tpu.memory_space<hbm>>, %arg5: memref<2x10112x8xf32, #tpu.memory_space<hbm>>, %arg6: memref<10112x8xf32, #tpu.memory_space<vmem_shared>>, %arg7: memref<80x128xi32, #tpu.memory_space<vmem>>, %arg8: memref<128x8xf32, #tpu.memory_space<vmem>>, %arg9: memref<!tpu.dma_semaphore, #tpu.memory_space<semaphore_mem>>) attributes {dimension_semantics = [#tpu.dimension_semantics<core_parallel>, #tpu.dimension_semantics<subcore_parallel>], iteration_bounds = array<i64: 2, 16>, scalar_prefetch = 0 : i64, scratch_operands = 4 : i64, tpu.core_type = #tpu.core_type<sc_vector_subcore>, window_params = [{transform_indices = #map}, {transform_indices = #map}, {transform_indices = #map}, {transform_indices = #map1}]} {
    %mul3A = arith.constant 632 : i32
    %mul3A_0 = arith.muli %arg1, %mul3A : i32
    "tpu.region"() ({
      %run_scoped3A = tpu.sem_alloc : memref<!tpu.dma_semaphore, #tpu.memory_space<semaphore_mem>>
      %dma_start3A = arith.constant 0 : i32
      %dma_start3A_11 = tpu.memref_slice %arg6[%mul3A_0, %dma_start3A] : memref<10112x8xf32, #tpu.memory_space<vmem_shared>> -> memref<632x8xf32, #tpu.memory_space<vmem_shared>>
      %dma_start3A_12 = arith.constant 0 : i32
      %dma_start3A_13 = tpu.memref_slice %arg4[%mul3A_0, %dma_start3A_12] : memref<10112x8xf32, #tpu.memory_space<hbm>> -> memref<632x8xf32, #tpu.memory_space<hbm>>
      tpu.enqueue_dma source(%dma_start3A_13 : memref<632x8xf32, #tpu.memory_space<hbm>>) target(%dma_start3A_11 : memref<632x8xf32, #tpu.memory_space<vmem_shared>>) target_semaphore(%run_scoped3A : memref<!tpu.dma_semaphore, #tpu.memory_space<semaphore_mem>>)
      %dma_wait3A = arith.constant 0 : i32
      %dma_wait3A_14 = tpu.memref_slice %arg6[%mul3A_0, %dma_wait3A] : memref<10112x8xf32, #tpu.memory_space<vmem_shared>> -> memref<632x8xf32, #tpu.memory_space<vmem_shared>>
      %dma_wait3A_15 = arith.constant 0 : i32
      %dma_wait3A_16 = tpu.memref_slice %arg4[%mul3A_0, %dma_wait3A_15] : memref<10112x8xf32, #tpu.memory_space<hbm>> -> memref<632x8xf32, #tpu.memory_space<hbm>>
      tpu.wait_dma2 semaphore(%run_scoped3A : memref<!tpu.dma_semaphore, #tpu.memory_space<semaphore_mem>>) src(%dma_wait3A_16 : memref<632x8xf32, #tpu.memory_space<hbm>>) dst(%dma_wait3A_14 : memref<632x8xf32, #tpu.memory_space<vmem_shared>>)
      tpu.yield
    }) : () -> ()
    %mul3A_1 = arith.constant 16 : i32
    %mul3A_2 = arith.muli %arg0, %mul3A_1 : i32
    %add3A = arith.addi %mul3A_2, %arg1 : i32
    %mul3A_3 = arith.constant 80 : i32
    %mul3A_4 = arith.muli %add3A, %mul3A_3 : i32
    "tpu.region"() ({
      %run_scoped3A = tpu.sem_alloc : memref<!tpu.dma_semaphore, #tpu.memory_space<semaphore_mem>>
      %dma_start3A = arith.constant 0 : i32
      %dma_start3A_11 = tpu.memref_slice %arg2[%mul3A_4, %dma_start3A] : memref<2560x128xi32, #tpu.memory_space<hbm>> -> memref<80x128xi32, #tpu.memory_space<hbm>>
      %dma_start3A_12 = arith.constant 0 : i32
      %dma_start3A_13 = tpu.memref_slice %arg2[%mul3A_4, %dma_start3A_12] : memref<2560x128xi32, #tpu.memory_space<hbm>> -> memref<80x128xi32, #tpu.memory_space<hbm>>
      tpu.enqueue_dma source(%dma_start3A_13 : memref<80x128xi32, #tpu.memory_space<hbm>>) target(%arg7 : memref<80x128xi32, #tpu.memory_space<vmem>>) target_semaphore(%run_scoped3A : memref<!tpu.dma_semaphore, #tpu.memory_space<semaphore_mem>>)
      %dma_wait3A = arith.constant 0 : i32
      %dma_wait3A_14 = tpu.memref_slice %arg2[%mul3A_4, %dma_wait3A] : memref<2560x128xi32, #tpu.memory_space<hbm>> -> memref<80x128xi32, #tpu.memory_space<hbm>>
      %dma_wait3A_15 = arith.constant 0 : i32
      %dma_wait3A_16 = tpu.memref_slice %arg2[%mul3A_4, %dma_wait3A_15] : memref<2560x128xi32, #tpu.memory_space<hbm>> -> memref<80x128xi32, #tpu.memory_space<hbm>>
      tpu.wait_dma2 semaphore(%run_scoped3A : memref<!tpu.dma_semaphore, #tpu.memory_space<semaphore_mem>>) src(%dma_wait3A_16 : memref<80x128xi32, #tpu.memory_space<hbm>>) dst(%arg7 : memref<80x128xi32, #tpu.memory_space<vmem>>)
      tpu.yield
    }) : () -> ()
    "tpu.region"() ({
      %run_scoped3A = tpu.sem_alloc : memref<!tpu.dma_semaphore, #tpu.memory_space<semaphore_mem>>
      tpu.enqueue_dma source(%arg3 : memref<128x8xf32, #tpu.memory_space<hbm>>) target(%arg8 : memref<128x8xf32, #tpu.memory_space<vmem>>) target_semaphore(%run_scoped3A : memref<!tpu.dma_semaphore, #tpu.memory_space<semaphore_mem>>)
      tpu.wait_dma2 semaphore(%run_scoped3A : memref<!tpu.dma_semaphore, #tpu.memory_space<semaphore_mem>>) src(%arg3 : memref<128x8xf32, #tpu.memory_space<hbm>>) dst(%arg8 : memref<128x8xf32, #tpu.memory_space<vmem>>)
      tpu.yield
    }) : () -> ()
    %barrier3A = arith.constant 0 : index
    tpu.barrier barrier_id(%barrier3A)
    %scan3A = arith.constant 0 : i32
    %scan3A_5 = arith.constant 0 : i32
    %scan3A_6 = arith.constant 10 : i32
    %scan3A_7 = arith.addi %scan3A_5, %scan3A_6 : i32
    %scan3A_8 = arith.constant 1 : i32
    scf.for %scan3A_11 = %scan3A_5 to %scan3A_7 step %scan3A_8  : i32 {
      %mul3A_12 = arith.constant 8 : i32
      %mul3A_13 = arith.muli %scan3A_11, %mul3A_12 : i32
      %add3A_14 = arith.constant 0 : i32
      %add3A_15 = arith.addi %mul3A_13, %add3A_14 : i32
      %dma_start3A = arith.constant 0 : i32
      %dma_start3A_16 = tpu.memref_slice %arg7[%add3A_15, %dma_start3A] : memref<80x128xi32, #tpu.memory_space<vmem>> -> memref<1x128xi32, #tpu.memory_space<vmem>>
      %dma_start3A_17 = tpu.memref_squeeze %dma_start3A_16 : memref<1x128xi32, #tpu.memory_space<vmem>> -> memref<128xi32, #tpu.memory_space<vmem>>
      %dma_start3A_18 = arith.constant 0 : i32
      %dma_start3A_19 = arith.constant 0 : i32
      %dma_start3A_20 = tpu.memref_slice %arg6[%dma_start3A_18, %dma_start3A_19] : memref<10112x8xf32, #tpu.memory_space<vmem_shared>> -> memref<10112x8xf32, #tpu.memory_space<vmem_shared>>
      tpu.enqueue_indirect_dma source(%arg8 : memref<128x8xf32, #tpu.memory_space<vmem>>) target(%dma_start3A_20 : memref<10112x8xf32, #tpu.memory_space<vmem_shared>>) offsets(%dma_start3A_17 : memref<128xi32, #tpu.memory_space<vmem>>) semaphore(%arg9 : memref<!tpu.dma_semaphore, #tpu.memory_space<semaphore_mem>>) {add = true}
      %add3A_21 = arith.constant 1 : i32
      %add3A_22 = arith.addi %mul3A_13, %add3A_21 : i32
      %dma_start3A_23 = arith.constant 0 : i32
      %dma_start3A_24 = tpu.memref_slice %arg7[%add3A_22, %dma_start3A_23] : memref<80x128xi32, #tpu.memory_space<vmem>> -> memref<1x128xi32, #tpu.memory_space<vmem>>
      %dma_start3A_25 = tpu.memref_squeeze %dma_start3A_24 : memref<1x128xi32, #tpu.memory_space<vmem>> -> memref<128xi32, #tpu.memory_space<vmem>>
      %dma_start3A_26 = arith.constant 0 : i32
      %dma_start3A_27 = arith.constant 0 : i32
      %dma_start3A_28 = tpu.memref_slice %arg6[%dma_start3A_26, %dma_start3A_27] : memref<10112x8xf32, #tpu.memory_space<vmem_shared>> -> memref<10112x8xf32, #tpu.memory_space<vmem_shared>>
      tpu.enqueue_indirect_dma source(%arg8 : memref<128x8xf32, #tpu.memory_space<vmem>>) target(%dma_start3A_28 : memref<10112x8xf32, #tpu.memory_space<vmem_shared>>) offsets(%dma_start3A_25 : memref<128xi32, #tpu.memory_space<vmem>>) semaphore(%arg9 : memref<!tpu.dma_semaphore, #tpu.memory_space<semaphore_mem>>) {add = true}
      %add3A_29 = arith.constant 2 : i32
      %add3A_30 = arith.addi %mul3A_13, %add3A_29 : i32
      %dma_start3A_31 = arith.constant 0 : i32
      %dma_start3A_32 = tpu.memref_slice %arg7[%add3A_30, %dma_start3A_31] : memref<80x128xi32, #tpu.memory_space<vmem>> -> memref<1x128xi32, #tpu.memory_space<vmem>>
      %dma_start3A_33 = tpu.memref_squeeze %dma_start3A_32 : memref<1x128xi32, #tpu.memory_space<vmem>> -> memref<128xi32, #tpu.memory_space<vmem>>
      %dma_start3A_34 = arith.constant 0 : i32
      %dma_start3A_35 = arith.constant 0 : i32
      %dma_start3A_36 = tpu.memref_slice %arg6[%dma_start3A_34, %dma_start3A_35] : memref<10112x8xf32, #tpu.memory_space<vmem_shared>> -> memref<10112x8xf32, #tpu.memory_space<vmem_shared>>
      tpu.enqueue_indirect_dma source(%arg8 : memref<128x8xf32, #tpu.memory_space<vmem>>) target(%dma_start3A_36 : memref<10112x8xf32, #tpu.memory_space<vmem_shared>>) offsets(%dma_start3A_33 : memref<128xi32, #tpu.memory_space<vmem>>) semaphore(%arg9 : memref<!tpu.dma_semaphore, #tpu.memory_space<semaphore_mem>>) {add = true}
      %add3A_37 = arith.constant 3 : i32
      %add3A_38 = arith.addi %mul3A_13, %add3A_37 : i32
      %dma_start3A_39 = arith.constant 0 : i32
      %dma_start3A_40 = tpu.memref_slice %arg7[%add3A_38, %dma_start3A_39] : memref<80x128xi32, #tpu.memory_space<vmem>> -> memref<1x128xi32, #tpu.memory_space<vmem>>
      %dma_start3A_41 = tpu.memref_squeeze %dma_start3A_40 : memref<1x128xi32, #tpu.memory_space<vmem>> -> memref<128xi32, #tpu.memory_space<vmem>>
      %dma_start3A_42 = arith.constant 0 : i32
      %dma_start3A_43 = arith.constant 0 : i32
      %dma_start3A_44 = tpu.memref_slice %arg6[%dma_start3A_42, %dma_start3A_43] : memref<10112x8xf32, #tpu.memory_space<vmem_shared>> -> memref<10112x8xf32, #tpu.memory_space<vmem_shared>>
      tpu.enqueue_indirect_dma source(%arg8 : memref<128x8xf32, #tpu.memory_space<vmem>>) target(%dma_start3A_44 : memref<10112x8xf32, #tpu.memory_space<vmem_shared>>) offsets(%dma_start3A_41 : memref<128xi32, #tpu.memory_space<vmem>>) semaphore(%arg9 : memref<!tpu.dma_semaphore, #tpu.memory_space<semaphore_mem>>) {add = true}
      %add3A_45 = arith.constant 4 : i32
      %add3A_46 = arith.addi %mul3A_13, %add3A_45 : i32
      %dma_start3A_47 = arith.constant 0 : i32
      %dma_start3A_48 = tpu.memref_slice %arg7[%add3A_46, %dma_start3A_47] : memref<80x128xi32, #tpu.memory_space<vmem>> -> memref<1x128xi32, #tpu.memory_space<vmem>>
      %dma_start3A_49 = tpu.memref_squeeze %dma_start3A_48 : memref<1x128xi32, #tpu.memory_space<vmem>> -> memref<128xi32, #tpu.memory_space<vmem>>
      %dma_start3A_50 = arith.constant 0 : i32
      %dma_start3A_51 = arith.constant 0 : i32
      %dma_start3A_52 = tpu.memref_slice %arg6[%dma_start3A_50, %dma_start3A_51] : memref<10112x8xf32, #tpu.memory_space<vmem_shared>> -> memref<10112x8xf32, #tpu.memory_space<vmem_shared>>
      tpu.enqueue_indirect_dma source(%arg8 : memref<128x8xf32, #tpu.memory_space<vmem>>) target(%dma_start3A_52 : memref<10112x8xf32, #tpu.memory_space<vmem_shared>>) offsets(%dma_start3A_49 : memref<128xi32, #tpu.memory_space<vmem>>) semaphore(%arg9 : memref<!tpu.dma_semaphore, #tpu.memory_space<semaphore_mem>>) {add = true}
      %add3A_53 = arith.constant 5 : i32
      %add3A_54 = arith.addi %mul3A_13, %add3A_53 : i32
      %dma_start3A_55 = arith.constant 0 : i32
      %dma_start3A_56 = tpu.memref_slice %arg7[%add3A_54, %dma_start3A_55] : memref<80x128xi32, #tpu.memory_space<vmem>> -> memref<1x128xi32, #tpu.memory_space<vmem>>
      %dma_start3A_57 = tpu.memref_squeeze %dma_start3A_56 : memref<1x128xi32, #tpu.memory_space<vmem>> -> memref<128xi32, #tpu.memory_space<vmem>>
      %dma_start3A_58 = arith.constant 0 : i32
      %dma_start3A_59 = arith.constant 0 : i32
      %dma_start3A_60 = tpu.memref_slice %arg6[%dma_start3A_58, %dma_start3A_59] : memref<10112x8xf32, #tpu.memory_space<vmem_shared>> -> memref<10112x8xf32, #tpu.memory_space<vmem_shared>>
      tpu.enqueue_indirect_dma source(%arg8 : memref<128x8xf32, #tpu.memory_space<vmem>>) target(%dma_start3A_60 : memref<10112x8xf32, #tpu.memory_space<vmem_shared>>) offsets(%dma_start3A_57 : memref<128xi32, #tpu.memory_space<vmem>>) semaphore(%arg9 : memref<!tpu.dma_semaphore, #tpu.memory_space<semaphore_mem>>) {add = true}
      %add3A_61 = arith.constant 6 : i32
      %add3A_62 = arith.addi %mul3A_13, %add3A_61 : i32
      %dma_start3A_63 = arith.constant 0 : i32
      %dma_start3A_64 = tpu.memref_slice %arg7[%add3A_62, %dma_start3A_63] : memref<80x128xi32, #tpu.memory_space<vmem>> -> memref<1x128xi32, #tpu.memory_space<vmem>>
      %dma_start3A_65 = tpu.memref_squeeze %dma_start3A_64 : memref<1x128xi32, #tpu.memory_space<vmem>> -> memref<128xi32, #tpu.memory_space<vmem>>
      %dma_start3A_66 = arith.constant 0 : i32
      %dma_start3A_67 = arith.constant 0 : i32
      %dma_start3A_68 = tpu.memref_slice %arg6[%dma_start3A_66, %dma_start3A_67] : memref<10112x8xf32, #tpu.memory_space<vmem_shared>> -> memref<10112x8xf32, #tpu.memory_space<vmem_shared>>
      tpu.enqueue_indirect_dma source(%arg8 : memref<128x8xf32, #tpu.memory_space<vmem>>) target(%dma_start3A_68 : memref<10112x8xf32, #tpu.memory_space<vmem_shared>>) offsets(%dma_start3A_65 : memref<128xi32, #tpu.memory_space<vmem>>) semaphore(%arg9 : memref<!tpu.dma_semaphore, #tpu.memory_space<semaphore_mem>>) {add = true}
      %add3A_69 = arith.constant 7 : i32
      %add3A_70 = arith.addi %mul3A_13, %add3A_69 : i32
      %dma_start3A_71 = arith.constant 0 : i32
      %dma_start3A_72 = tpu.memref_slice %arg7[%add3A_70, %dma_start3A_71] : memref<80x128xi32, #tpu.memory_space<vmem>> -> memref<1x128xi32, #tpu.memory_space<vmem>>
      %dma_start3A_73 = tpu.memref_squeeze %dma_start3A_72 : memref<1x128xi32, #tpu.memory_space<vmem>> -> memref<128xi32, #tpu.memory_space<vmem>>
      %dma_start3A_74 = arith.constant 0 : i32
      %dma_start3A_75 = arith.constant 0 : i32
      %dma_start3A_76 = tpu.memref_slice %arg6[%dma_start3A_74, %dma_start3A_75] : memref<10112x8xf32, #tpu.memory_space<vmem_shared>> -> memref<10112x8xf32, #tpu.memory_space<vmem_shared>>
      tpu.enqueue_indirect_dma source(%arg8 : memref<128x8xf32, #tpu.memory_space<vmem>>) target(%dma_start3A_76 : memref<10112x8xf32, #tpu.memory_space<vmem_shared>>) offsets(%dma_start3A_73 : memref<128xi32, #tpu.memory_space<vmem>>) semaphore(%arg9 : memref<!tpu.dma_semaphore, #tpu.memory_space<semaphore_mem>>) {add = true}
      %dma_wait3A = arith.constant 0 : i32
      %dma_wait3A_77 = tpu.memref_slice %arg7[%add3A_15, %dma_wait3A] : memref<80x128xi32, #tpu.memory_space<vmem>> -> memref<1x128xi32, #tpu.memory_space<vmem>>
      %dma_wait3A_78 = tpu.memref_squeeze %dma_wait3A_77 : memref<1x128xi32, #tpu.memory_space<vmem>> -> memref<128xi32, #tpu.memory_space<vmem>>
      %dma_wait3A_79 = arith.constant 0 : i32
      %dma_wait3A_80 = arith.constant 0 : i32
      %dma_wait3A_81 = tpu.memref_slice %arg6[%dma_wait3A_79, %dma_wait3A_80] : memref<10112x8xf32, #tpu.memory_space<vmem_shared>> -> memref<10112x8xf32, #tpu.memory_space<vmem_shared>>
      tpu.wait_indirect_dma semaphore(%arg9 : memref<!tpu.dma_semaphore, #tpu.memory_space<semaphore_mem>>) src(%arg8 : memref<128x8xf32, #tpu.memory_space<vmem>>) dst(%dma_wait3A_81 : memref<10112x8xf32, #tpu.memory_space<vmem_shared>>)
      %dma_wait3A_82 = arith.constant 0 : i32
      %dma_wait3A_83 = tpu.memref_slice %arg7[%add3A_22, %dma_wait3A_82] : memref<80x128xi32, #tpu.memory_space<vmem>> -> memref<1x128xi32, #tpu.memory_space<vmem>>
      %dma_wait3A_84 = tpu.memref_squeeze %dma_wait3A_83 : memref<1x128xi32, #tpu.memory_space<vmem>> -> memref<128xi32, #tpu.memory_space<vmem>>
      %dma_wait3A_85 = arith.constant 0 : i32
      %dma_wait3A_86 = arith.constant 0 : i32
      %dma_wait3A_87 = tpu.memref_slice %arg6[%dma_wait3A_85, %dma_wait3A_86] : memref<10112x8xf32, #tpu.memory_space<vmem_shared>> -> memref<10112x8xf32, #tpu.memory_space<vmem_shared>>
      tpu.wait_indirect_dma semaphore(%arg9 : memref<!tpu.dma_semaphore, #tpu.memory_space<semaphore_mem>>) src(%arg8 : memref<128x8xf32, #tpu.memory_space<vmem>>) dst(%dma_wait3A_87 : memref<10112x8xf32, #tpu.memory_space<vmem_shared>>)
      %dma_wait3A_88 = arith.constant 0 : i32
      %dma_wait3A_89 = tpu.memref_slice %arg7[%add3A_30, %dma_wait3A_88] : memref<80x128xi32, #tpu.memory_space<vmem>> -> memref<1x128xi32, #tpu.memory_space<vmem>>
      %dma_wait3A_90 = tpu.memref_squeeze %dma_wait3A_89 : memref<1x128xi32, #tpu.memory_space<vmem>> -> memref<128xi32, #tpu.memory_space<vmem>>
      %dma_wait3A_91 = arith.constant 0 : i32
      %dma_wait3A_92 = arith.constant 0 : i32
      %dma_wait3A_93 = tpu.memref_slice %arg6[%dma_wait3A_91, %dma_wait3A_92] : memref<10112x8xf32, #tpu.memory_space<vmem_shared>> -> memref<10112x8xf32, #tpu.memory_space<vmem_shared>>
      tpu.wait_indirect_dma semaphore(%arg9 : memref<!tpu.dma_semaphore, #tpu.memory_space<semaphore_mem>>) src(%arg8 : memref<128x8xf32, #tpu.memory_space<vmem>>) dst(%dma_wait3A_93 : memref<10112x8xf32, #tpu.memory_space<vmem_shared>>)
      %dma_wait3A_94 = arith.constant 0 : i32
      %dma_wait3A_95 = tpu.memref_slice %arg7[%add3A_38, %dma_wait3A_94] : memref<80x128xi32, #tpu.memory_space<vmem>> -> memref<1x128xi32, #tpu.memory_space<vmem>>
      %dma_wait3A_96 = tpu.memref_squeeze %dma_wait3A_95 : memref<1x128xi32, #tpu.memory_space<vmem>> -> memref<128xi32, #tpu.memory_space<vmem>>
      %dma_wait3A_97 = arith.constant 0 : i32
      %dma_wait3A_98 = arith.constant 0 : i32
      %dma_wait3A_99 = tpu.memref_slice %arg6[%dma_wait3A_97, %dma_wait3A_98] : memref<10112x8xf32, #tpu.memory_space<vmem_shared>> -> memref<10112x8xf32, #tpu.memory_space<vmem_shared>>
      tpu.wait_indirect_dma semaphore(%arg9 : memref<!tpu.dma_semaphore, #tpu.memory_space<semaphore_mem>>) src(%arg8 : memref<128x8xf32, #tpu.memory_space<vmem>>) dst(%dma_wait3A_99 : memref<10112x8xf32, #tpu.memory_space<vmem_shared>>)
      %dma_wait3A_100 = arith.constant 0 : i32
      %dma_wait3A_101 = tpu.memref_slice %arg7[%add3A_46, %dma_wait3A_100] : memref<80x128xi32, #tpu.memory_space<vmem>> -> memref<1x128xi32, #tpu.memory_space<vmem>>
      %dma_wait3A_102 = tpu.memref_squeeze %dma_wait3A_101 : memref<1x128xi32, #tpu.memory_space<vmem>> -> memref<128xi32, #tpu.memory_space<vmem>>
      %dma_wait3A_103 = arith.constant 0 : i32
      %dma_wait3A_104 = arith.constant 0 : i32
      %dma_wait3A_105 = tpu.memref_slice %arg6[%dma_wait3A_103, %dma_wait3A_104] : memref<10112x8xf32, #tpu.memory_space<vmem_shared>> -> memref<10112x8xf32, #tpu.memory_space<vmem_shared>>
      tpu.wait_indirect_dma semaphore(%arg9 : memref<!tpu.dma_semaphore, #tpu.memory_space<semaphore_mem>>) src(%arg8 : memref<128x8xf32, #tpu.memory_space<vmem>>) dst(%dma_wait3A_105 : memref<10112x8xf32, #tpu.memory_space<vmem_shared>>)
      %dma_wait3A_106 = arith.constant 0 : i32
      %dma_wait3A_107 = tpu.memref_slice %arg7[%add3A_54, %dma_wait3A_106] : memref<80x128xi32, #tpu.memory_space<vmem>> -> memref<1x128xi32, #tpu.memory_space<vmem>>
      %dma_wait3A_108 = tpu.memref_squeeze %dma_wait3A_107 : memref<1x128xi32, #tpu.memory_space<vmem>> -> memref<128xi32, #tpu.memory_space<vmem>>
      %dma_wait3A_109 = arith.constant 0 : i32
      %dma_wait3A_110 = arith.constant 0 : i32
      %dma_wait3A_111 = tpu.memref_slice %arg6[%dma_wait3A_109, %dma_wait3A_110] : memref<10112x8xf32, #tpu.memory_space<vmem_shared>> -> memref<10112x8xf32, #tpu.memory_space<vmem_shared>>
      tpu.wait_indirect_dma semaphore(%arg9 : memref<!tpu.dma_semaphore, #tpu.memory_space<semaphore_mem>>) src(%arg8 : memref<128x8xf32, #tpu.memory_space<vmem>>) dst(%dma_wait3A_111 : memref<10112x8xf32, #tpu.memory_space<vmem_shared>>)
      %dma_wait3A_112 = arith.constant 0 : i32
      %dma_wait3A_113 = tpu.memref_slice %arg7[%add3A_62, %dma_wait3A_112] : memref<80x128xi32, #tpu.memory_space<vmem>> -> memref<1x128xi32, #tpu.memory_space<vmem>>
      %dma_wait3A_114 = tpu.memref_squeeze %dma_wait3A_113 : memref<1x128xi32, #tpu.memory_space<vmem>> -> memref<128xi32, #tpu.memory_space<vmem>>
      %dma_wait3A_115 = arith.constant 0 : i32
      %dma_wait3A_116 = arith.constant 0 : i32
      %dma_wait3A_117 = tpu.memref_slice %arg6[%dma_wait3A_115, %dma_wait3A_116] : memref<10112x8xf32, #tpu.memory_space<vmem_shared>> -> memref<10112x8xf32, #tpu.memory_space<vmem_shared>>
      tpu.wait_indirect_dma semaphore(%arg9 : memref<!tpu.dma_semaphore, #tpu.memory_space<semaphore_mem>>) src(%arg8 : memref<128x8xf32, #tpu.memory_space<vmem>>) dst(%dma_wait3A_117 : memref<10112x8xf32, #tpu.memory_space<vmem_shared>>)
      %dma_wait3A_118 = arith.constant 0 : i32
      %dma_wait3A_119 = tpu.memref_slice %arg7[%add3A_70, %dma_wait3A_118] : memref<80x128xi32, #tpu.memory_space<vmem>> -> memref<1x128xi32, #tpu.memory_space<vmem>>
      %dma_wait3A_120 = tpu.memref_squeeze %dma_wait3A_119 : memref<1x128xi32, #tpu.memory_space<vmem>> -> memref<128xi32, #tpu.memory_space<vmem>>
      %dma_wait3A_121 = arith.constant 0 : i32
      %dma_wait3A_122 = arith.constant 0 : i32
      %dma_wait3A_123 = tpu.memref_slice %arg6[%dma_wait3A_121, %dma_wait3A_122] : memref<10112x8xf32, #tpu.memory_space<vmem_shared>> -> memref<10112x8xf32, #tpu.memory_space<vmem_shared>>
      tpu.wait_indirect_dma semaphore(%arg9 : memref<!tpu.dma_semaphore, #tpu.memory_space<semaphore_mem>>) src(%arg8 : memref<128x8xf32, #tpu.memory_space<vmem>>) dst(%dma_wait3A_123 : memref<10112x8xf32, #tpu.memory_space<vmem_shared>>)
    }
    %scan3A_9 = arith.constant 10 : i32
    %barrier3A_10 = arith.constant 0 : index
    tpu.barrier barrier_id(%barrier3A_10)
    "tpu.region"() ({
      %run_scoped3A = tpu.sem_alloc : memref<!tpu.dma_semaphore, #tpu.memory_space<semaphore_mem>>
      %dma_start3A = arith.constant 0 : i32
      %dma_start3A_11 = tpu.memref_slice %arg5[%arg0, %mul3A_0, %dma_start3A] : memref<2x10112x8xf32, #tpu.memory_space<hbm>> -> memref<1x632x8xf32, #tpu.memory_space<hbm>>
      %dma_start3A_12 = tpu.memref_squeeze %dma_start3A_11 : memref<1x632x8xf32, #tpu.memory_space<hbm>> -> memref<632x8xf32, #tpu.memory_space<hbm>>
      %dma_start3A_13 = arith.constant 0 : i32
      %dma_start3A_14 = tpu.memref_slice %arg6[%mul3A_0, %dma_start3A_13] : memref<10112x8xf32, #tpu.memory_space<vmem_shared>> -> memref<632x8xf32, #tpu.memory_space<vmem_shared>>
      tpu.enqueue_dma source(%dma_start3A_14 : memref<632x8xf32, #tpu.memory_space<vmem_shared>>) target(%dma_start3A_12 : memref<632x8xf32, #tpu.memory_space<hbm>>) target_semaphore(%run_scoped3A : memref<!tpu.dma_semaphore, #tpu.memory_space<semaphore_mem>>)
      %dma_wait3A = arith.constant 0 : i32
      %dma_wait3A_15 = tpu.memref_slice %arg5[%arg0, %mul3A_0, %dma_wait3A] : memref<2x10112x8xf32, #tpu.memory_space<hbm>> -> memref<1x632x8xf32, #tpu.memory_space<hbm>>
      %dma_wait3A_16 = tpu.memref_squeeze %dma_wait3A_15 : memref<1x632x8xf32, #tpu.memory_space<hbm>> -> memref<632x8xf32, #tpu.memory_space<hbm>>
      %dma_wait3A_17 = arith.constant 0 : i32
      %dma_wait3A_18 = tpu.memref_slice %arg6[%mul3A_0, %dma_wait3A_17] : memref<10112x8xf32, #tpu.memory_space<vmem_shared>> -> memref<632x8xf32, #tpu.memory_space<vmem_shared>>
      tpu.wait_dma2 semaphore(%run_scoped3A : memref<!tpu.dma_semaphore, #tpu.memory_space<semaphore_mem>>) src(%dma_wait3A_18 : memref<632x8xf32, #tpu.memory_space<vmem_shared>>) dst(%dma_wait3A_16 : memref<632x8xf32, #tpu.memory_space<hbm>>)
      tpu.yield
    }) : () -> ()
    return
  }
}

#map = affine_map<(d0, d1) -> (0, 0)>
#map1 = affine_map<(d0, d1) -> (0, 0, 0)>
module attributes {stable_mosaic.version = 14 : i64} {
  func.func @body(%arg0: i32, %arg1: i32, %arg2: memref<2560x128xi32, #tpu.memory_space<hbm>>, %arg3: memref<2560x128xi32, #tpu.memory_space<hbm>>, %arg4: memref<10000x64xf32, #tpu.memory_space<hbm>>, %arg5: memref<10112x64xf32, #tpu.memory_space<hbm>>, %arg6: memref<2x10112x64xf32, #tpu.memory_space<hbm>>, %arg7: memref<20112x64xf32, #tpu.memory_space<vmem_shared>>, %arg8: memref<2x20x128xi32, #tpu.memory_space<vmem>>, %arg9: memref<2x20x128xi32, #tpu.memory_space<vmem>>, %arg10: memref<4x128x64xf32, #tpu.memory_space<vmem>>, %arg11: memref<!tpu.dma_semaphore, #tpu.memory_space<semaphore_mem>>, %arg12: memref<!tpu.dma_semaphore, #tpu.memory_space<semaphore_mem>>) attributes {dimension_semantics = [#tpu.dimension_semantics<core_parallel>, #tpu.dimension_semantics<subcore_parallel>], iteration_bounds = array<i64: 2, 16>, scalar_prefetch = 0 : i64, scratch_operands = 6 : i64, tpu.core_type = #tpu.core_type<sc_vector_subcore>, window_params = [{transform_indices = #map}, {transform_indices = #map}, {transform_indices = #map}, {transform_indices = #map}, {transform_indices = #map1}]} {
    %mul3A = arith.constant 632 : i32
    %mul3A_0 = arith.muli %arg1, %mul3A : i32
    "tpu.region"() ({
      %run_scoped3A = tpu.sem_alloc : memref<!tpu.dma_semaphore, #tpu.memory_space<semaphore_mem>>
      %dma_start3A_93 = arith.constant 0 : i32
      %dma_start3A_94 = tpu.memref_slice %arg7[%mul3A_0, %dma_start3A_93] : memref<20112x64xf32, #tpu.memory_space<vmem_shared>> -> memref<632x64xf32, #tpu.memory_space<vmem_shared>>
      %dma_start3A_95 = arith.constant 0 : i32
      %dma_start3A_96 = tpu.memref_slice %arg5[%mul3A_0, %dma_start3A_95] : memref<10112x64xf32, #tpu.memory_space<hbm>> -> memref<632x64xf32, #tpu.memory_space<hbm>>
      tpu.enqueue_dma source(%dma_start3A_96 : memref<632x64xf32, #tpu.memory_space<hbm>>) target(%dma_start3A_94 : memref<632x64xf32, #tpu.memory_space<vmem_shared>>) target_semaphore(%run_scoped3A : memref<!tpu.dma_semaphore, #tpu.memory_space<semaphore_mem>>)
      %dma_wait3A_97 = arith.constant 0 : i32
      %dma_wait3A_98 = tpu.memref_slice %arg7[%mul3A_0, %dma_wait3A_97] : memref<20112x64xf32, #tpu.memory_space<vmem_shared>> -> memref<632x64xf32, #tpu.memory_space<vmem_shared>>
      %dma_wait3A_99 = arith.constant 0 : i32
      %dma_wait3A_100 = tpu.memref_slice %arg5[%mul3A_0, %dma_wait3A_99] : memref<10112x64xf32, #tpu.memory_space<hbm>> -> memref<632x64xf32, #tpu.memory_space<hbm>>
      tpu.wait_dma2 semaphore(%run_scoped3A : memref<!tpu.dma_semaphore, #tpu.memory_space<semaphore_mem>>) src(%dma_wait3A_100 : memref<632x64xf32, #tpu.memory_space<hbm>>) dst(%dma_wait3A_98 : memref<632x64xf32, #tpu.memory_space<vmem_shared>>)
      tpu.yield
    }) : () -> ()
    %mul3A_1 = arith.constant 625 : i32
    %mul3A_2 = arith.muli %arg1, %mul3A_1 : i32
    %add3A = arith.constant 10112 : i32
    %add3A_3 = arith.addi %add3A, %mul3A_2 : i32
    "tpu.region"() ({
      %run_scoped3A = tpu.sem_alloc : memref<!tpu.dma_semaphore, #tpu.memory_space<semaphore_mem>>
      %dma_start3A_93 = arith.constant 0 : i32
      %dma_start3A_94 = tpu.memref_slice %arg7[%add3A_3, %dma_start3A_93] : memref<20112x64xf32, #tpu.memory_space<vmem_shared>> -> memref<625x64xf32, #tpu.memory_space<vmem_shared>>
      %dma_start3A_95 = arith.constant 0 : i32
      %dma_start3A_96 = tpu.memref_slice %arg4[%mul3A_2, %dma_start3A_95] : memref<10000x64xf32, #tpu.memory_space<hbm>> -> memref<625x64xf32, #tpu.memory_space<hbm>>
      tpu.enqueue_dma source(%dma_start3A_96 : memref<625x64xf32, #tpu.memory_space<hbm>>) target(%dma_start3A_94 : memref<625x64xf32, #tpu.memory_space<vmem_shared>>) target_semaphore(%run_scoped3A : memref<!tpu.dma_semaphore, #tpu.memory_space<semaphore_mem>>)
      %dma_wait3A_97 = arith.constant 0 : i32
      %dma_wait3A_98 = tpu.memref_slice %arg7[%add3A_3, %dma_wait3A_97] : memref<20112x64xf32, #tpu.memory_space<vmem_shared>> -> memref<625x64xf32, #tpu.memory_space<vmem_shared>>
      %dma_wait3A_99 = arith.constant 0 : i32
      %dma_wait3A_100 = tpu.memref_slice %arg4[%mul3A_2, %dma_wait3A_99] : memref<10000x64xf32, #tpu.memory_space<hbm>> -> memref<625x64xf32, #tpu.memory_space<hbm>>
      tpu.wait_dma2 semaphore(%run_scoped3A : memref<!tpu.dma_semaphore, #tpu.memory_space<semaphore_mem>>) src(%dma_wait3A_100 : memref<625x64xf32, #tpu.memory_space<hbm>>) dst(%dma_wait3A_98 : memref<625x64xf32, #tpu.memory_space<vmem_shared>>)
      tpu.yield
    }) : () -> ()
    %mul3A_4 = arith.constant 16 : i32
    %mul3A_5 = arith.muli %arg0, %mul3A_4 : i32
    %add3A_6 = arith.addi %mul3A_5, %arg1 : i32
    %mul3A_7 = arith.constant 80 : i32
    %mul3A_8 = arith.muli %add3A_6, %mul3A_7 : i32
    %barrier3A = arith.constant 0 : index
    tpu.barrier barrier_id(%barrier3A)
    %add3A_9 = arith.constant 0 : i32
    %add3A_10 = arith.addi %mul3A_8, %add3A_9 : i32
    %rem3A = arith.constant 0 : i32
    %rem3A_11 = arith.constant 2 : i32
    %rem3A_12 = arith.remsi %rem3A, %rem3A_11 : i32
    "tpu.region"() ({
      %run_scoped3A = tpu.sem_alloc : memref<!tpu.dma_semaphore, #tpu.memory_space<semaphore_mem>>
      %dma_start3A_93 = arith.constant 0 : i32
      %dma_start3A_94 = arith.constant 0 : i32
      %dma_start3A_95 = tpu.memref_slice %arg8[%rem3A_12, %dma_start3A_93, %dma_start3A_94] : memref<2x20x128xi32, #tpu.memory_space<vmem>> -> memref<1x20x128xi32, #tpu.memory_space<vmem>>
      %dma_start3A_96 = tpu.memref_squeeze %dma_start3A_95 : memref<1x20x128xi32, #tpu.memory_space<vmem>> -> memref<20x128xi32, #tpu.memory_space<vmem>>
      %dma_start3A_97 = arith.constant 0 : i32
      %dma_start3A_98 = tpu.memref_slice %arg2[%add3A_10, %dma_start3A_97] : memref<2560x128xi32, #tpu.memory_space<hbm>> -> memref<20x128xi32, #tpu.memory_space<hbm>>
      %dma_start3A_99 = arith.constant 0 : i32
      %dma_start3A_100 = arith.constant 0 : i32
      %dma_start3A_101 = tpu.memref_slice %arg8[%rem3A_12, %dma_start3A_99, %dma_start3A_100] : memref<2x20x128xi32, #tpu.memory_space<vmem>> -> memref<1x20x128xi32, #tpu.memory_space<vmem>>
      %dma_start3A_102 = tpu.memref_squeeze %dma_start3A_101 : memref<1x20x128xi32, #tpu.memory_space<vmem>> -> memref<20x128xi32, #tpu.memory_space<vmem>>
      %dma_start3A_103 = arith.constant 0 : i32
      %dma_start3A_104 = tpu.memref_slice %arg2[%add3A_10, %dma_start3A_103] : memref<2560x128xi32, #tpu.memory_space<hbm>> -> memref<20x128xi32, #tpu.memory_space<hbm>>
      tpu.enqueue_dma source(%dma_start3A_104 : memref<20x128xi32, #tpu.memory_space<hbm>>) target(%dma_start3A_102 : memref<20x128xi32, #tpu.memory_space<vmem>>) target_semaphore(%run_scoped3A : memref<!tpu.dma_semaphore, #tpu.memory_space<semaphore_mem>>)
      %dma_wait3A_105 = arith.constant 0 : i32
      %dma_wait3A_106 = arith.constant 0 : i32
      %dma_wait3A_107 = tpu.memref_slice %arg8[%rem3A_12, %dma_wait3A_105, %dma_wait3A_106] : memref<2x20x128xi32, #tpu.memory_space<vmem>> -> memref<1x20x128xi32, #tpu.memory_space<vmem>>
      %dma_wait3A_108 = tpu.memref_squeeze %dma_wait3A_107 : memref<1x20x128xi32, #tpu.memory_space<vmem>> -> memref<20x128xi32, #tpu.memory_space<vmem>>
      %dma_wait3A_109 = arith.constant 0 : i32
      %dma_wait3A_110 = tpu.memref_slice %arg2[%add3A_10, %dma_wait3A_109] : memref<2560x128xi32, #tpu.memory_space<hbm>> -> memref<20x128xi32, #tpu.memory_space<hbm>>
      %dma_wait3A_111 = arith.constant 0 : i32
      %dma_wait3A_112 = arith.constant 0 : i32
      %dma_wait3A_113 = tpu.memref_slice %arg8[%rem3A_12, %dma_wait3A_111, %dma_wait3A_112] : memref<2x20x128xi32, #tpu.memory_space<vmem>> -> memref<1x20x128xi32, #tpu.memory_space<vmem>>
      %dma_wait3A_114 = tpu.memref_squeeze %dma_wait3A_113 : memref<1x20x128xi32, #tpu.memory_space<vmem>> -> memref<20x128xi32, #tpu.memory_space<vmem>>
      %dma_wait3A_115 = arith.constant 0 : i32
      %dma_wait3A_116 = tpu.memref_slice %arg2[%add3A_10, %dma_wait3A_115] : memref<2560x128xi32, #tpu.memory_space<hbm>> -> memref<20x128xi32, #tpu.memory_space<hbm>>
      tpu.wait_dma2 semaphore(%run_scoped3A : memref<!tpu.dma_semaphore, #tpu.memory_space<semaphore_mem>>) src(%dma_wait3A_116 : memref<20x128xi32, #tpu.memory_space<hbm>>) dst(%dma_wait3A_114 : memref<20x128xi32, #tpu.memory_space<vmem>>)
      tpu.yield
    }) : () -> ()
    "tpu.region"() ({
      %run_scoped3A = tpu.sem_alloc : memref<!tpu.dma_semaphore, #tpu.memory_space<semaphore_mem>>
      %dma_start3A_93 = arith.constant 0 : i32
      %dma_start3A_94 = arith.constant 0 : i32
      %dma_start3A_95 = tpu.memref_slice %arg9[%rem3A_12, %dma_start3A_93, %dma_start3A_94] : memref<2x20x128xi32, #tpu.memory_space<vmem>> -> memref<1x20x128xi32, #tpu.memory_space<vmem>>
      %dma_start3A_96 = tpu.memref_squeeze %dma_start3A_95 : memref<1x20x128xi32, #tpu.memory_space<vmem>> -> memref<20x128xi32, #tpu.memory_space<vmem>>
      %dma_start3A_97 = arith.constant 0 : i32
      %dma_start3A_98 = tpu.memref_slice %arg3[%add3A_10, %dma_start3A_97] : memref<2560x128xi32, #tpu.memory_space<hbm>> -> memref<20x128xi32, #tpu.memory_space<hbm>>
      %dma_start3A_99 = arith.constant 0 : i32
      %dma_start3A_100 = arith.constant 0 : i32
      %dma_start3A_101 = tpu.memref_slice %arg9[%rem3A_12, %dma_start3A_99, %dma_start3A_100] : memref<2x20x128xi32, #tpu.memory_space<vmem>> -> memref<1x20x128xi32, #tpu.memory_space<vmem>>
      %dma_start3A_102 = tpu.memref_squeeze %dma_start3A_101 : memref<1x20x128xi32, #tpu.memory_space<vmem>> -> memref<20x128xi32, #tpu.memory_space<vmem>>
      %dma_start3A_103 = arith.constant 0 : i32
      %dma_start3A_104 = tpu.memref_slice %arg3[%add3A_10, %dma_start3A_103] : memref<2560x128xi32, #tpu.memory_space<hbm>> -> memref<20x128xi32, #tpu.memory_space<hbm>>
      tpu.enqueue_dma source(%dma_start3A_104 : memref<20x128xi32, #tpu.memory_space<hbm>>) target(%dma_start3A_102 : memref<20x128xi32, #tpu.memory_space<vmem>>) target_semaphore(%run_scoped3A : memref<!tpu.dma_semaphore, #tpu.memory_space<semaphore_mem>>)
      %dma_wait3A_105 = arith.constant 0 : i32
      %dma_wait3A_106 = arith.constant 0 : i32
      %dma_wait3A_107 = tpu.memref_slice %arg9[%rem3A_12, %dma_wait3A_105, %dma_wait3A_106] : memref<2x20x128xi32, #tpu.memory_space<vmem>> -> memref<1x20x128xi32, #tpu.memory_space<vmem>>
      %dma_wait3A_108 = tpu.memref_squeeze %dma_wait3A_107 : memref<1x20x128xi32, #tpu.memory_space<vmem>> -> memref<20x128xi32, #tpu.memory_space<vmem>>
      %dma_wait3A_109 = arith.constant 0 : i32
      %dma_wait3A_110 = tpu.memref_slice %arg3[%add3A_10, %dma_wait3A_109] : memref<2560x128xi32, #tpu.memory_space<hbm>> -> memref<20x128xi32, #tpu.memory_space<hbm>>
      %dma_wait3A_111 = arith.constant 0 : i32
      %dma_wait3A_112 = arith.constant 0 : i32
      %dma_wait3A_113 = tpu.memref_slice %arg9[%rem3A_12, %dma_wait3A_111, %dma_wait3A_112] : memref<2x20x128xi32, #tpu.memory_space<vmem>> -> memref<1x20x128xi32, #tpu.memory_space<vmem>>
      %dma_wait3A_114 = tpu.memref_squeeze %dma_wait3A_113 : memref<1x20x128xi32, #tpu.memory_space<vmem>> -> memref<20x128xi32, #tpu.memory_space<vmem>>
      %dma_wait3A_115 = arith.constant 0 : i32
      %dma_wait3A_116 = tpu.memref_slice %arg3[%add3A_10, %dma_wait3A_115] : memref<2560x128xi32, #tpu.memory_space<hbm>> -> memref<20x128xi32, #tpu.memory_space<hbm>>
      tpu.wait_dma2 semaphore(%run_scoped3A : memref<!tpu.dma_semaphore, #tpu.memory_space<semaphore_mem>>) src(%dma_wait3A_116 : memref<20x128xi32, #tpu.memory_space<hbm>>) dst(%dma_wait3A_114 : memref<20x128xi32, #tpu.memory_space<vmem>>)
      tpu.yield
    }) : () -> ()
    %rem3A_13 = arith.constant 0 : i32
    %rem3A_14 = arith.constant 2 : i32
    %rem3A_15 = arith.remsi %rem3A_13, %rem3A_14 : i32
    %rem3A_16 = arith.constant 0 : i32
    %rem3A_17 = arith.constant 20 : i32
    %rem3A_18 = arith.remsi %rem3A_16, %rem3A_17 : i32
    %rem3A_19 = arith.constant 0 : i32
    %rem3A_20 = arith.constant 4 : i32
    %rem3A_21 = arith.remsi %rem3A_19, %rem3A_20 : i32
    %dma_start3A = arith.constant 0 : i32
    %dma_start3A_22 = arith.constant 0 : i32
    %dma_start3A_23 = tpu.memref_slice %arg10[%rem3A_21, %dma_start3A, %dma_start3A_22] : memref<4x128x64xf32, #tpu.memory_space<vmem>> -> memref<1x128x64xf32, #tpu.memory_space<vmem>>
    %dma_start3A_24 = tpu.memref_squeeze %dma_start3A_23 : memref<1x128x64xf32, #tpu.memory_space<vmem>> -> memref<128x64xf32, #tpu.memory_space<vmem>>
    %dma_start3A_25 = arith.constant 0 : i32
    %dma_start3A_26 = tpu.memref_slice %arg8[%rem3A_15, %rem3A_18, %dma_start3A_25] : memref<2x20x128xi32, #tpu.memory_space<vmem>> -> memref<1x1x128xi32, #tpu.memory_space<vmem>>
    %dma_start3A_27 = tpu.memref_squeeze %dma_start3A_26 : memref<1x1x128xi32, #tpu.memory_space<vmem>> -> memref<128xi32, #tpu.memory_space<vmem>>
    %dma_start3A_28 = arith.constant 0 : i32
    %dma_start3A_29 = arith.constant 0 : i32
    %dma_start3A_30 = tpu.memref_slice %arg7[%dma_start3A_28, %dma_start3A_29] : memref<20112x64xf32, #tpu.memory_space<vmem_shared>> -> memref<20112x64xf32, #tpu.memory_space<vmem_shared>>
    tpu.enqueue_indirect_dma source(%dma_start3A_30 : memref<20112x64xf32, #tpu.memory_space<vmem_shared>>) target(%dma_start3A_24 : memref<128x64xf32, #tpu.memory_space<vmem>>) offsets(%dma_start3A_27 : memref<128xi32, #tpu.memory_space<vmem>>) semaphore(%arg11 : memref<!tpu.dma_semaphore, #tpu.memory_space<semaphore_mem>>)
    %rem3A_31 = arith.constant 0 : i32
    %rem3A_32 = arith.constant 2 : i32
    %rem3A_33 = arith.remsi %rem3A_31, %rem3A_32 : i32
    %rem3A_34 = arith.constant 1 : i32
    %rem3A_35 = arith.constant 20 : i32
    %rem3A_36 = arith.remsi %rem3A_34, %rem3A_35 : i32
    %rem3A_37 = arith.constant 1 : i32
    %rem3A_38 = arith.constant 4 : i32
    %rem3A_39 = arith.remsi %rem3A_37, %rem3A_38 : i32
    %dma_start3A_40 = arith.constant 0 : i32
    %dma_start3A_41 = arith.constant 0 : i32
    %dma_start3A_42 = tpu.memref_slice %arg10[%rem3A_39, %dma_start3A_40, %dma_start3A_41] : memref<4x128x64xf32, #tpu.memory_space<vmem>> -> memref<1x128x64xf32, #tpu.memory_space<vmem>>
    %dma_start3A_43 = tpu.memref_squeeze %dma_start3A_42 : memref<1x128x64xf32, #tpu.memory_space<vmem>> -> memref<128x64xf32, #tpu.memory_space<vmem>>
    %dma_start3A_44 = arith.constant 0 : i32
    %dma_start3A_45 = tpu.memref_slice %arg8[%rem3A_33, %rem3A_36, %dma_start3A_44] : memref<2x20x128xi32, #tpu.memory_space<vmem>> -> memref<1x1x128xi32, #tpu.memory_space<vmem>>
    %dma_start3A_46 = tpu.memref_squeeze %dma_start3A_45 : memref<1x1x128xi32, #tpu.memory_space<vmem>> -> memref<128xi32, #tpu.memory_space<vmem>>
    %dma_start3A_47 = arith.constant 0 : i32
    %dma_start3A_48 = arith.constant 0 : i32
    %dma_start3A_49 = tpu.memref_slice %arg7[%dma_start3A_47, %dma_start3A_48] : memref<20112x64xf32, #tpu.memory_space<vmem_shared>> -> memref<20112x64xf32, #tpu.memory_space<vmem_shared>>
    tpu.enqueue_indirect_dma source(%dma_start3A_49 : memref<20112x64xf32, #tpu.memory_space<vmem_shared>>) target(%dma_start3A_43 : memref<128x64xf32, #tpu.memory_space<vmem>>) offsets(%dma_start3A_46 : memref<128xi32, #tpu.memory_space<vmem>>) semaphore(%arg11 : memref<!tpu.dma_semaphore, #tpu.memory_space<semaphore_mem>>)
    %scan3A = arith.constant 0 : i32
    %scan3A_50 = arith.constant 0 : i32
    %scan3A_51 = arith.constant 80 : i32
    %scan3A_52 = arith.addi %scan3A_50, %scan3A_51 : i32
    %scan3A_53 = arith.constant 1 : i32
    scf.for %scan3A_93 = %scan3A_50 to %scan3A_52 step %scan3A_53  : i32 {
      %ge3A = arith.constant 2 : i32
      %ge3A_94 = arith.cmpi sge, %scan3A_93, %ge3A : i32
      %convert_element_type3A = arith.extui %ge3A_94 : i1 to i32
      %cond3A = arith.constant 0 : i32
      %cond3A_95 = arith.cmpi ne, %convert_element_type3A, %cond3A : i32
      scf.if %cond3A_95 {
        %sub3A_175 = arith.constant 2 : i32
        %sub3A_176 = arith.subi %scan3A_93, %sub3A_175 : i32
        %rem3A_177 = arith.constant 4 : i32
        %rem3A_178 = arith.remsi %sub3A_176, %rem3A_177 : i32
        %jit3A_179 = arith.constant 20 : i32
        %div3A_180 = arith.divsi %sub3A_176, %jit3A_179 : i32
        %sign3A_181 = arith.constant 0 : i32
        %sign3A_182 = arith.cmpi sgt, %sub3A_176, %sign3A_181 : i32
        %sign3A_183 = arith.extui %sign3A_182 : i1 to i32
        %sign3A_184 = arith.constant 0 : i32
        %sign3A_185 = arith.cmpi slt, %sub3A_176, %sign3A_184 : i32
        %sign3A_186 = arith.extui %sign3A_185 : i1 to i32
        %sign3A_187 = arith.subi %sign3A_183, %sign3A_186 : i32
        %sign3A_188 = arith.constant 0 : i32
        %sign3A_189 = arith.cmpi sgt, %jit3A_179, %sign3A_188 : i32
        %sign3A_190 = arith.extui %sign3A_189 : i1 to i32
        %sign3A_191 = arith.constant 0 : i32
        %sign3A_192 = arith.cmpi slt, %jit3A_179, %sign3A_191 : i32
        %sign3A_193 = arith.extui %sign3A_192 : i1 to i32
        %sign3A_194 = arith.subi %sign3A_190, %sign3A_193 : i32
        %ne3A_195 = arith.cmpi ne, %sign3A_187, %sign3A_194 : i32
        %rem3A_196 = arith.remsi %sub3A_176, %jit3A_179 : i32
        %ne3A_197 = arith.constant 0 : i32
        %ne3A_198 = arith.cmpi ne, %rem3A_196, %ne3A_197 : i32
        %and3A_199 = arith.andi %ne3A_195, %ne3A_198 : i1
        %sub3A_200 = arith.constant 1 : i32
        %sub3A_201 = arith.subi %div3A_180, %sub3A_200 : i32
        %select_n3A_202 = arith.select %and3A_199, %sub3A_201, %div3A_180 : i32
        %rem3A_203 = arith.constant 2 : i32
        %rem3A_204 = arith.remsi %select_n3A_202, %rem3A_203 : i32
        %rem3A_205 = arith.constant 20 : i32
        %rem3A_206 = arith.remsi %sub3A_176, %rem3A_205 : i32
        %dma_wait3A_207 = arith.constant 0 : i32
        %dma_wait3A_208 = arith.constant 0 : i32
        %dma_wait3A_209 = tpu.memref_slice %arg10[%rem3A_178, %dma_wait3A_207, %dma_wait3A_208] : memref<4x128x64xf32, #tpu.memory_space<vmem>> -> memref<1x128x64xf32, #tpu.memory_space<vmem>>
        %dma_wait3A_210 = tpu.memref_squeeze %dma_wait3A_209 : memref<1x128x64xf32, #tpu.memory_space<vmem>> -> memref<128x64xf32, #tpu.memory_space<vmem>>
        %dma_wait3A_211 = arith.constant 0 : i32
        %dma_wait3A_212 = tpu.memref_slice %arg9[%rem3A_204, %rem3A_206, %dma_wait3A_211] : memref<2x20x128xi32, #tpu.memory_space<vmem>> -> memref<1x1x128xi32, #tpu.memory_space<vmem>>
        %dma_wait3A_213 = tpu.memref_squeeze %dma_wait3A_212 : memref<1x1x128xi32, #tpu.memory_space<vmem>> -> memref<128xi32, #tpu.memory_space<vmem>>
        %dma_wait3A_214 = arith.constant 0 : i32
        %dma_wait3A_215 = arith.constant 0 : i32
        %dma_wait3A_216 = tpu.memref_slice %arg7[%dma_wait3A_214, %dma_wait3A_215] : memref<20112x64xf32, #tpu.memory_space<vmem_shared>> -> memref<20112x64xf32, #tpu.memory_space<vmem_shared>>
        tpu.wait_indirect_dma semaphore(%arg12 : memref<!tpu.dma_semaphore, #tpu.memory_space<semaphore_mem>>) src(%dma_wait3A_210 : memref<128x64xf32, #tpu.memory_space<vmem>>) dst(%dma_wait3A_216 : memref<20112x64xf32, #tpu.memory_space<vmem_shared>>)
      } else {
      }
      %add3A_96 = arith.constant 2 : i32
      %add3A_97 = arith.addi %scan3A_93, %add3A_96 : i32
      %lt3A = arith.constant 80 : i32
      %lt3A_98 = arith.cmpi slt, %add3A_97, %lt3A : i32
      %convert_element_type3A_99 = arith.extui %lt3A_98 : i1 to i32
      %cond3A_100 = arith.constant 0 : i32
      %cond3A_101 = arith.cmpi ne, %convert_element_type3A_99, %cond3A_100 : i32
      scf.if %cond3A_101 {
        %rem3A_175 = arith.constant 20 : i32
        %rem3A_176 = arith.remsi %add3A_97, %rem3A_175 : i32
        %eq3A = arith.constant 0 : i32
        %eq3A_177 = arith.cmpi eq, %rem3A_176, %eq3A : i32
        %convert_element_type3A_178 = arith.extui %eq3A_177 : i1 to i32
        %cond3A_179 = arith.constant 0 : i32
        %cond3A_180 = arith.cmpi ne, %convert_element_type3A_178, %cond3A_179 : i32
        scf.if %cond3A_180 {
          %jit3A_221 = arith.constant 20 : i32
          %div3A_222 = arith.divsi %add3A_97, %jit3A_221 : i32
          %sign3A_223 = arith.constant 0 : i32
          %sign3A_224 = arith.cmpi sgt, %add3A_97, %sign3A_223 : i32
          %sign3A_225 = arith.extui %sign3A_224 : i1 to i32
          %sign3A_226 = arith.constant 0 : i32
          %sign3A_227 = arith.cmpi slt, %add3A_97, %sign3A_226 : i32
          %sign3A_228 = arith.extui %sign3A_227 : i1 to i32
          %sign3A_229 = arith.subi %sign3A_225, %sign3A_228 : i32
          %sign3A_230 = arith.constant 0 : i32
          %sign3A_231 = arith.cmpi sgt, %jit3A_221, %sign3A_230 : i32
          %sign3A_232 = arith.extui %sign3A_231 : i1 to i32
          %sign3A_233 = arith.constant 0 : i32
          %sign3A_234 = arith.cmpi slt, %jit3A_221, %sign3A_233 : i32
          %sign3A_235 = arith.extui %sign3A_234 : i1 to i32
          %sign3A_236 = arith.subi %sign3A_232, %sign3A_235 : i32
          %ne3A_237 = arith.cmpi ne, %sign3A_229, %sign3A_236 : i32
          %rem3A_238 = arith.remsi %add3A_97, %jit3A_221 : i32
          %ne3A_239 = arith.constant 0 : i32
          %ne3A_240 = arith.cmpi ne, %rem3A_238, %ne3A_239 : i32
          %and3A_241 = arith.andi %ne3A_237, %ne3A_240 : i1
          %sub3A_242 = arith.constant 1 : i32
          %sub3A_243 = arith.subi %div3A_222, %sub3A_242 : i32
          %select_n3A_244 = arith.select %and3A_241, %sub3A_243, %div3A_222 : i32
          %mul3A_245 = arith.constant 20 : i32
          %mul3A_246 = arith.muli %select_n3A_244, %mul3A_245 : i32
          %add3A_247 = arith.addi %mul3A_8, %mul3A_246 : i32
          %rem3A_248 = arith.constant 2 : i32
          %rem3A_249 = arith.remsi %select_n3A_244, %rem3A_248 : i32
          "tpu.region"() ({
            %run_scoped3A = tpu.sem_alloc : memref<!tpu.dma_semaphore, #tpu.memory_space<semaphore_mem>>
            %dma_start3A_250 = arith.constant 0 : i32
            %dma_start3A_251 = arith.constant 0 : i32
            %dma_start3A_252 = tpu.memref_slice %arg8[%rem3A_249, %dma_start3A_250, %dma_start3A_251] : memref<2x20x128xi32, #tpu.memory_space<vmem>> -> memref<1x20x128xi32, #tpu.memory_space<vmem>>
            %dma_start3A_253 = tpu.memref_squeeze %dma_start3A_252 : memref<1x20x128xi32, #tpu.memory_space<vmem>> -> memref<20x128xi32, #tpu.memory_space<vmem>>
            %dma_start3A_254 = arith.constant 0 : i32
            %dma_start3A_255 = tpu.memref_slice %arg2[%add3A_247, %dma_start3A_254] : memref<2560x128xi32, #tpu.memory_space<hbm>> -> memref<20x128xi32, #tpu.memory_space<hbm>>
            %dma_start3A_256 = arith.constant 0 : i32
            %dma_start3A_257 = arith.constant 0 : i32
            %dma_start3A_258 = tpu.memref_slice %arg8[%rem3A_249, %dma_start3A_256, %dma_start3A_257] : memref<2x20x128xi32, #tpu.memory_space<vmem>> -> memref<1x20x128xi32, #tpu.memory_space<vmem>>
            %dma_start3A_259 = tpu.memref_squeeze %dma_start3A_258 : memref<1x20x128xi32, #tpu.memory_space<vmem>> -> memref<20x128xi32, #tpu.memory_space<vmem>>
            %dma_start3A_260 = arith.constant 0 : i32
            %dma_start3A_261 = tpu.memref_slice %arg2[%add3A_247, %dma_start3A_260] : memref<2560x128xi32, #tpu.memory_space<hbm>> -> memref<20x128xi32, #tpu.memory_space<hbm>>
            tpu.enqueue_dma source(%dma_start3A_261 : memref<20x128xi32, #tpu.memory_space<hbm>>) target(%dma_start3A_259 : memref<20x128xi32, #tpu.memory_space<vmem>>) target_semaphore(%run_scoped3A : memref<!tpu.dma_semaphore, #tpu.memory_space<semaphore_mem>>)
            %dma_wait3A_262 = arith.constant 0 : i32
            %dma_wait3A_263 = arith.constant 0 : i32
            %dma_wait3A_264 = tpu.memref_slice %arg8[%rem3A_249, %dma_wait3A_262, %dma_wait3A_263] : memref<2x20x128xi32, #tpu.memory_space<vmem>> -> memref<1x20x128xi32, #tpu.memory_space<vmem>>
            %dma_wait3A_265 = tpu.memref_squeeze %dma_wait3A_264 : memref<1x20x128xi32, #tpu.memory_space<vmem>> -> memref<20x128xi32, #tpu.memory_space<vmem>>
            %dma_wait3A_266 = arith.constant 0 : i32
            %dma_wait3A_267 = tpu.memref_slice %arg2[%add3A_247, %dma_wait3A_266] : memref<2560x128xi32, #tpu.memory_space<hbm>> -> memref<20x128xi32, #tpu.memory_space<hbm>>
            %dma_wait3A_268 = arith.constant 0 : i32
            %dma_wait3A_269 = arith.constant 0 : i32
            %dma_wait3A_270 = tpu.memref_slice %arg8[%rem3A_249, %dma_wait3A_268, %dma_wait3A_269] : memref<2x20x128xi32, #tpu.memory_space<vmem>> -> memref<1x20x128xi32, #tpu.memory_space<vmem>>
            %dma_wait3A_271 = tpu.memref_squeeze %dma_wait3A_270 : memref<1x20x128xi32, #tpu.memory_space<vmem>> -> memref<20x128xi32, #tpu.memory_space<vmem>>
            %dma_wait3A_272 = arith.constant 0 : i32
            %dma_wait3A_273 = tpu.memref_slice %arg2[%add3A_247, %dma_wait3A_272] : memref<2560x128xi32, #tpu.memory_space<hbm>> -> memref<20x128xi32, #tpu.memory_space<hbm>>
            tpu.wait_dma2 semaphore(%run_scoped3A : memref<!tpu.dma_semaphore, #tpu.memory_space<semaphore_mem>>) src(%dma_wait3A_273 : memref<20x128xi32, #tpu.memory_space<hbm>>) dst(%dma_wait3A_271 : memref<20x128xi32, #tpu.memory_space<vmem>>)
            tpu.yield
          }) : () -> ()
          "tpu.region"() ({
            %run_scoped3A = tpu.sem_alloc : memref<!tpu.dma_semaphore, #tpu.memory_space<semaphore_mem>>
            %dma_start3A_250 = arith.constant 0 : i32
            %dma_start3A_251 = arith.constant 0 : i32
            %dma_start3A_252 = tpu.memref_slice %arg9[%rem3A_249, %dma_start3A_250, %dma_start3A_251] : memref<2x20x128xi32, #tpu.memory_space<vmem>> -> memref<1x20x128xi32, #tpu.memory_space<vmem>>
            %dma_start3A_253 = tpu.memref_squeeze %dma_start3A_252 : memref<1x20x128xi32, #tpu.memory_space<vmem>> -> memref<20x128xi32, #tpu.memory_space<vmem>>
            %dma_start3A_254 = arith.constant 0 : i32
            %dma_start3A_255 = tpu.memref_slice %arg3[%add3A_247, %dma_start3A_254] : memref<2560x128xi32, #tpu.memory_space<hbm>> -> memref<20x128xi32, #tpu.memory_space<hbm>>
            %dma_start3A_256 = arith.constant 0 : i32
            %dma_start3A_257 = arith.constant 0 : i32
            %dma_start3A_258 = tpu.memref_slice %arg9[%rem3A_249, %dma_start3A_256, %dma_start3A_257] : memref<2x20x128xi32, #tpu.memory_space<vmem>> -> memref<1x20x128xi32, #tpu.memory_space<vmem>>
            %dma_start3A_259 = tpu.memref_squeeze %dma_start3A_258 : memref<1x20x128xi32, #tpu.memory_space<vmem>> -> memref<20x128xi32, #tpu.memory_space<vmem>>
            %dma_start3A_260 = arith.constant 0 : i32
            %dma_start3A_261 = tpu.memref_slice %arg3[%add3A_247, %dma_start3A_260] : memref<2560x128xi32, #tpu.memory_space<hbm>> -> memref<20x128xi32, #tpu.memory_space<hbm>>
            tpu.enqueue_dma source(%dma_start3A_261 : memref<20x128xi32, #tpu.memory_space<hbm>>) target(%dma_start3A_259 : memref<20x128xi32, #tpu.memory_space<vmem>>) target_semaphore(%run_scoped3A : memref<!tpu.dma_semaphore, #tpu.memory_space<semaphore_mem>>)
            %dma_wait3A_262 = arith.constant 0 : i32
            %dma_wait3A_263 = arith.constant 0 : i32
            %dma_wait3A_264 = tpu.memref_slice %arg9[%rem3A_249, %dma_wait3A_262, %dma_wait3A_263] : memref<2x20x128xi32, #tpu.memory_space<vmem>> -> memref<1x20x128xi32, #tpu.memory_space<vmem>>
            %dma_wait3A_265 = tpu.memref_squeeze %dma_wait3A_264 : memref<1x20x128xi32, #tpu.memory_space<vmem>> -> memref<20x128xi32, #tpu.memory_space<vmem>>
            %dma_wait3A_266 = arith.constant 0 : i32
            %dma_wait3A_267 = tpu.memref_slice %arg3[%add3A_247, %dma_wait3A_266] : memref<2560x128xi32, #tpu.memory_space<hbm>> -> memref<20x128xi32, #tpu.memory_space<hbm>>
            %dma_wait3A_268 = arith.constant 0 : i32
            %dma_wait3A_269 = arith.constant 0 : i32
            %dma_wait3A_270 = tpu.memref_slice %arg9[%rem3A_249, %dma_wait3A_268, %dma_wait3A_269] : memref<2x20x128xi32, #tpu.memory_space<vmem>> -> memref<1x20x128xi32, #tpu.memory_space<vmem>>
            %dma_wait3A_271 = tpu.memref_squeeze %dma_wait3A_270 : memref<1x20x128xi32, #tpu.memory_space<vmem>> -> memref<20x128xi32, #tpu.memory_space<vmem>>
            %dma_wait3A_272 = arith.constant 0 : i32
            %dma_wait3A_273 = tpu.memref_slice %arg3[%add3A_247, %dma_wait3A_272] : memref<2560x128xi32, #tpu.memory_space<hbm>> -> memref<20x128xi32, #tpu.memory_space<hbm>>
            tpu.wait_dma2 semaphore(%run_scoped3A : memref<!tpu.dma_semaphore, #tpu.memory_space<semaphore_mem>>) src(%dma_wait3A_273 : memref<20x128xi32, #tpu.memory_space<hbm>>) dst(%dma_wait3A_271 : memref<20x128xi32, #tpu.memory_space<vmem>>)
            tpu.yield
          }) : () -> ()
        } else {
        }
        %jit3A_181 = arith.constant 20 : i32
        %div3A_182 = arith.divsi %add3A_97, %jit3A_181 : i32
        %sign3A_183 = arith.constant 0 : i32
        %sign3A_184 = arith.cmpi sgt, %add3A_97, %sign3A_183 : i32
        %sign3A_185 = arith.extui %sign3A_184 : i1 to i32
        %sign3A_186 = arith.constant 0 : i32
        %sign3A_187 = arith.cmpi slt, %add3A_97, %sign3A_186 : i32
        %sign3A_188 = arith.extui %sign3A_187 : i1 to i32
        %sign3A_189 = arith.subi %sign3A_185, %sign3A_188 : i32
        %sign3A_190 = arith.constant 0 : i32
        %sign3A_191 = arith.cmpi sgt, %jit3A_181, %sign3A_190 : i32
        %sign3A_192 = arith.extui %sign3A_191 : i1 to i32
        %sign3A_193 = arith.constant 0 : i32
        %sign3A_194 = arith.cmpi slt, %jit3A_181, %sign3A_193 : i32
        %sign3A_195 = arith.extui %sign3A_194 : i1 to i32
        %sign3A_196 = arith.subi %sign3A_192, %sign3A_195 : i32
        %ne3A_197 = arith.cmpi ne, %sign3A_189, %sign3A_196 : i32
        %rem3A_198 = arith.remsi %add3A_97, %jit3A_181 : i32
        %ne3A_199 = arith.constant 0 : i32
        %ne3A_200 = arith.cmpi ne, %rem3A_198, %ne3A_199 : i32
        %and3A_201 = arith.andi %ne3A_197, %ne3A_200 : i1
        %sub3A_202 = arith.constant 1 : i32
        %sub3A_203 = arith.subi %div3A_182, %sub3A_202 : i32
        %select_n3A_204 = arith.select %and3A_201, %sub3A_203, %div3A_182 : i32
        %rem3A_205 = arith.constant 2 : i32
        %rem3A_206 = arith.remsi %select_n3A_204, %rem3A_205 : i32
        %rem3A_207 = arith.constant 20 : i32
        %rem3A_208 = arith.remsi %add3A_97, %rem3A_207 : i32
        %rem3A_209 = arith.constant 4 : i32
        %rem3A_210 = arith.remsi %add3A_97, %rem3A_209 : i32
        %dma_start3A_211 = arith.constant 0 : i32
        %dma_start3A_212 = arith.constant 0 : i32
        %dma_start3A_213 = tpu.memref_slice %arg10[%rem3A_210, %dma_start3A_211, %dma_start3A_212] : memref<4x128x64xf32, #tpu.memory_space<vmem>> -> memref<1x128x64xf32, #tpu.memory_space<vmem>>
        %dma_start3A_214 = tpu.memref_squeeze %dma_start3A_213 : memref<1x128x64xf32, #tpu.memory_space<vmem>> -> memref<128x64xf32, #tpu.memory_space<vmem>>
        %dma_start3A_215 = arith.constant 0 : i32
        %dma_start3A_216 = tpu.memref_slice %arg8[%rem3A_206, %rem3A_208, %dma_start3A_215] : memref<2x20x128xi32, #tpu.memory_space<vmem>> -> memref<1x1x128xi32, #tpu.memory_space<vmem>>
        %dma_start3A_217 = tpu.memref_squeeze %dma_start3A_216 : memref<1x1x128xi32, #tpu.memory_space<vmem>> -> memref<128xi32, #tpu.memory_space<vmem>>
        %dma_start3A_218 = arith.constant 0 : i32
        %dma_start3A_219 = arith.constant 0 : i32
        %dma_start3A_220 = tpu.memref_slice %arg7[%dma_start3A_218, %dma_start3A_219] : memref<20112x64xf32, #tpu.memory_space<vmem_shared>> -> memref<20112x64xf32, #tpu.memory_space<vmem_shared>>
        tpu.enqueue_indirect_dma source(%dma_start3A_220 : memref<20112x64xf32, #tpu.memory_space<vmem_shared>>) target(%dma_start3A_214 : memref<128x64xf32, #tpu.memory_space<vmem>>) offsets(%dma_start3A_217 : memref<128xi32, #tpu.memory_space<vmem>>) semaphore(%arg11 : memref<!tpu.dma_semaphore, #tpu.memory_space<semaphore_mem>>)
      } else {
      }
      %jit3A = arith.constant 20 : i32
      %div3A = arith.divsi %scan3A_93, %jit3A : i32
      %sign3A = arith.constant 0 : i32
      %sign3A_102 = arith.cmpi sgt, %scan3A_93, %sign3A : i32
      %sign3A_103 = arith.extui %sign3A_102 : i1 to i32
      %sign3A_104 = arith.constant 0 : i32
      %sign3A_105 = arith.cmpi slt, %scan3A_93, %sign3A_104 : i32
      %sign3A_106 = arith.extui %sign3A_105 : i1 to i32
      %sign3A_107 = arith.subi %sign3A_103, %sign3A_106 : i32
      %sign3A_108 = arith.constant 0 : i32
      %sign3A_109 = arith.cmpi sgt, %jit3A, %sign3A_108 : i32
      %sign3A_110 = arith.extui %sign3A_109 : i1 to i32
      %sign3A_111 = arith.constant 0 : i32
      %sign3A_112 = arith.cmpi slt, %jit3A, %sign3A_111 : i32
      %sign3A_113 = arith.extui %sign3A_112 : i1 to i32
      %sign3A_114 = arith.subi %sign3A_110, %sign3A_113 : i32
      %ne3A = arith.cmpi ne, %sign3A_107, %sign3A_114 : i32
      %rem3A_115 = arith.remsi %scan3A_93, %jit3A : i32
      %ne3A_116 = arith.constant 0 : i32
      %ne3A_117 = arith.cmpi ne, %rem3A_115, %ne3A_116 : i32
      %and3A = arith.andi %ne3A, %ne3A_117 : i1
      %sub3A = arith.constant 1 : i32
      %sub3A_118 = arith.subi %div3A, %sub3A : i32
      %select_n3A = arith.select %and3A, %sub3A_118, %div3A : i32
      %rem3A_119 = arith.constant 2 : i32
      %rem3A_120 = arith.remsi %select_n3A, %rem3A_119 : i32
      %rem3A_121 = arith.constant 20 : i32
      %rem3A_122 = arith.remsi %scan3A_93, %rem3A_121 : i32
      %rem3A_123 = arith.constant 4 : i32
      %rem3A_124 = arith.remsi %scan3A_93, %rem3A_123 : i32
      %dma_wait3A_125 = arith.constant 0 : i32
      %dma_wait3A_126 = arith.constant 0 : i32
      %dma_wait3A_127 = tpu.memref_slice %arg10[%rem3A_124, %dma_wait3A_125, %dma_wait3A_126] : memref<4x128x64xf32, #tpu.memory_space<vmem>> -> memref<1x128x64xf32, #tpu.memory_space<vmem>>
      %dma_wait3A_128 = tpu.memref_squeeze %dma_wait3A_127 : memref<1x128x64xf32, #tpu.memory_space<vmem>> -> memref<128x64xf32, #tpu.memory_space<vmem>>
      %dma_wait3A_129 = arith.constant 0 : i32
      %dma_wait3A_130 = tpu.memref_slice %arg8[%rem3A_120, %rem3A_122, %dma_wait3A_129] : memref<2x20x128xi32, #tpu.memory_space<vmem>> -> memref<1x1x128xi32, #tpu.memory_space<vmem>>
      %dma_wait3A_131 = tpu.memref_squeeze %dma_wait3A_130 : memref<1x1x128xi32, #tpu.memory_space<vmem>> -> memref<128xi32, #tpu.memory_space<vmem>>
      %dma_wait3A_132 = arith.constant 0 : i32
      %dma_wait3A_133 = arith.constant 0 : i32
      %dma_wait3A_134 = tpu.memref_slice %arg7[%dma_wait3A_132, %dma_wait3A_133] : memref<20112x64xf32, #tpu.memory_space<vmem_shared>> -> memref<20112x64xf32, #tpu.memory_space<vmem_shared>>
      tpu.wait_indirect_dma semaphore(%arg11 : memref<!tpu.dma_semaphore, #tpu.memory_space<semaphore_mem>>) src(%dma_wait3A_134 : memref<20112x64xf32, #tpu.memory_space<vmem_shared>>) dst(%dma_wait3A_128 : memref<128x64xf32, #tpu.memory_space<vmem>>)
      %rem3A_135 = arith.constant 4 : i32
      %rem3A_136 = arith.remsi %scan3A_93, %rem3A_135 : i32
      %jit3A_137 = arith.constant 20 : i32
      %div3A_138 = arith.divsi %scan3A_93, %jit3A_137 : i32
      %sign3A_139 = arith.constant 0 : i32
      %sign3A_140 = arith.cmpi sgt, %scan3A_93, %sign3A_139 : i32
      %sign3A_141 = arith.extui %sign3A_140 : i1 to i32
      %sign3A_142 = arith.constant 0 : i32
      %sign3A_143 = arith.cmpi slt, %scan3A_93, %sign3A_142 : i32
      %sign3A_144 = arith.extui %sign3A_143 : i1 to i32
      %sign3A_145 = arith.subi %sign3A_141, %sign3A_144 : i32
      %sign3A_146 = arith.constant 0 : i32
      %sign3A_147 = arith.cmpi sgt, %jit3A_137, %sign3A_146 : i32
      %sign3A_148 = arith.extui %sign3A_147 : i1 to i32
      %sign3A_149 = arith.constant 0 : i32
      %sign3A_150 = arith.cmpi slt, %jit3A_137, %sign3A_149 : i32
      %sign3A_151 = arith.extui %sign3A_150 : i1 to i32
      %sign3A_152 = arith.subi %sign3A_148, %sign3A_151 : i32
      %ne3A_153 = arith.cmpi ne, %sign3A_145, %sign3A_152 : i32
      %rem3A_154 = arith.remsi %scan3A_93, %jit3A_137 : i32
      %ne3A_155 = arith.constant 0 : i32
      %ne3A_156 = arith.cmpi ne, %rem3A_154, %ne3A_155 : i32
      %and3A_157 = arith.andi %ne3A_153, %ne3A_156 : i1
      %sub3A_158 = arith.constant 1 : i32
      %sub3A_159 = arith.subi %div3A_138, %sub3A_158 : i32
      %select_n3A_160 = arith.select %and3A_157, %sub3A_159, %div3A_138 : i32
      %rem3A_161 = arith.constant 2 : i32
      %rem3A_162 = arith.remsi %select_n3A_160, %rem3A_161 : i32
      %rem3A_163 = arith.constant 20 : i32
      %rem3A_164 = arith.remsi %scan3A_93, %rem3A_163 : i32
      %dma_start3A_165 = arith.constant 0 : i32
      %dma_start3A_166 = arith.constant 0 : i32
      %dma_start3A_167 = tpu.memref_slice %arg10[%rem3A_136, %dma_start3A_165, %dma_start3A_166] : memref<4x128x64xf32, #tpu.memory_space<vmem>> -> memref<1x128x64xf32, #tpu.memory_space<vmem>>
      %dma_start3A_168 = tpu.memref_squeeze %dma_start3A_167 : memref<1x128x64xf32, #tpu.memory_space<vmem>> -> memref<128x64xf32, #tpu.memory_space<vmem>>
      %dma_start3A_169 = arith.constant 0 : i32
      %dma_start3A_170 = tpu.memref_slice %arg9[%rem3A_162, %rem3A_164, %dma_start3A_169] : memref<2x20x128xi32, #tpu.memory_space<vmem>> -> memref<1x1x128xi32, #tpu.memory_space<vmem>>
      %dma_start3A_171 = tpu.memref_squeeze %dma_start3A_170 : memref<1x1x128xi32, #tpu.memory_space<vmem>> -> memref<128xi32, #tpu.memory_space<vmem>>
      %dma_start3A_172 = arith.constant 0 : i32
      %dma_start3A_173 = arith.constant 0 : i32
      %dma_start3A_174 = tpu.memref_slice %arg7[%dma_start3A_172, %dma_start3A_173] : memref<20112x64xf32, #tpu.memory_space<vmem_shared>> -> memref<20112x64xf32, #tpu.memory_space<vmem_shared>>
      tpu.enqueue_indirect_dma source(%dma_start3A_168 : memref<128x64xf32, #tpu.memory_space<vmem>>) target(%dma_start3A_174 : memref<20112x64xf32, #tpu.memory_space<vmem_shared>>) offsets(%dma_start3A_171 : memref<128xi32, #tpu.memory_space<vmem>>) semaphore(%arg12 : memref<!tpu.dma_semaphore, #tpu.memory_space<semaphore_mem>>) {add = true}
    }
    %scan3A_54 = arith.constant 80 : i32
    %rem3A_55 = arith.constant 78 : i32
    %rem3A_56 = arith.constant 4 : i32
    %rem3A_57 = arith.remsi %rem3A_55, %rem3A_56 : i32
    %rem3A_58 = arith.constant 3 : i32
    %rem3A_59 = arith.constant 2 : i32
    %rem3A_60 = arith.remsi %rem3A_58, %rem3A_59 : i32
    %rem3A_61 = arith.constant 78 : i32
    %rem3A_62 = arith.constant 20 : i32
    %rem3A_63 = arith.remsi %rem3A_61, %rem3A_62 : i32
    %dma_wait3A = arith.constant 0 : i32
    %dma_wait3A_64 = arith.constant 0 : i32
    %dma_wait3A_65 = tpu.memref_slice %arg10[%rem3A_57, %dma_wait3A, %dma_wait3A_64] : memref<4x128x64xf32, #tpu.memory_space<vmem>> -> memref<1x128x64xf32, #tpu.memory_space<vmem>>
    %dma_wait3A_66 = tpu.memref_squeeze %dma_wait3A_65 : memref<1x128x64xf32, #tpu.memory_space<vmem>> -> memref<128x64xf32, #tpu.memory_space<vmem>>
    %dma_wait3A_67 = arith.constant 0 : i32
    %dma_wait3A_68 = tpu.memref_slice %arg9[%rem3A_60, %rem3A_63, %dma_wait3A_67] : memref<2x20x128xi32, #tpu.memory_space<vmem>> -> memref<1x1x128xi32, #tpu.memory_space<vmem>>
    %dma_wait3A_69 = tpu.memref_squeeze %dma_wait3A_68 : memref<1x1x128xi32, #tpu.memory_space<vmem>> -> memref<128xi32, #tpu.memory_space<vmem>>
    %dma_wait3A_70 = arith.constant 0 : i32
    %dma_wait3A_71 = arith.constant 0 : i32
    %dma_wait3A_72 = tpu.memref_slice %arg7[%dma_wait3A_70, %dma_wait3A_71] : memref<20112x64xf32, #tpu.memory_space<vmem_shared>> -> memref<20112x64xf32, #tpu.memory_space<vmem_shared>>
    tpu.wait_indirect_dma semaphore(%arg12 : memref<!tpu.dma_semaphore, #tpu.memory_space<semaphore_mem>>) src(%dma_wait3A_66 : memref<128x64xf32, #tpu.memory_space<vmem>>) dst(%dma_wait3A_72 : memref<20112x64xf32, #tpu.memory_space<vmem_shared>>)
    %rem3A_73 = arith.constant 79 : i32
    %rem3A_74 = arith.constant 4 : i32
    %rem3A_75 = arith.remsi %rem3A_73, %rem3A_74 : i32
    %rem3A_76 = arith.constant 3 : i32
    %rem3A_77 = arith.constant 2 : i32
    %rem3A_78 = arith.remsi %rem3A_76, %rem3A_77 : i32
    %rem3A_79 = arith.constant 79 : i32
    %rem3A_80 = arith.constant 20 : i32
    %rem3A_81 = arith.remsi %rem3A_79, %rem3A_80 : i32
    %dma_wait3A_82 = arith.constant 0 : i32
    %dma_wait3A_83 = arith.constant 0 : i32
    %dma_wait3A_84 = tpu.memref_slice %arg10[%rem3A_75, %dma_wait3A_82, %dma_wait3A_83] : memref<4x128x64xf32, #tpu.memory_space<vmem>> -> memref<1x128x64xf32, #tpu.memory_space<vmem>>
    %dma_wait3A_85 = tpu.memref_squeeze %dma_wait3A_84 : memref<1x128x64xf32, #tpu.memory_space<vmem>> -> memref<128x64xf32, #tpu.memory_space<vmem>>
    %dma_wait3A_86 = arith.constant 0 : i32
    %dma_wait3A_87 = tpu.memref_slice %arg9[%rem3A_78, %rem3A_81, %dma_wait3A_86] : memref<2x20x128xi32, #tpu.memory_space<vmem>> -> memref<1x1x128xi32, #tpu.memory_space<vmem>>
    %dma_wait3A_88 = tpu.memref_squeeze %dma_wait3A_87 : memref<1x1x128xi32, #tpu.memory_space<vmem>> -> memref<128xi32, #tpu.memory_space<vmem>>
    %dma_wait3A_89 = arith.constant 0 : i32
    %dma_wait3A_90 = arith.constant 0 : i32
    %dma_wait3A_91 = tpu.memref_slice %arg7[%dma_wait3A_89, %dma_wait3A_90] : memref<20112x64xf32, #tpu.memory_space<vmem_shared>> -> memref<20112x64xf32, #tpu.memory_space<vmem_shared>>
    tpu.wait_indirect_dma semaphore(%arg12 : memref<!tpu.dma_semaphore, #tpu.memory_space<semaphore_mem>>) src(%dma_wait3A_85 : memref<128x64xf32, #tpu.memory_space<vmem>>) dst(%dma_wait3A_91 : memref<20112x64xf32, #tpu.memory_space<vmem_shared>>)
    %barrier3A_92 = arith.constant 0 : index
    tpu.barrier barrier_id(%barrier3A_92)
    "tpu.region"() ({
      %run_scoped3A = tpu.sem_alloc : memref<!tpu.dma_semaphore, #tpu.memory_space<semaphore_mem>>
      %dma_start3A_93 = arith.constant 0 : i32
      %dma_start3A_94 = tpu.memref_slice %arg6[%arg0, %mul3A_0, %dma_start3A_93] : memref<2x10112x64xf32, #tpu.memory_space<hbm>> -> memref<1x632x64xf32, #tpu.memory_space<hbm>>
      %dma_start3A_95 = tpu.memref_squeeze %dma_start3A_94 : memref<1x632x64xf32, #tpu.memory_space<hbm>> -> memref<632x64xf32, #tpu.memory_space<hbm>>
      %dma_start3A_96 = arith.constant 0 : i32
      %dma_start3A_97 = tpu.memref_slice %arg7[%mul3A_0, %dma_start3A_96] : memref<20112x64xf32, #tpu.memory_space<vmem_shared>> -> memref<632x64xf32, #tpu.memory_space<vmem_shared>>
      tpu.enqueue_dma source(%dma_start3A_97 : memref<632x64xf32, #tpu.memory_space<vmem_shared>>) target(%dma_start3A_95 : memref<632x64xf32, #tpu.memory_space<hbm>>) target_semaphore(%run_scoped3A : memref<!tpu.dma_semaphore, #tpu.memory_space<semaphore_mem>>)
      %dma_wait3A_98 = arith.constant 0 : i32
      %dma_wait3A_99 = tpu.memref_slice %arg6[%arg0, %mul3A_0, %dma_wait3A_98] : memref<2x10112x64xf32, #tpu.memory_space<hbm>> -> memref<1x632x64xf32, #tpu.memory_space<hbm>>
      %dma_wait3A_100 = tpu.memref_squeeze %dma_wait3A_99 : memref<1x632x64xf32, #tpu.memory_space<hbm>> -> memref<632x64xf32, #tpu.memory_space<hbm>>
      %dma_wait3A_101 = arith.constant 0 : i32
      %dma_wait3A_102 = tpu.memref_slice %arg7[%mul3A_0, %dma_wait3A_101] : memref<20112x64xf32, #tpu.memory_space<vmem_shared>> -> memref<632x64xf32, #tpu.memory_space<vmem_shared>>
      tpu.wait_dma2 semaphore(%run_scoped3A : memref<!tpu.dma_semaphore, #tpu.memory_space<semaphore_mem>>) src(%dma_wait3A_102 : memref<632x64xf32, #tpu.memory_space<vmem_shared>>) dst(%dma_wait3A_100 : memref<632x64xf32, #tpu.memory_space<hbm>>)
      tpu.yield
    }) : () -> ()
    return
  }
}

#map = affine_map<(d0, d1) -> (0, 0)>
#map1 = affine_map<(d0, d1) -> (0, 0, 0)>
module attributes {stable_mosaic.version = 14 : i64} {
  func.func @body(%arg0: i32, %arg1: i32, %arg2: memref<2560x128xi32, #tpu.memory_space<hbm>>, %arg3: memref<2560x128xi32, #tpu.memory_space<hbm>>, %arg4: memref<10000x64xf32, #tpu.memory_space<hbm>>, %arg5: memref<10112x64xf32, #tpu.memory_space<hbm>>, %arg6: memref<2x10112x64xf32, #tpu.memory_space<hbm>>, %arg7: memref<20112x64xf32, #tpu.memory_space<vmem_shared>>, %arg8: memref<2x20x128xi32, #tpu.memory_space<vmem>>, %arg9: memref<2x20x128xi32, #tpu.memory_space<vmem>>, %arg10: memref<4x128x64xf32, #tpu.memory_space<vmem>>, %arg11: memref<!tpu.dma_semaphore, #tpu.memory_space<semaphore_mem>>, %arg12: memref<!tpu.dma_semaphore, #tpu.memory_space<semaphore_mem>>) attributes {dimension_semantics = [#tpu.dimension_semantics<core_parallel>, #tpu.dimension_semantics<subcore_parallel>], iteration_bounds = array<i64: 2, 16>, scalar_prefetch = 0 : i64, scratch_operands = 6 : i64, tpu.core_type = #tpu.core_type<sc_vector_subcore>, window_params = [{transform_indices = #map}, {transform_indices = #map}, {transform_indices = #map}, {transform_indices = #map}, {transform_indices = #map1}]} {
    %mul3A = arith.constant 632 : i32
    %mul3A_0 = arith.muli %arg1, %mul3A : i32
    "tpu.region"() ({
      %run_scoped3A = tpu.sem_alloc : memref<!tpu.dma_semaphore, #tpu.memory_space<semaphore_mem>>
      %dma_start3A_93 = arith.constant 0 : i32
      %dma_start3A_94 = tpu.memref_slice %arg7[%mul3A_0, %dma_start3A_93] : memref<20112x64xf32, #tpu.memory_space<vmem_shared>> -> memref<632x64xf32, #tpu.memory_space<vmem_shared>>
      %dma_start3A_95 = arith.constant 0 : i32
      %dma_start3A_96 = tpu.memref_slice %arg5[%mul3A_0, %dma_start3A_95] : memref<10112x64xf32, #tpu.memory_space<hbm>> -> memref<632x64xf32, #tpu.memory_space<hbm>>
      tpu.enqueue_dma source(%dma_start3A_96 : memref<632x64xf32, #tpu.memory_space<hbm>>) target(%dma_start3A_94 : memref<632x64xf32, #tpu.memory_space<vmem_shared>>) target_semaphore(%run_scoped3A : memref<!tpu.dma_semaphore, #tpu.memory_space<semaphore_mem>>)
      %dma_wait3A_97 = arith.constant 0 : i32
      %dma_wait3A_98 = tpu.memref_slice %arg7[%mul3A_0, %dma_wait3A_97] : memref<20112x64xf32, #tpu.memory_space<vmem_shared>> -> memref<632x64xf32, #tpu.memory_space<vmem_shared>>
      %dma_wait3A_99 = arith.constant 0 : i32
      %dma_wait3A_100 = tpu.memref_slice %arg5[%mul3A_0, %dma_wait3A_99] : memref<10112x64xf32, #tpu.memory_space<hbm>> -> memref<632x64xf32, #tpu.memory_space<hbm>>
      tpu.wait_dma2 semaphore(%run_scoped3A : memref<!tpu.dma_semaphore, #tpu.memory_space<semaphore_mem>>) src(%dma_wait3A_100 : memref<632x64xf32, #tpu.memory_space<hbm>>) dst(%dma_wait3A_98 : memref<632x64xf32, #tpu.memory_space<vmem_shared>>)
      tpu.yield
    }) : () -> ()
    %mul3A_1 = arith.constant 625 : i32
    %mul3A_2 = arith.muli %arg1, %mul3A_1 : i32
    %add3A = arith.constant 10112 : i32
    %add3A_3 = arith.addi %add3A, %mul3A_2 : i32
    "tpu.region"() ({
      %run_scoped3A = tpu.sem_alloc : memref<!tpu.dma_semaphore, #tpu.memory_space<semaphore_mem>>
      %dma_start3A_93 = arith.constant 0 : i32
      %dma_start3A_94 = tpu.memref_slice %arg7[%add3A_3, %dma_start3A_93] : memref<20112x64xf32, #tpu.memory_space<vmem_shared>> -> memref<625x64xf32, #tpu.memory_space<vmem_shared>>
      %dma_start3A_95 = arith.constant 0 : i32
      %dma_start3A_96 = tpu.memref_slice %arg4[%mul3A_2, %dma_start3A_95] : memref<10000x64xf32, #tpu.memory_space<hbm>> -> memref<625x64xf32, #tpu.memory_space<hbm>>
      tpu.enqueue_dma source(%dma_start3A_96 : memref<625x64xf32, #tpu.memory_space<hbm>>) target(%dma_start3A_94 : memref<625x64xf32, #tpu.memory_space<vmem_shared>>) target_semaphore(%run_scoped3A : memref<!tpu.dma_semaphore, #tpu.memory_space<semaphore_mem>>)
      %dma_wait3A_97 = arith.constant 0 : i32
      %dma_wait3A_98 = tpu.memref_slice %arg7[%add3A_3, %dma_wait3A_97] : memref<20112x64xf32, #tpu.memory_space<vmem_shared>> -> memref<625x64xf32, #tpu.memory_space<vmem_shared>>
      %dma_wait3A_99 = arith.constant 0 : i32
      %dma_wait3A_100 = tpu.memref_slice %arg4[%mul3A_2, %dma_wait3A_99] : memref<10000x64xf32, #tpu.memory_space<hbm>> -> memref<625x64xf32, #tpu.memory_space<hbm>>
      tpu.wait_dma2 semaphore(%run_scoped3A : memref<!tpu.dma_semaphore, #tpu.memory_space<semaphore_mem>>) src(%dma_wait3A_100 : memref<625x64xf32, #tpu.memory_space<hbm>>) dst(%dma_wait3A_98 : memref<625x64xf32, #tpu.memory_space<vmem_shared>>)
      tpu.yield
    }) : () -> ()
    %mul3A_4 = arith.constant 16 : i32
    %mul3A_5 = arith.muli %arg0, %mul3A_4 : i32
    %add3A_6 = arith.addi %mul3A_5, %arg1 : i32
    %mul3A_7 = arith.constant 80 : i32
    %mul3A_8 = arith.muli %add3A_6, %mul3A_7 : i32
    %barrier3A = arith.constant 0 : index
    tpu.barrier barrier_id(%barrier3A)
    %add3A_9 = arith.constant 0 : i32
    %add3A_10 = arith.addi %mul3A_8, %add3A_9 : i32
    %rem3A = arith.constant 0 : i32
    %rem3A_11 = arith.constant 2 : i32
    %rem3A_12 = arith.remsi %rem3A, %rem3A_11 : i32
    "tpu.region"() ({
      %run_scoped3A = tpu.sem_alloc : memref<!tpu.dma_semaphore, #tpu.memory_space<semaphore_mem>>
      %dma_start3A_93 = arith.constant 0 : i32
      %dma_start3A_94 = arith.constant 0 : i32
      %dma_start3A_95 = tpu.memref_slice %arg8[%rem3A_12, %dma_start3A_93, %dma_start3A_94] : memref<2x20x128xi32, #tpu.memory_space<vmem>> -> memref<1x20x128xi32, #tpu.memory_space<vmem>>
      %dma_start3A_96 = tpu.memref_squeeze %dma_start3A_95 : memref<1x20x128xi32, #tpu.memory_space<vmem>> -> memref<20x128xi32, #tpu.memory_space<vmem>>
      %dma_start3A_97 = arith.constant 0 : i32
      %dma_start3A_98 = tpu.memref_slice %arg2[%add3A_10, %dma_start3A_97] : memref<2560x128xi32, #tpu.memory_space<hbm>> -> memref<20x128xi32, #tpu.memory_space<hbm>>
      %dma_start3A_99 = arith.constant 0 : i32
      %dma_start3A_100 = arith.constant 0 : i32
      %dma_start3A_101 = tpu.memref_slice %arg8[%rem3A_12, %dma_start3A_99, %dma_start3A_100] : memref<2x20x128xi32, #tpu.memory_space<vmem>> -> memref<1x20x128xi32, #tpu.memory_space<vmem>>
      %dma_start3A_102 = tpu.memref_squeeze %dma_start3A_101 : memref<1x20x128xi32, #tpu.memory_space<vmem>> -> memref<20x128xi32, #tpu.memory_space<vmem>>
      %dma_start3A_103 = arith.constant 0 : i32
      %dma_start3A_104 = tpu.memref_slice %arg2[%add3A_10, %dma_start3A_103] : memref<2560x128xi32, #tpu.memory_space<hbm>> -> memref<20x128xi32, #tpu.memory_space<hbm>>
      tpu.enqueue_dma source(%dma_start3A_104 : memref<20x128xi32, #tpu.memory_space<hbm>>) target(%dma_start3A_102 : memref<20x128xi32, #tpu.memory_space<vmem>>) target_semaphore(%run_scoped3A : memref<!tpu.dma_semaphore, #tpu.memory_space<semaphore_mem>>)
      %dma_wait3A_105 = arith.constant 0 : i32
      %dma_wait3A_106 = arith.constant 0 : i32
      %dma_wait3A_107 = tpu.memref_slice %arg8[%rem3A_12, %dma_wait3A_105, %dma_wait3A_106] : memref<2x20x128xi32, #tpu.memory_space<vmem>> -> memref<1x20x128xi32, #tpu.memory_space<vmem>>
      %dma_wait3A_108 = tpu.memref_squeeze %dma_wait3A_107 : memref<1x20x128xi32, #tpu.memory_space<vmem>> -> memref<20x128xi32, #tpu.memory_space<vmem>>
      %dma_wait3A_109 = arith.constant 0 : i32
      %dma_wait3A_110 = tpu.memref_slice %arg2[%add3A_10, %dma_wait3A_109] : memref<2560x128xi32, #tpu.memory_space<hbm>> -> memref<20x128xi32, #tpu.memory_space<hbm>>
      %dma_wait3A_111 = arith.constant 0 : i32
      %dma_wait3A_112 = arith.constant 0 : i32
      %dma_wait3A_113 = tpu.memref_slice %arg8[%rem3A_12, %dma_wait3A_111, %dma_wait3A_112] : memref<2x20x128xi32, #tpu.memory_space<vmem>> -> memref<1x20x128xi32, #tpu.memory_space<vmem>>
      %dma_wait3A_114 = tpu.memref_squeeze %dma_wait3A_113 : memref<1x20x128xi32, #tpu.memory_space<vmem>> -> memref<20x128xi32, #tpu.memory_space<vmem>>
      %dma_wait3A_115 = arith.constant 0 : i32
      %dma_wait3A_116 = tpu.memref_slice %arg2[%add3A_10, %dma_wait3A_115] : memref<2560x128xi32, #tpu.memory_space<hbm>> -> memref<20x128xi32, #tpu.memory_space<hbm>>
      tpu.wait_dma2 semaphore(%run_scoped3A : memref<!tpu.dma_semaphore, #tpu.memory_space<semaphore_mem>>) src(%dma_wait3A_116 : memref<20x128xi32, #tpu.memory_space<hbm>>) dst(%dma_wait3A_114 : memref<20x128xi32, #tpu.memory_space<vmem>>)
      tpu.yield
    }) : () -> ()
    "tpu.region"() ({
      %run_scoped3A = tpu.sem_alloc : memref<!tpu.dma_semaphore, #tpu.memory_space<semaphore_mem>>
      %dma_start3A_93 = arith.constant 0 : i32
      %dma_start3A_94 = arith.constant 0 : i32
      %dma_start3A_95 = tpu.memref_slice %arg9[%rem3A_12, %dma_start3A_93, %dma_start3A_94] : memref<2x20x128xi32, #tpu.memory_space<vmem>> -> memref<1x20x128xi32, #tpu.memory_space<vmem>>
      %dma_start3A_96 = tpu.memref_squeeze %dma_start3A_95 : memref<1x20x128xi32, #tpu.memory_space<vmem>> -> memref<20x128xi32, #tpu.memory_space<vmem>>
      %dma_start3A_97 = arith.constant 0 : i32
      %dma_start3A_98 = tpu.memref_slice %arg3[%add3A_10, %dma_start3A_97] : memref<2560x128xi32, #tpu.memory_space<hbm>> -> memref<20x128xi32, #tpu.memory_space<hbm>>
      %dma_start3A_99 = arith.constant 0 : i32
      %dma_start3A_100 = arith.constant 0 : i32
      %dma_start3A_101 = tpu.memref_slice %arg9[%rem3A_12, %dma_start3A_99, %dma_start3A_100] : memref<2x20x128xi32, #tpu.memory_space<vmem>> -> memref<1x20x128xi32, #tpu.memory_space<vmem>>
      %dma_start3A_102 = tpu.memref_squeeze %dma_start3A_101 : memref<1x20x128xi32, #tpu.memory_space<vmem>> -> memref<20x128xi32, #tpu.memory_space<vmem>>
      %dma_start3A_103 = arith.constant 0 : i32
      %dma_start3A_104 = tpu.memref_slice %arg3[%add3A_10, %dma_start3A_103] : memref<2560x128xi32, #tpu.memory_space<hbm>> -> memref<20x128xi32, #tpu.memory_space<hbm>>
      tpu.enqueue_dma source(%dma_start3A_104 : memref<20x128xi32, #tpu.memory_space<hbm>>) target(%dma_start3A_102 : memref<20x128xi32, #tpu.memory_space<vmem>>) target_semaphore(%run_scoped3A : memref<!tpu.dma_semaphore, #tpu.memory_space<semaphore_mem>>)
      %dma_wait3A_105 = arith.constant 0 : i32
      %dma_wait3A_106 = arith.constant 0 : i32
      %dma_wait3A_107 = tpu.memref_slice %arg9[%rem3A_12, %dma_wait3A_105, %dma_wait3A_106] : memref<2x20x128xi32, #tpu.memory_space<vmem>> -> memref<1x20x128xi32, #tpu.memory_space<vmem>>
      %dma_wait3A_108 = tpu.memref_squeeze %dma_wait3A_107 : memref<1x20x128xi32, #tpu.memory_space<vmem>> -> memref<20x128xi32, #tpu.memory_space<vmem>>
      %dma_wait3A_109 = arith.constant 0 : i32
      %dma_wait3A_110 = tpu.memref_slice %arg3[%add3A_10, %dma_wait3A_109] : memref<2560x128xi32, #tpu.memory_space<hbm>> -> memref<20x128xi32, #tpu.memory_space<hbm>>
      %dma_wait3A_111 = arith.constant 0 : i32
      %dma_wait3A_112 = arith.constant 0 : i32
      %dma_wait3A_113 = tpu.memref_slice %arg9[%rem3A_12, %dma_wait3A_111, %dma_wait3A_112] : memref<2x20x128xi32, #tpu.memory_space<vmem>> -> memref<1x20x128xi32, #tpu.memory_space<vmem>>
      %dma_wait3A_114 = tpu.memref_squeeze %dma_wait3A_113 : memref<1x20x128xi32, #tpu.memory_space<vmem>> -> memref<20x128xi32, #tpu.memory_space<vmem>>
      %dma_wait3A_115 = arith.constant 0 : i32
      %dma_wait3A_116 = tpu.memref_slice %arg3[%add3A_10, %dma_wait3A_115] : memref<2560x128xi32, #tpu.memory_space<hbm>> -> memref<20x128xi32, #tpu.memory_space<hbm>>
      tpu.wait_dma2 semaphore(%run_scoped3A : memref<!tpu.dma_semaphore, #tpu.memory_space<semaphore_mem>>) src(%dma_wait3A_116 : memref<20x128xi32, #tpu.memory_space<hbm>>) dst(%dma_wait3A_114 : memref<20x128xi32, #tpu.memory_space<vmem>>)
      tpu.yield
    }) : () -> ()
    %rem3A_13 = arith.constant 0 : i32
    %rem3A_14 = arith.constant 2 : i32
    %rem3A_15 = arith.remsi %rem3A_13, %rem3A_14 : i32
    %rem3A_16 = arith.constant 0 : i32
    %rem3A_17 = arith.constant 20 : i32
    %rem3A_18 = arith.remsi %rem3A_16, %rem3A_17 : i32
    %rem3A_19 = arith.constant 0 : i32
    %rem3A_20 = arith.constant 4 : i32
    %rem3A_21 = arith.remsi %rem3A_19, %rem3A_20 : i32
    %dma_start3A = arith.constant 0 : i32
    %dma_start3A_22 = arith.constant 0 : i32
    %dma_start3A_23 = tpu.memref_slice %arg10[%rem3A_21, %dma_start3A, %dma_start3A_22] : memref<4x128x64xf32, #tpu.memory_space<vmem>> -> memref<1x128x64xf32, #tpu.memory_space<vmem>>
    %dma_start3A_24 = tpu.memref_squeeze %dma_start3A_23 : memref<1x128x64xf32, #tpu.memory_space<vmem>> -> memref<128x64xf32, #tpu.memory_space<vmem>>
    %dma_start3A_25 = arith.constant 0 : i32
    %dma_start3A_26 = tpu.memref_slice %arg8[%rem3A_15, %rem3A_18, %dma_start3A_25] : memref<2x20x128xi32, #tpu.memory_space<vmem>> -> memref<1x1x128xi32, #tpu.memory_space<vmem>>
    %dma_start3A_27 = tpu.memref_squeeze %dma_start3A_26 : memref<1x1x128xi32, #tpu.memory_space<vmem>> -> memref<128xi32, #tpu.memory_space<vmem>>
    %dma_start3A_28 = arith.constant 0 : i32
    %dma_start3A_29 = arith.constant 0 : i32
    %dma_start3A_30 = tpu.memref_slice %arg7[%dma_start3A_28, %dma_start3A_29] : memref<20112x64xf32, #tpu.memory_space<vmem_shared>> -> memref<20112x64xf32, #tpu.memory_space<vmem_shared>>
    tpu.enqueue_indirect_dma source(%dma_start3A_30 : memref<20112x64xf32, #tpu.memory_space<vmem_shared>>) target(%dma_start3A_24 : memref<128x64xf32, #tpu.memory_space<vmem>>) offsets(%dma_start3A_27 : memref<128xi32, #tpu.memory_space<vmem>>) semaphore(%arg11 : memref<!tpu.dma_semaphore, #tpu.memory_space<semaphore_mem>>)
    %rem3A_31 = arith.constant 0 : i32
    %rem3A_32 = arith.constant 2 : i32
    %rem3A_33 = arith.remsi %rem3A_31, %rem3A_32 : i32
    %rem3A_34 = arith.constant 1 : i32
    %rem3A_35 = arith.constant 20 : i32
    %rem3A_36 = arith.remsi %rem3A_34, %rem3A_35 : i32
    %rem3A_37 = arith.constant 1 : i32
    %rem3A_38 = arith.constant 4 : i32
    %rem3A_39 = arith.remsi %rem3A_37, %rem3A_38 : i32
    %dma_start3A_40 = arith.constant 0 : i32
    %dma_start3A_41 = arith.constant 0 : i32
    %dma_start3A_42 = tpu.memref_slice %arg10[%rem3A_39, %dma_start3A_40, %dma_start3A_41] : memref<4x128x64xf32, #tpu.memory_space<vmem>> -> memref<1x128x64xf32, #tpu.memory_space<vmem>>
    %dma_start3A_43 = tpu.memref_squeeze %dma_start3A_42 : memref<1x128x64xf32, #tpu.memory_space<vmem>> -> memref<128x64xf32, #tpu.memory_space<vmem>>
    %dma_start3A_44 = arith.constant 0 : i32
    %dma_start3A_45 = tpu.memref_slice %arg8[%rem3A_33, %rem3A_36, %dma_start3A_44] : memref<2x20x128xi32, #tpu.memory_space<vmem>> -> memref<1x1x128xi32, #tpu.memory_space<vmem>>
    %dma_start3A_46 = tpu.memref_squeeze %dma_start3A_45 : memref<1x1x128xi32, #tpu.memory_space<vmem>> -> memref<128xi32, #tpu.memory_space<vmem>>
    %dma_start3A_47 = arith.constant 0 : i32
    %dma_start3A_48 = arith.constant 0 : i32
    %dma_start3A_49 = tpu.memref_slice %arg7[%dma_start3A_47, %dma_start3A_48] : memref<20112x64xf32, #tpu.memory_space<vmem_shared>> -> memref<20112x64xf32, #tpu.memory_space<vmem_shared>>
    tpu.enqueue_indirect_dma source(%dma_start3A_49 : memref<20112x64xf32, #tpu.memory_space<vmem_shared>>) target(%dma_start3A_43 : memref<128x64xf32, #tpu.memory_space<vmem>>) offsets(%dma_start3A_46 : memref<128xi32, #tpu.memory_space<vmem>>) semaphore(%arg11 : memref<!tpu.dma_semaphore, #tpu.memory_space<semaphore_mem>>)
    %scan3A = arith.constant 0 : i32
    %scan3A_50 = arith.constant 0 : i32
    %scan3A_51 = arith.constant 80 : i32
    %scan3A_52 = arith.addi %scan3A_50, %scan3A_51 : i32
    %scan3A_53 = arith.constant 1 : i32
    scf.for %scan3A_93 = %scan3A_50 to %scan3A_52 step %scan3A_53  : i32 {
      %ge3A = arith.constant 2 : i32
      %ge3A_94 = arith.cmpi sge, %scan3A_93, %ge3A : i32
      %convert_element_type3A = arith.extui %ge3A_94 : i1 to i32
      %cond3A = arith.constant 0 : i32
      %cond3A_95 = arith.cmpi ne, %convert_element_type3A, %cond3A : i32
      scf.if %cond3A_95 {
        %sub3A_175 = arith.constant 2 : i32
        %sub3A_176 = arith.subi %scan3A_93, %sub3A_175 : i32
        %rem3A_177 = arith.constant 4 : i32
        %rem3A_178 = arith.remsi %sub3A_176, %rem3A_177 : i32
        %jit3A_179 = arith.constant 20 : i32
        %div3A_180 = arith.divsi %sub3A_176, %jit3A_179 : i32
        %sign3A_181 = arith.constant 0 : i32
        %sign3A_182 = arith.cmpi sgt, %sub3A_176, %sign3A_181 : i32
        %sign3A_183 = arith.extui %sign3A_182 : i1 to i32
        %sign3A_184 = arith.constant 0 : i32
        %sign3A_185 = arith.cmpi slt, %sub3A_176, %sign3A_184 : i32
        %sign3A_186 = arith.extui %sign3A_185 : i1 to i32
        %sign3A_187 = arith.subi %sign3A_183, %sign3A_186 : i32
        %sign3A_188 = arith.constant 0 : i32
        %sign3A_189 = arith.cmpi sgt, %jit3A_179, %sign3A_188 : i32
        %sign3A_190 = arith.extui %sign3A_189 : i1 to i32
        %sign3A_191 = arith.constant 0 : i32
        %sign3A_192 = arith.cmpi slt, %jit3A_179, %sign3A_191 : i32
        %sign3A_193 = arith.extui %sign3A_192 : i1 to i32
        %sign3A_194 = arith.subi %sign3A_190, %sign3A_193 : i32
        %ne3A_195 = arith.cmpi ne, %sign3A_187, %sign3A_194 : i32
        %rem3A_196 = arith.remsi %sub3A_176, %jit3A_179 : i32
        %ne3A_197 = arith.constant 0 : i32
        %ne3A_198 = arith.cmpi ne, %rem3A_196, %ne3A_197 : i32
        %and3A_199 = arith.andi %ne3A_195, %ne3A_198 : i1
        %sub3A_200 = arith.constant 1 : i32
        %sub3A_201 = arith.subi %div3A_180, %sub3A_200 : i32
        %select_n3A_202 = arith.select %and3A_199, %sub3A_201, %div3A_180 : i32
        %rem3A_203 = arith.constant 2 : i32
        %rem3A_204 = arith.remsi %select_n3A_202, %rem3A_203 : i32
        %rem3A_205 = arith.constant 20 : i32
        %rem3A_206 = arith.remsi %sub3A_176, %rem3A_205 : i32
        %dma_wait3A_207 = arith.constant 0 : i32
        %dma_wait3A_208 = arith.constant 0 : i32
        %dma_wait3A_209 = tpu.memref_slice %arg10[%rem3A_178, %dma_wait3A_207, %dma_wait3A_208] : memref<4x128x64xf32, #tpu.memory_space<vmem>> -> memref<1x128x64xf32, #tpu.memory_space<vmem>>
        %dma_wait3A_210 = tpu.memref_squeeze %dma_wait3A_209 : memref<1x128x64xf32, #tpu.memory_space<vmem>> -> memref<128x64xf32, #tpu.memory_space<vmem>>
        %dma_wait3A_211 = arith.constant 0 : i32
        %dma_wait3A_212 = tpu.memref_slice %arg9[%rem3A_204, %rem3A_206, %dma_wait3A_211] : memref<2x20x128xi32, #tpu.memory_space<vmem>> -> memref<1x1x128xi32, #tpu.memory_space<vmem>>
        %dma_wait3A_213 = tpu.memref_squeeze %dma_wait3A_212 : memref<1x1x128xi32, #tpu.memory_space<vmem>> -> memref<128xi32, #tpu.memory_space<vmem>>
        %dma_wait3A_214 = arith.constant 0 : i32
        %dma_wait3A_215 = arith.constant 0 : i32
        %dma_wait3A_216 = tpu.memref_slice %arg7[%dma_wait3A_214, %dma_wait3A_215] : memref<20112x64xf32, #tpu.memory_space<vmem_shared>> -> memref<20112x64xf32, #tpu.memory_space<vmem_shared>>
        tpu.wait_indirect_dma semaphore(%arg12 : memref<!tpu.dma_semaphore, #tpu.memory_space<semaphore_mem>>) src(%dma_wait3A_210 : memref<128x64xf32, #tpu.memory_space<vmem>>) dst(%dma_wait3A_216 : memref<20112x64xf32, #tpu.memory_space<vmem_shared>>)
      } else {
      }
      %add3A_96 = arith.constant 2 : i32
      %add3A_97 = arith.addi %scan3A_93, %add3A_96 : i32
      %lt3A = arith.constant 80 : i32
      %lt3A_98 = arith.cmpi slt, %add3A_97, %lt3A : i32
      %convert_element_type3A_99 = arith.extui %lt3A_98 : i1 to i32
      %cond3A_100 = arith.constant 0 : i32
      %cond3A_101 = arith.cmpi ne, %convert_element_type3A_99, %cond3A_100 : i32
      scf.if %cond3A_101 {
        %rem3A_175 = arith.constant 20 : i32
        %rem3A_176 = arith.remsi %add3A_97, %rem3A_175 : i32
        %eq3A = arith.constant 0 : i32
        %eq3A_177 = arith.cmpi eq, %rem3A_176, %eq3A : i32
        %convert_element_type3A_178 = arith.extui %eq3A_177 : i1 to i32
        %cond3A_179 = arith.constant 0 : i32
        %cond3A_180 = arith.cmpi ne, %convert_element_type3A_178, %cond3A_179 : i32
        scf.if %cond3A_180 {
          %jit3A_221 = arith.constant 20 : i32
          %div3A_222 = arith.divsi %add3A_97, %jit3A_221 : i32
          %sign3A_223 = arith.constant 0 : i32
          %sign3A_224 = arith.cmpi sgt, %add3A_97, %sign3A_223 : i32
          %sign3A_225 = arith.extui %sign3A_224 : i1 to i32
          %sign3A_226 = arith.constant 0 : i32
          %sign3A_227 = arith.cmpi slt, %add3A_97, %sign3A_226 : i32
          %sign3A_228 = arith.extui %sign3A_227 : i1 to i32
          %sign3A_229 = arith.subi %sign3A_225, %sign3A_228 : i32
          %sign3A_230 = arith.constant 0 : i32
          %sign3A_231 = arith.cmpi sgt, %jit3A_221, %sign3A_230 : i32
          %sign3A_232 = arith.extui %sign3A_231 : i1 to i32
          %sign3A_233 = arith.constant 0 : i32
          %sign3A_234 = arith.cmpi slt, %jit3A_221, %sign3A_233 : i32
          %sign3A_235 = arith.extui %sign3A_234 : i1 to i32
          %sign3A_236 = arith.subi %sign3A_232, %sign3A_235 : i32
          %ne3A_237 = arith.cmpi ne, %sign3A_229, %sign3A_236 : i32
          %rem3A_238 = arith.remsi %add3A_97, %jit3A_221 : i32
          %ne3A_239 = arith.constant 0 : i32
          %ne3A_240 = arith.cmpi ne, %rem3A_238, %ne3A_239 : i32
          %and3A_241 = arith.andi %ne3A_237, %ne3A_240 : i1
          %sub3A_242 = arith.constant 1 : i32
          %sub3A_243 = arith.subi %div3A_222, %sub3A_242 : i32
          %select_n3A_244 = arith.select %and3A_241, %sub3A_243, %div3A_222 : i32
          %mul3A_245 = arith.constant 20 : i32
          %mul3A_246 = arith.muli %select_n3A_244, %mul3A_245 : i32
          %add3A_247 = arith.addi %mul3A_8, %mul3A_246 : i32
          %rem3A_248 = arith.constant 2 : i32
          %rem3A_249 = arith.remsi %select_n3A_244, %rem3A_248 : i32
          "tpu.region"() ({
            %run_scoped3A = tpu.sem_alloc : memref<!tpu.dma_semaphore, #tpu.memory_space<semaphore_mem>>
            %dma_start3A_250 = arith.constant 0 : i32
            %dma_start3A_251 = arith.constant 0 : i32
            %dma_start3A_252 = tpu.memref_slice %arg8[%rem3A_249, %dma_start3A_250, %dma_start3A_251] : memref<2x20x128xi32, #tpu.memory_space<vmem>> -> memref<1x20x128xi32, #tpu.memory_space<vmem>>
            %dma_start3A_253 = tpu.memref_squeeze %dma_start3A_252 : memref<1x20x128xi32, #tpu.memory_space<vmem>> -> memref<20x128xi32, #tpu.memory_space<vmem>>
            %dma_start3A_254 = arith.constant 0 : i32
            %dma_start3A_255 = tpu.memref_slice %arg2[%add3A_247, %dma_start3A_254] : memref<2560x128xi32, #tpu.memory_space<hbm>> -> memref<20x128xi32, #tpu.memory_space<hbm>>
            %dma_start3A_256 = arith.constant 0 : i32
            %dma_start3A_257 = arith.constant 0 : i32
            %dma_start3A_258 = tpu.memref_slice %arg8[%rem3A_249, %dma_start3A_256, %dma_start3A_257] : memref<2x20x128xi32, #tpu.memory_space<vmem>> -> memref<1x20x128xi32, #tpu.memory_space<vmem>>
            %dma_start3A_259 = tpu.memref_squeeze %dma_start3A_258 : memref<1x20x128xi32, #tpu.memory_space<vmem>> -> memref<20x128xi32, #tpu.memory_space<vmem>>
            %dma_start3A_260 = arith.constant 0 : i32
            %dma_start3A_261 = tpu.memref_slice %arg2[%add3A_247, %dma_start3A_260] : memref<2560x128xi32, #tpu.memory_space<hbm>> -> memref<20x128xi32, #tpu.memory_space<hbm>>
            tpu.enqueue_dma source(%dma_start3A_261 : memref<20x128xi32, #tpu.memory_space<hbm>>) target(%dma_start3A_259 : memref<20x128xi32, #tpu.memory_space<vmem>>) target_semaphore(%run_scoped3A : memref<!tpu.dma_semaphore, #tpu.memory_space<semaphore_mem>>)
            %dma_wait3A_262 = arith.constant 0 : i32
            %dma_wait3A_263 = arith.constant 0 : i32
            %dma_wait3A_264 = tpu.memref_slice %arg8[%rem3A_249, %dma_wait3A_262, %dma_wait3A_263] : memref<2x20x128xi32, #tpu.memory_space<vmem>> -> memref<1x20x128xi32, #tpu.memory_space<vmem>>
            %dma_wait3A_265 = tpu.memref_squeeze %dma_wait3A_264 : memref<1x20x128xi32, #tpu.memory_space<vmem>> -> memref<20x128xi32, #tpu.memory_space<vmem>>
            %dma_wait3A_266 = arith.constant 0 : i32
            %dma_wait3A_267 = tpu.memref_slice %arg2[%add3A_247, %dma_wait3A_266] : memref<2560x128xi32, #tpu.memory_space<hbm>> -> memref<20x128xi32, #tpu.memory_space<hbm>>
            %dma_wait3A_268 = arith.constant 0 : i32
            %dma_wait3A_269 = arith.constant 0 : i32
            %dma_wait3A_270 = tpu.memref_slice %arg8[%rem3A_249, %dma_wait3A_268, %dma_wait3A_269] : memref<2x20x128xi32, #tpu.memory_space<vmem>> -> memref<1x20x128xi32, #tpu.memory_space<vmem>>
            %dma_wait3A_271 = tpu.memref_squeeze %dma_wait3A_270 : memref<1x20x128xi32, #tpu.memory_space<vmem>> -> memref<20x128xi32, #tpu.memory_space<vmem>>
            %dma_wait3A_272 = arith.constant 0 : i32
            %dma_wait3A_273 = tpu.memref_slice %arg2[%add3A_247, %dma_wait3A_272] : memref<2560x128xi32, #tpu.memory_space<hbm>> -> memref<20x128xi32, #tpu.memory_space<hbm>>
            tpu.wait_dma2 semaphore(%run_scoped3A : memref<!tpu.dma_semaphore, #tpu.memory_space<semaphore_mem>>) src(%dma_wait3A_273 : memref<20x128xi32, #tpu.memory_space<hbm>>) dst(%dma_wait3A_271 : memref<20x128xi32, #tpu.memory_space<vmem>>)
            tpu.yield
          }) : () -> ()
          "tpu.region"() ({
            %run_scoped3A = tpu.sem_alloc : memref<!tpu.dma_semaphore, #tpu.memory_space<semaphore_mem>>
            %dma_start3A_250 = arith.constant 0 : i32
            %dma_start3A_251 = arith.constant 0 : i32
            %dma_start3A_252 = tpu.memref_slice %arg9[%rem3A_249, %dma_start3A_250, %dma_start3A_251] : memref<2x20x128xi32, #tpu.memory_space<vmem>> -> memref<1x20x128xi32, #tpu.memory_space<vmem>>
            %dma_start3A_253 = tpu.memref_squeeze %dma_start3A_252 : memref<1x20x128xi32, #tpu.memory_space<vmem>> -> memref<20x128xi32, #tpu.memory_space<vmem>>
            %dma_start3A_254 = arith.constant 0 : i32
            %dma_start3A_255 = tpu.memref_slice %arg3[%add3A_247, %dma_start3A_254] : memref<2560x128xi32, #tpu.memory_space<hbm>> -> memref<20x128xi32, #tpu.memory_space<hbm>>
            %dma_start3A_256 = arith.constant 0 : i32
            %dma_start3A_257 = arith.constant 0 : i32
            %dma_start3A_258 = tpu.memref_slice %arg9[%rem3A_249, %dma_start3A_256, %dma_start3A_257] : memref<2x20x128xi32, #tpu.memory_space<vmem>> -> memref<1x20x128xi32, #tpu.memory_space<vmem>>
            %dma_start3A_259 = tpu.memref_squeeze %dma_start3A_258 : memref<1x20x128xi32, #tpu.memory_space<vmem>> -> memref<20x128xi32, #tpu.memory_space<vmem>>
            %dma_start3A_260 = arith.constant 0 : i32
            %dma_start3A_261 = tpu.memref_slice %arg3[%add3A_247, %dma_start3A_260] : memref<2560x128xi32, #tpu.memory_space<hbm>> -> memref<20x128xi32, #tpu.memory_space<hbm>>
            tpu.enqueue_dma source(%dma_start3A_261 : memref<20x128xi32, #tpu.memory_space<hbm>>) target(%dma_start3A_259 : memref<20x128xi32, #tpu.memory_space<vmem>>) target_semaphore(%run_scoped3A : memref<!tpu.dma_semaphore, #tpu.memory_space<semaphore_mem>>)
            %dma_wait3A_262 = arith.constant 0 : i32
            %dma_wait3A_263 = arith.constant 0 : i32
            %dma_wait3A_264 = tpu.memref_slice %arg9[%rem3A_249, %dma_wait3A_262, %dma_wait3A_263] : memref<2x20x128xi32, #tpu.memory_space<vmem>> -> memref<1x20x128xi32, #tpu.memory_space<vmem>>
            %dma_wait3A_265 = tpu.memref_squeeze %dma_wait3A_264 : memref<1x20x128xi32, #tpu.memory_space<vmem>> -> memref<20x128xi32, #tpu.memory_space<vmem>>
            %dma_wait3A_266 = arith.constant 0 : i32
            %dma_wait3A_267 = tpu.memref_slice %arg3[%add3A_247, %dma_wait3A_266] : memref<2560x128xi32, #tpu.memory_space<hbm>> -> memref<20x128xi32, #tpu.memory_space<hbm>>
            %dma_wait3A_268 = arith.constant 0 : i32
            %dma_wait3A_269 = arith.constant 0 : i32
            %dma_wait3A_270 = tpu.memref_slice %arg9[%rem3A_249, %dma_wait3A_268, %dma_wait3A_269] : memref<2x20x128xi32, #tpu.memory_space<vmem>> -> memref<1x20x128xi32, #tpu.memory_space<vmem>>
            %dma_wait3A_271 = tpu.memref_squeeze %dma_wait3A_270 : memref<1x20x128xi32, #tpu.memory_space<vmem>> -> memref<20x128xi32, #tpu.memory_space<vmem>>
            %dma_wait3A_272 = arith.constant 0 : i32
            %dma_wait3A_273 = tpu.memref_slice %arg3[%add3A_247, %dma_wait3A_272] : memref<2560x128xi32, #tpu.memory_space<hbm>> -> memref<20x128xi32, #tpu.memory_space<hbm>>
            tpu.wait_dma2 semaphore(%run_scoped3A : memref<!tpu.dma_semaphore, #tpu.memory_space<semaphore_mem>>) src(%dma_wait3A_273 : memref<20x128xi32, #tpu.memory_space<hbm>>) dst(%dma_wait3A_271 : memref<20x128xi32, #tpu.memory_space<vmem>>)
            tpu.yield
          }) : () -> ()
        } else {
        }
        %jit3A_181 = arith.constant 20 : i32
        %div3A_182 = arith.divsi %add3A_97, %jit3A_181 : i32
        %sign3A_183 = arith.constant 0 : i32
        %sign3A_184 = arith.cmpi sgt, %add3A_97, %sign3A_183 : i32
        %sign3A_185 = arith.extui %sign3A_184 : i1 to i32
        %sign3A_186 = arith.constant 0 : i32
        %sign3A_187 = arith.cmpi slt, %add3A_97, %sign3A_186 : i32
        %sign3A_188 = arith.extui %sign3A_187 : i1 to i32
        %sign3A_189 = arith.subi %sign3A_185, %sign3A_188 : i32
        %sign3A_190 = arith.constant 0 : i32
        %sign3A_191 = arith.cmpi sgt, %jit3A_181, %sign3A_190 : i32
        %sign3A_192 = arith.extui %sign3A_191 : i1 to i32
        %sign3A_193 = arith.constant 0 : i32
        %sign3A_194 = arith.cmpi slt, %jit3A_181, %sign3A_193 : i32
        %sign3A_195 = arith.extui %sign3A_194 : i1 to i32
        %sign3A_196 = arith.subi %sign3A_192, %sign3A_195 : i32
        %ne3A_197 = arith.cmpi ne, %sign3A_189, %sign3A_196 : i32
        %rem3A_198 = arith.remsi %add3A_97, %jit3A_181 : i32
        %ne3A_199 = arith.constant 0 : i32
        %ne3A_200 = arith.cmpi ne, %rem3A_198, %ne3A_199 : i32
        %and3A_201 = arith.andi %ne3A_197, %ne3A_200 : i1
        %sub3A_202 = arith.constant 1 : i32
        %sub3A_203 = arith.subi %div3A_182, %sub3A_202 : i32
        %select_n3A_204 = arith.select %and3A_201, %sub3A_203, %div3A_182 : i32
        %rem3A_205 = arith.constant 2 : i32
        %rem3A_206 = arith.remsi %select_n3A_204, %rem3A_205 : i32
        %rem3A_207 = arith.constant 20 : i32
        %rem3A_208 = arith.remsi %add3A_97, %rem3A_207 : i32
        %rem3A_209 = arith.constant 4 : i32
        %rem3A_210 = arith.remsi %add3A_97, %rem3A_209 : i32
        %dma_start3A_211 = arith.constant 0 : i32
        %dma_start3A_212 = arith.constant 0 : i32
        %dma_start3A_213 = tpu.memref_slice %arg10[%rem3A_210, %dma_start3A_211, %dma_start3A_212] : memref<4x128x64xf32, #tpu.memory_space<vmem>> -> memref<1x128x64xf32, #tpu.memory_space<vmem>>
        %dma_start3A_214 = tpu.memref_squeeze %dma_start3A_213 : memref<1x128x64xf32, #tpu.memory_space<vmem>> -> memref<128x64xf32, #tpu.memory_space<vmem>>
        %dma_start3A_215 = arith.constant 0 : i32
        %dma_start3A_216 = tpu.memref_slice %arg8[%rem3A_206, %rem3A_208, %dma_start3A_215] : memref<2x20x128xi32, #tpu.memory_space<vmem>> -> memref<1x1x128xi32, #tpu.memory_space<vmem>>
        %dma_start3A_217 = tpu.memref_squeeze %dma_start3A_216 : memref<1x1x128xi32, #tpu.memory_space<vmem>> -> memref<128xi32, #tpu.memory_space<vmem>>
        %dma_start3A_218 = arith.constant 0 : i32
        %dma_start3A_219 = arith.constant 0 : i32
        %dma_start3A_220 = tpu.memref_slice %arg7[%dma_start3A_218, %dma_start3A_219] : memref<20112x64xf32, #tpu.memory_space<vmem_shared>> -> memref<20112x64xf32, #tpu.memory_space<vmem_shared>>
        tpu.enqueue_indirect_dma source(%dma_start3A_220 : memref<20112x64xf32, #tpu.memory_space<vmem_shared>>) target(%dma_start3A_214 : memref<128x64xf32, #tpu.memory_space<vmem>>) offsets(%dma_start3A_217 : memref<128xi32, #tpu.memory_space<vmem>>) semaphore(%arg11 : memref<!tpu.dma_semaphore, #tpu.memory_space<semaphore_mem>>)
      } else {
      }
      %jit3A = arith.constant 20 : i32
      %div3A = arith.divsi %scan3A_93, %jit3A : i32
      %sign3A = arith.constant 0 : i32
      %sign3A_102 = arith.cmpi sgt, %scan3A_93, %sign3A : i32
      %sign3A_103 = arith.extui %sign3A_102 : i1 to i32
      %sign3A_104 = arith.constant 0 : i32
      %sign3A_105 = arith.cmpi slt, %scan3A_93, %sign3A_104 : i32
      %sign3A_106 = arith.extui %sign3A_105 : i1 to i32
      %sign3A_107 = arith.subi %sign3A_103, %sign3A_106 : i32
      %sign3A_108 = arith.constant 0 : i32
      %sign3A_109 = arith.cmpi sgt, %jit3A, %sign3A_108 : i32
      %sign3A_110 = arith.extui %sign3A_109 : i1 to i32
      %sign3A_111 = arith.constant 0 : i32
      %sign3A_112 = arith.cmpi slt, %jit3A, %sign3A_111 : i32
      %sign3A_113 = arith.extui %sign3A_112 : i1 to i32
      %sign3A_114 = arith.subi %sign3A_110, %sign3A_113 : i32
      %ne3A = arith.cmpi ne, %sign3A_107, %sign3A_114 : i32
      %rem3A_115 = arith.remsi %scan3A_93, %jit3A : i32
      %ne3A_116 = arith.constant 0 : i32
      %ne3A_117 = arith.cmpi ne, %rem3A_115, %ne3A_116 : i32
      %and3A = arith.andi %ne3A, %ne3A_117 : i1
      %sub3A = arith.constant 1 : i32
      %sub3A_118 = arith.subi %div3A, %sub3A : i32
      %select_n3A = arith.select %and3A, %sub3A_118, %div3A : i32
      %rem3A_119 = arith.constant 2 : i32
      %rem3A_120 = arith.remsi %select_n3A, %rem3A_119 : i32
      %rem3A_121 = arith.constant 20 : i32
      %rem3A_122 = arith.remsi %scan3A_93, %rem3A_121 : i32
      %rem3A_123 = arith.constant 4 : i32
      %rem3A_124 = arith.remsi %scan3A_93, %rem3A_123 : i32
      %dma_wait3A_125 = arith.constant 0 : i32
      %dma_wait3A_126 = arith.constant 0 : i32
      %dma_wait3A_127 = tpu.memref_slice %arg10[%rem3A_124, %dma_wait3A_125, %dma_wait3A_126] : memref<4x128x64xf32, #tpu.memory_space<vmem>> -> memref<1x128x64xf32, #tpu.memory_space<vmem>>
      %dma_wait3A_128 = tpu.memref_squeeze %dma_wait3A_127 : memref<1x128x64xf32, #tpu.memory_space<vmem>> -> memref<128x64xf32, #tpu.memory_space<vmem>>
      %dma_wait3A_129 = arith.constant 0 : i32
      %dma_wait3A_130 = tpu.memref_slice %arg8[%rem3A_120, %rem3A_122, %dma_wait3A_129] : memref<2x20x128xi32, #tpu.memory_space<vmem>> -> memref<1x1x128xi32, #tpu.memory_space<vmem>>
      %dma_wait3A_131 = tpu.memref_squeeze %dma_wait3A_130 : memref<1x1x128xi32, #tpu.memory_space<vmem>> -> memref<128xi32, #tpu.memory_space<vmem>>
      %dma_wait3A_132 = arith.constant 0 : i32
      %dma_wait3A_133 = arith.constant 0 : i32
      %dma_wait3A_134 = tpu.memref_slice %arg7[%dma_wait3A_132, %dma_wait3A_133] : memref<20112x64xf32, #tpu.memory_space<vmem_shared>> -> memref<20112x64xf32, #tpu.memory_space<vmem_shared>>
      tpu.wait_indirect_dma semaphore(%arg11 : memref<!tpu.dma_semaphore, #tpu.memory_space<semaphore_mem>>) src(%dma_wait3A_134 : memref<20112x64xf32, #tpu.memory_space<vmem_shared>>) dst(%dma_wait3A_128 : memref<128x64xf32, #tpu.memory_space<vmem>>)
      %rem3A_135 = arith.constant 4 : i32
      %rem3A_136 = arith.remsi %scan3A_93, %rem3A_135 : i32
      %jit3A_137 = arith.constant 20 : i32
      %div3A_138 = arith.divsi %scan3A_93, %jit3A_137 : i32
      %sign3A_139 = arith.constant 0 : i32
      %sign3A_140 = arith.cmpi sgt, %scan3A_93, %sign3A_139 : i32
      %sign3A_141 = arith.extui %sign3A_140 : i1 to i32
      %sign3A_142 = arith.constant 0 : i32
      %sign3A_143 = arith.cmpi slt, %scan3A_93, %sign3A_142 : i32
      %sign3A_144 = arith.extui %sign3A_143 : i1 to i32
      %sign3A_145 = arith.subi %sign3A_141, %sign3A_144 : i32
      %sign3A_146 = arith.constant 0 : i32
      %sign3A_147 = arith.cmpi sgt, %jit3A_137, %sign3A_146 : i32
      %sign3A_148 = arith.extui %sign3A_147 : i1 to i32
      %sign3A_149 = arith.constant 0 : i32
      %sign3A_150 = arith.cmpi slt, %jit3A_137, %sign3A_149 : i32
      %sign3A_151 = arith.extui %sign3A_150 : i1 to i32
      %sign3A_152 = arith.subi %sign3A_148, %sign3A_151 : i32
      %ne3A_153 = arith.cmpi ne, %sign3A_145, %sign3A_152 : i32
      %rem3A_154 = arith.remsi %scan3A_93, %jit3A_137 : i32
      %ne3A_155 = arith.constant 0 : i32
      %ne3A_156 = arith.cmpi ne, %rem3A_154, %ne3A_155 : i32
      %and3A_157 = arith.andi %ne3A_153, %ne3A_156 : i1
      %sub3A_158 = arith.constant 1 : i32
      %sub3A_159 = arith.subi %div3A_138, %sub3A_158 : i32
      %select_n3A_160 = arith.select %and3A_157, %sub3A_159, %div3A_138 : i32
      %rem3A_161 = arith.constant 2 : i32
      %rem3A_162 = arith.remsi %select_n3A_160, %rem3A_161 : i32
      %rem3A_163 = arith.constant 20 : i32
      %rem3A_164 = arith.remsi %scan3A_93, %rem3A_163 : i32
      %dma_start3A_165 = arith.constant 0 : i32
      %dma_start3A_166 = arith.constant 0 : i32
      %dma_start3A_167 = tpu.memref_slice %arg10[%rem3A_136, %dma_start3A_165, %dma_start3A_166] : memref<4x128x64xf32, #tpu.memory_space<vmem>> -> memref<1x128x64xf32, #tpu.memory_space<vmem>>
      %dma_start3A_168 = tpu.memref_squeeze %dma_start3A_167 : memref<1x128x64xf32, #tpu.memory_space<vmem>> -> memref<128x64xf32, #tpu.memory_space<vmem>>
      %dma_start3A_169 = arith.constant 0 : i32
      %dma_start3A_170 = tpu.memref_slice %arg9[%rem3A_162, %rem3A_164, %dma_start3A_169] : memref<2x20x128xi32, #tpu.memory_space<vmem>> -> memref<1x1x128xi32, #tpu.memory_space<vmem>>
      %dma_start3A_171 = tpu.memref_squeeze %dma_start3A_170 : memref<1x1x128xi32, #tpu.memory_space<vmem>> -> memref<128xi32, #tpu.memory_space<vmem>>
      %dma_start3A_172 = arith.constant 0 : i32
      %dma_start3A_173 = arith.constant 0 : i32
      %dma_start3A_174 = tpu.memref_slice %arg7[%dma_start3A_172, %dma_start3A_173] : memref<20112x64xf32, #tpu.memory_space<vmem_shared>> -> memref<20112x64xf32, #tpu.memory_space<vmem_shared>>
      tpu.enqueue_indirect_dma source(%dma_start3A_168 : memref<128x64xf32, #tpu.memory_space<vmem>>) target(%dma_start3A_174 : memref<20112x64xf32, #tpu.memory_space<vmem_shared>>) offsets(%dma_start3A_171 : memref<128xi32, #tpu.memory_space<vmem>>) semaphore(%arg12 : memref<!tpu.dma_semaphore, #tpu.memory_space<semaphore_mem>>) {add = true}
    }
    %scan3A_54 = arith.constant 80 : i32
    %rem3A_55 = arith.constant 78 : i32
    %rem3A_56 = arith.constant 4 : i32
    %rem3A_57 = arith.remsi %rem3A_55, %rem3A_56 : i32
    %rem3A_58 = arith.constant 3 : i32
    %rem3A_59 = arith.constant 2 : i32
    %rem3A_60 = arith.remsi %rem3A_58, %rem3A_59 : i32
    %rem3A_61 = arith.constant 78 : i32
    %rem3A_62 = arith.constant 20 : i32
    %rem3A_63 = arith.remsi %rem3A_61, %rem3A_62 : i32
    %dma_wait3A = arith.constant 0 : i32
    %dma_wait3A_64 = arith.constant 0 : i32
    %dma_wait3A_65 = tpu.memref_slice %arg10[%rem3A_57, %dma_wait3A, %dma_wait3A_64] : memref<4x128x64xf32, #tpu.memory_space<vmem>> -> memref<1x128x64xf32, #tpu.memory_space<vmem>>
    %dma_wait3A_66 = tpu.memref_squeeze %dma_wait3A_65 : memref<1x128x64xf32, #tpu.memory_space<vmem>> -> memref<128x64xf32, #tpu.memory_space<vmem>>
    %dma_wait3A_67 = arith.constant 0 : i32
    %dma_wait3A_68 = tpu.memref_slice %arg9[%rem3A_60, %rem3A_63, %dma_wait3A_67] : memref<2x20x128xi32, #tpu.memory_space<vmem>> -> memref<1x1x128xi32, #tpu.memory_space<vmem>>
    %dma_wait3A_69 = tpu.memref_squeeze %dma_wait3A_68 : memref<1x1x128xi32, #tpu.memory_space<vmem>> -> memref<128xi32, #tpu.memory_space<vmem>>
    %dma_wait3A_70 = arith.constant 0 : i32
    %dma_wait3A_71 = arith.constant 0 : i32
    %dma_wait3A_72 = tpu.memref_slice %arg7[%dma_wait3A_70, %dma_wait3A_71] : memref<20112x64xf32, #tpu.memory_space<vmem_shared>> -> memref<20112x64xf32, #tpu.memory_space<vmem_shared>>
    tpu.wait_indirect_dma semaphore(%arg12 : memref<!tpu.dma_semaphore, #tpu.memory_space<semaphore_mem>>) src(%dma_wait3A_66 : memref<128x64xf32, #tpu.memory_space<vmem>>) dst(%dma_wait3A_72 : memref<20112x64xf32, #tpu.memory_space<vmem_shared>>)
    %rem3A_73 = arith.constant 79 : i32
    %rem3A_74 = arith.constant 4 : i32
    %rem3A_75 = arith.remsi %rem3A_73, %rem3A_74 : i32
    %rem3A_76 = arith.constant 3 : i32
    %rem3A_77 = arith.constant 2 : i32
    %rem3A_78 = arith.remsi %rem3A_76, %rem3A_77 : i32
    %rem3A_79 = arith.constant 79 : i32
    %rem3A_80 = arith.constant 20 : i32
    %rem3A_81 = arith.remsi %rem3A_79, %rem3A_80 : i32
    %dma_wait3A_82 = arith.constant 0 : i32
    %dma_wait3A_83 = arith.constant 0 : i32
    %dma_wait3A_84 = tpu.memref_slice %arg10[%rem3A_75, %dma_wait3A_82, %dma_wait3A_83] : memref<4x128x64xf32, #tpu.memory_space<vmem>> -> memref<1x128x64xf32, #tpu.memory_space<vmem>>
    %dma_wait3A_85 = tpu.memref_squeeze %dma_wait3A_84 : memref<1x128x64xf32, #tpu.memory_space<vmem>> -> memref<128x64xf32, #tpu.memory_space<vmem>>
    %dma_wait3A_86 = arith.constant 0 : i32
    %dma_wait3A_87 = tpu.memref_slice %arg9[%rem3A_78, %rem3A_81, %dma_wait3A_86] : memref<2x20x128xi32, #tpu.memory_space<vmem>> -> memref<1x1x128xi32, #tpu.memory_space<vmem>>
    %dma_wait3A_88 = tpu.memref_squeeze %dma_wait3A_87 : memref<1x1x128xi32, #tpu.memory_space<vmem>> -> memref<128xi32, #tpu.memory_space<vmem>>
    %dma_wait3A_89 = arith.constant 0 : i32
    %dma_wait3A_90 = arith.constant 0 : i32
    %dma_wait3A_91 = tpu.memref_slice %arg7[%dma_wait3A_89, %dma_wait3A_90] : memref<20112x64xf32, #tpu.memory_space<vmem_shared>> -> memref<20112x64xf32, #tpu.memory_space<vmem_shared>>
    tpu.wait_indirect_dma semaphore(%arg12 : memref<!tpu.dma_semaphore, #tpu.memory_space<semaphore_mem>>) src(%dma_wait3A_85 : memref<128x64xf32, #tpu.memory_space<vmem>>) dst(%dma_wait3A_91 : memref<20112x64xf32, #tpu.memory_space<vmem_shared>>)
    %barrier3A_92 = arith.constant 0 : index
    tpu.barrier barrier_id(%barrier3A_92)
    "tpu.region"() ({
      %run_scoped3A = tpu.sem_alloc : memref<!tpu.dma_semaphore, #tpu.memory_space<semaphore_mem>>
      %dma_start3A_93 = arith.constant 0 : i32
      %dma_start3A_94 = tpu.memref_slice %arg6[%arg0, %mul3A_0, %dma_start3A_93] : memref<2x10112x64xf32, #tpu.memory_space<hbm>> -> memref<1x632x64xf32, #tpu.memory_space<hbm>>
      %dma_start3A_95 = tpu.memref_squeeze %dma_start3A_94 : memref<1x632x64xf32, #tpu.memory_space<hbm>> -> memref<632x64xf32, #tpu.memory_space<hbm>>
      %dma_start3A_96 = arith.constant 0 : i32
      %dma_start3A_97 = tpu.memref_slice %arg7[%mul3A_0, %dma_start3A_96] : memref<20112x64xf32, #tpu.memory_space<vmem_shared>> -> memref<632x64xf32, #tpu.memory_space<vmem_shared>>
      tpu.enqueue_dma source(%dma_start3A_97 : memref<632x64xf32, #tpu.memory_space<vmem_shared>>) target(%dma_start3A_95 : memref<632x64xf32, #tpu.memory_space<hbm>>) target_semaphore(%run_scoped3A : memref<!tpu.dma_semaphore, #tpu.memory_space<semaphore_mem>>)
      %dma_wait3A_98 = arith.constant 0 : i32
      %dma_wait3A_99 = tpu.memref_slice %arg6[%arg0, %mul3A_0, %dma_wait3A_98] : memref<2x10112x64xf32, #tpu.memory_space<hbm>> -> memref<1x632x64xf32, #tpu.memory_space<hbm>>
      %dma_wait3A_100 = tpu.memref_squeeze %dma_wait3A_99 : memref<1x632x64xf32, #tpu.memory_space<hbm>> -> memref<632x64xf32, #tpu.memory_space<hbm>>
      %dma_wait3A_101 = arith.constant 0 : i32
      %dma_wait3A_102 = tpu.memref_slice %arg7[%mul3A_0, %dma_wait3A_101] : memref<20112x64xf32, #tpu.memory_space<vmem_shared>> -> memref<632x64xf32, #tpu.memory_space<vmem_shared>>
      tpu.wait_dma2 semaphore(%run_scoped3A : memref<!tpu.dma_semaphore, #tpu.memory_space<semaphore_mem>>) src(%dma_wait3A_102 : memref<632x64xf32, #tpu.memory_space<vmem_shared>>) dst(%dma_wait3A_100 : memref<632x64xf32, #tpu.memory_space<hbm>>)
      tpu.yield
    }) : () -> ()
    return
  }
}

#map = affine_map<(d0, d1) -> (0, 0)>
#map1 = affine_map<(d0, d1) -> (0, 0, 0)>
module attributes {stable_mosaic.version = 14 : i64} {
  func.func @body(%arg0: i32, %arg1: i32, %arg2: memref<2560x128xi32, #tpu.memory_space<hbm>>, %arg3: memref<2560x128xi32, #tpu.memory_space<hbm>>, %arg4: memref<10000x8xf32, #tpu.memory_space<hbm>>, %arg5: memref<10112x8xf32, #tpu.memory_space<hbm>>, %arg6: memref<2x10112x8xf32, #tpu.memory_space<hbm>>, %arg7: memref<20112x8xf32, #tpu.memory_space<vmem_shared>>, %arg8: memref<2x20x128xi32, #tpu.memory_space<vmem>>, %arg9: memref<2x20x128xi32, #tpu.memory_space<vmem>>, %arg10: memref<4x128x8xf32, #tpu.memory_space<vmem>>, %arg11: memref<!tpu.dma_semaphore, #tpu.memory_space<semaphore_mem>>, %arg12: memref<!tpu.dma_semaphore, #tpu.memory_space<semaphore_mem>>) attributes {dimension_semantics = [#tpu.dimension_semantics<core_parallel>, #tpu.dimension_semantics<subcore_parallel>], iteration_bounds = array<i64: 2, 16>, scalar_prefetch = 0 : i64, scratch_operands = 6 : i64, tpu.core_type = #tpu.core_type<sc_vector_subcore>, window_params = [{transform_indices = #map}, {transform_indices = #map}, {transform_indices = #map}, {transform_indices = #map}, {transform_indices = #map1}]} {
    %mul3A = arith.constant 632 : i32
    %mul3A_0 = arith.muli %arg1, %mul3A : i32
    "tpu.region"() ({
      %run_scoped3A = tpu.sem_alloc : memref<!tpu.dma_semaphore, #tpu.memory_space<semaphore_mem>>
      %dma_start3A_93 = arith.constant 0 : i32
      %dma_start3A_94 = tpu.memref_slice %arg7[%mul3A_0, %dma_start3A_93] : memref<20112x8xf32, #tpu.memory_space<vmem_shared>> -> memref<632x8xf32, #tpu.memory_space<vmem_shared>>
      %dma_start3A_95 = arith.constant 0 : i32
      %dma_start3A_96 = tpu.memref_slice %arg5[%mul3A_0, %dma_start3A_95] : memref<10112x8xf32, #tpu.memory_space<hbm>> -> memref<632x8xf32, #tpu.memory_space<hbm>>
      tpu.enqueue_dma source(%dma_start3A_96 : memref<632x8xf32, #tpu.memory_space<hbm>>) target(%dma_start3A_94 : memref<632x8xf32, #tpu.memory_space<vmem_shared>>) target_semaphore(%run_scoped3A : memref<!tpu.dma_semaphore, #tpu.memory_space<semaphore_mem>>)
      %dma_wait3A_97 = arith.constant 0 : i32
      %dma_wait3A_98 = tpu.memref_slice %arg7[%mul3A_0, %dma_wait3A_97] : memref<20112x8xf32, #tpu.memory_space<vmem_shared>> -> memref<632x8xf32, #tpu.memory_space<vmem_shared>>
      %dma_wait3A_99 = arith.constant 0 : i32
      %dma_wait3A_100 = tpu.memref_slice %arg5[%mul3A_0, %dma_wait3A_99] : memref<10112x8xf32, #tpu.memory_space<hbm>> -> memref<632x8xf32, #tpu.memory_space<hbm>>
      tpu.wait_dma2 semaphore(%run_scoped3A : memref<!tpu.dma_semaphore, #tpu.memory_space<semaphore_mem>>) src(%dma_wait3A_100 : memref<632x8xf32, #tpu.memory_space<hbm>>) dst(%dma_wait3A_98 : memref<632x8xf32, #tpu.memory_space<vmem_shared>>)
      tpu.yield
    }) : () -> ()
    %mul3A_1 = arith.constant 625 : i32
    %mul3A_2 = arith.muli %arg1, %mul3A_1 : i32
    %add3A = arith.constant 10112 : i32
    %add3A_3 = arith.addi %add3A, %mul3A_2 : i32
    "tpu.region"() ({
      %run_scoped3A = tpu.sem_alloc : memref<!tpu.dma_semaphore, #tpu.memory_space<semaphore_mem>>
      %dma_start3A_93 = arith.constant 0 : i32
      %dma_start3A_94 = tpu.memref_slice %arg7[%add3A_3, %dma_start3A_93] : memref<20112x8xf32, #tpu.memory_space<vmem_shared>> -> memref<625x8xf32, #tpu.memory_space<vmem_shared>>
      %dma_start3A_95 = arith.constant 0 : i32
      %dma_start3A_96 = tpu.memref_slice %arg4[%mul3A_2, %dma_start3A_95] : memref<10000x8xf32, #tpu.memory_space<hbm>> -> memref<625x8xf32, #tpu.memory_space<hbm>>
      tpu.enqueue_dma source(%dma_start3A_96 : memref<625x8xf32, #tpu.memory_space<hbm>>) target(%dma_start3A_94 : memref<625x8xf32, #tpu.memory_space<vmem_shared>>) target_semaphore(%run_scoped3A : memref<!tpu.dma_semaphore, #tpu.memory_space<semaphore_mem>>)
      %dma_wait3A_97 = arith.constant 0 : i32
      %dma_wait3A_98 = tpu.memref_slice %arg7[%add3A_3, %dma_wait3A_97] : memref<20112x8xf32, #tpu.memory_space<vmem_shared>> -> memref<625x8xf32, #tpu.memory_space<vmem_shared>>
      %dma_wait3A_99 = arith.constant 0 : i32
      %dma_wait3A_100 = tpu.memref_slice %arg4[%mul3A_2, %dma_wait3A_99] : memref<10000x8xf32, #tpu.memory_space<hbm>> -> memref<625x8xf32, #tpu.memory_space<hbm>>
      tpu.wait_dma2 semaphore(%run_scoped3A : memref<!tpu.dma_semaphore, #tpu.memory_space<semaphore_mem>>) src(%dma_wait3A_100 : memref<625x8xf32, #tpu.memory_space<hbm>>) dst(%dma_wait3A_98 : memref<625x8xf32, #tpu.memory_space<vmem_shared>>)
      tpu.yield
    }) : () -> ()
    %mul3A_4 = arith.constant 16 : i32
    %mul3A_5 = arith.muli %arg0, %mul3A_4 : i32
    %add3A_6 = arith.addi %mul3A_5, %arg1 : i32
    %mul3A_7 = arith.constant 80 : i32
    %mul3A_8 = arith.muli %add3A_6, %mul3A_7 : i32
    %barrier3A = arith.constant 0 : index
    tpu.barrier barrier_id(%barrier3A)
    %add3A_9 = arith.constant 0 : i32
    %add3A_10 = arith.addi %mul3A_8, %add3A_9 : i32
    %rem3A = arith.constant 0 : i32
    %rem3A_11 = arith.constant 2 : i32
    %rem3A_12 = arith.remsi %rem3A, %rem3A_11 : i32
    "tpu.region"() ({
      %run_scoped3A = tpu.sem_alloc : memref<!tpu.dma_semaphore, #tpu.memory_space<semaphore_mem>>
      %dma_start3A_93 = arith.constant 0 : i32
      %dma_start3A_94 = arith.constant 0 : i32
      %dma_start3A_95 = tpu.memref_slice %arg8[%rem3A_12, %dma_start3A_93, %dma_start3A_94] : memref<2x20x128xi32, #tpu.memory_space<vmem>> -> memref<1x20x128xi32, #tpu.memory_space<vmem>>
      %dma_start3A_96 = tpu.memref_squeeze %dma_start3A_95 : memref<1x20x128xi32, #tpu.memory_space<vmem>> -> memref<20x128xi32, #tpu.memory_space<vmem>>
      %dma_start3A_97 = arith.constant 0 : i32
      %dma_start3A_98 = tpu.memref_slice %arg2[%add3A_10, %dma_start3A_97] : memref<2560x128xi32, #tpu.memory_space<hbm>> -> memref<20x128xi32, #tpu.memory_space<hbm>>
      %dma_start3A_99 = arith.constant 0 : i32
      %dma_start3A_100 = arith.constant 0 : i32
      %dma_start3A_101 = tpu.memref_slice %arg8[%rem3A_12, %dma_start3A_99, %dma_start3A_100] : memref<2x20x128xi32, #tpu.memory_space<vmem>> -> memref<1x20x128xi32, #tpu.memory_space<vmem>>
      %dma_start3A_102 = tpu.memref_squeeze %dma_start3A_101 : memref<1x20x128xi32, #tpu.memory_space<vmem>> -> memref<20x128xi32, #tpu.memory_space<vmem>>
      %dma_start3A_103 = arith.constant 0 : i32
      %dma_start3A_104 = tpu.memref_slice %arg2[%add3A_10, %dma_start3A_103] : memref<2560x128xi32, #tpu.memory_space<hbm>> -> memref<20x128xi32, #tpu.memory_space<hbm>>
      tpu.enqueue_dma source(%dma_start3A_104 : memref<20x128xi32, #tpu.memory_space<hbm>>) target(%dma_start3A_102 : memref<20x128xi32, #tpu.memory_space<vmem>>) target_semaphore(%run_scoped3A : memref<!tpu.dma_semaphore, #tpu.memory_space<semaphore_mem>>)
      %dma_wait3A_105 = arith.constant 0 : i32
      %dma_wait3A_106 = arith.constant 0 : i32
      %dma_wait3A_107 = tpu.memref_slice %arg8[%rem3A_12, %dma_wait3A_105, %dma_wait3A_106] : memref<2x20x128xi32, #tpu.memory_space<vmem>> -> memref<1x20x128xi32, #tpu.memory_space<vmem>>
      %dma_wait3A_108 = tpu.memref_squeeze %dma_wait3A_107 : memref<1x20x128xi32, #tpu.memory_space<vmem>> -> memref<20x128xi32, #tpu.memory_space<vmem>>
      %dma_wait3A_109 = arith.constant 0 : i32
      %dma_wait3A_110 = tpu.memref_slice %arg2[%add3A_10, %dma_wait3A_109] : memref<2560x128xi32, #tpu.memory_space<hbm>> -> memref<20x128xi32, #tpu.memory_space<hbm>>
      %dma_wait3A_111 = arith.constant 0 : i32
      %dma_wait3A_112 = arith.constant 0 : i32
      %dma_wait3A_113 = tpu.memref_slice %arg8[%rem3A_12, %dma_wait3A_111, %dma_wait3A_112] : memref<2x20x128xi32, #tpu.memory_space<vmem>> -> memref<1x20x128xi32, #tpu.memory_space<vmem>>
      %dma_wait3A_114 = tpu.memref_squeeze %dma_wait3A_113 : memref<1x20x128xi32, #tpu.memory_space<vmem>> -> memref<20x128xi32, #tpu.memory_space<vmem>>
      %dma_wait3A_115 = arith.constant 0 : i32
      %dma_wait3A_116 = tpu.memref_slice %arg2[%add3A_10, %dma_wait3A_115] : memref<2560x128xi32, #tpu.memory_space<hbm>> -> memref<20x128xi32, #tpu.memory_space<hbm>>
      tpu.wait_dma2 semaphore(%run_scoped3A : memref<!tpu.dma_semaphore, #tpu.memory_space<semaphore_mem>>) src(%dma_wait3A_116 : memref<20x128xi32, #tpu.memory_space<hbm>>) dst(%dma_wait3A_114 : memref<20x128xi32, #tpu.memory_space<vmem>>)
      tpu.yield
    }) : () -> ()
    "tpu.region"() ({
      %run_scoped3A = tpu.sem_alloc : memref<!tpu.dma_semaphore, #tpu.memory_space<semaphore_mem>>
      %dma_start3A_93 = arith.constant 0 : i32
      %dma_start3A_94 = arith.constant 0 : i32
      %dma_start3A_95 = tpu.memref_slice %arg9[%rem3A_12, %dma_start3A_93, %dma_start3A_94] : memref<2x20x128xi32, #tpu.memory_space<vmem>> -> memref<1x20x128xi32, #tpu.memory_space<vmem>>
      %dma_start3A_96 = tpu.memref_squeeze %dma_start3A_95 : memref<1x20x128xi32, #tpu.memory_space<vmem>> -> memref<20x128xi32, #tpu.memory_space<vmem>>
      %dma_start3A_97 = arith.constant 0 : i32
      %dma_start3A_98 = tpu.memref_slice %arg3[%add3A_10, %dma_start3A_97] : memref<2560x128xi32, #tpu.memory_space<hbm>> -> memref<20x128xi32, #tpu.memory_space<hbm>>
      %dma_start3A_99 = arith.constant 0 : i32
      %dma_start3A_100 = arith.constant 0 : i32
      %dma_start3A_101 = tpu.memref_slice %arg9[%rem3A_12, %dma_start3A_99, %dma_start3A_100] : memref<2x20x128xi32, #tpu.memory_space<vmem>> -> memref<1x20x128xi32, #tpu.memory_space<vmem>>
      %dma_start3A_102 = tpu.memref_squeeze %dma_start3A_101 : memref<1x20x128xi32, #tpu.memory_space<vmem>> -> memref<20x128xi32, #tpu.memory_space<vmem>>
      %dma_start3A_103 = arith.constant 0 : i32
      %dma_start3A_104 = tpu.memref_slice %arg3[%add3A_10, %dma_start3A_103] : memref<2560x128xi32, #tpu.memory_space<hbm>> -> memref<20x128xi32, #tpu.memory_space<hbm>>
      tpu.enqueue_dma source(%dma_start3A_104 : memref<20x128xi32, #tpu.memory_space<hbm>>) target(%dma_start3A_102 : memref<20x128xi32, #tpu.memory_space<vmem>>) target_semaphore(%run_scoped3A : memref<!tpu.dma_semaphore, #tpu.memory_space<semaphore_mem>>)
      %dma_wait3A_105 = arith.constant 0 : i32
      %dma_wait3A_106 = arith.constant 0 : i32
      %dma_wait3A_107 = tpu.memref_slice %arg9[%rem3A_12, %dma_wait3A_105, %dma_wait3A_106] : memref<2x20x128xi32, #tpu.memory_space<vmem>> -> memref<1x20x128xi32, #tpu.memory_space<vmem>>
      %dma_wait3A_108 = tpu.memref_squeeze %dma_wait3A_107 : memref<1x20x128xi32, #tpu.memory_space<vmem>> -> memref<20x128xi32, #tpu.memory_space<vmem>>
      %dma_wait3A_109 = arith.constant 0 : i32
      %dma_wait3A_110 = tpu.memref_slice %arg3[%add3A_10, %dma_wait3A_109] : memref<2560x128xi32, #tpu.memory_space<hbm>> -> memref<20x128xi32, #tpu.memory_space<hbm>>
      %dma_wait3A_111 = arith.constant 0 : i32
      %dma_wait3A_112 = arith.constant 0 : i32
      %dma_wait3A_113 = tpu.memref_slice %arg9[%rem3A_12, %dma_wait3A_111, %dma_wait3A_112] : memref<2x20x128xi32, #tpu.memory_space<vmem>> -> memref<1x20x128xi32, #tpu.memory_space<vmem>>
      %dma_wait3A_114 = tpu.memref_squeeze %dma_wait3A_113 : memref<1x20x128xi32, #tpu.memory_space<vmem>> -> memref<20x128xi32, #tpu.memory_space<vmem>>
      %dma_wait3A_115 = arith.constant 0 : i32
      %dma_wait3A_116 = tpu.memref_slice %arg3[%add3A_10, %dma_wait3A_115] : memref<2560x128xi32, #tpu.memory_space<hbm>> -> memref<20x128xi32, #tpu.memory_space<hbm>>
      tpu.wait_dma2 semaphore(%run_scoped3A : memref<!tpu.dma_semaphore, #tpu.memory_space<semaphore_mem>>) src(%dma_wait3A_116 : memref<20x128xi32, #tpu.memory_space<hbm>>) dst(%dma_wait3A_114 : memref<20x128xi32, #tpu.memory_space<vmem>>)
      tpu.yield
    }) : () -> ()
    %rem3A_13 = arith.constant 0 : i32
    %rem3A_14 = arith.constant 2 : i32
    %rem3A_15 = arith.remsi %rem3A_13, %rem3A_14 : i32
    %rem3A_16 = arith.constant 0 : i32
    %rem3A_17 = arith.constant 20 : i32
    %rem3A_18 = arith.remsi %rem3A_16, %rem3A_17 : i32
    %rem3A_19 = arith.constant 0 : i32
    %rem3A_20 = arith.constant 4 : i32
    %rem3A_21 = arith.remsi %rem3A_19, %rem3A_20 : i32
    %dma_start3A = arith.constant 0 : i32
    %dma_start3A_22 = arith.constant 0 : i32
    %dma_start3A_23 = tpu.memref_slice %arg10[%rem3A_21, %dma_start3A, %dma_start3A_22] : memref<4x128x8xf32, #tpu.memory_space<vmem>> -> memref<1x128x8xf32, #tpu.memory_space<vmem>>
    %dma_start3A_24 = tpu.memref_squeeze %dma_start3A_23 : memref<1x128x8xf32, #tpu.memory_space<vmem>> -> memref<128x8xf32, #tpu.memory_space<vmem>>
    %dma_start3A_25 = arith.constant 0 : i32
    %dma_start3A_26 = tpu.memref_slice %arg8[%rem3A_15, %rem3A_18, %dma_start3A_25] : memref<2x20x128xi32, #tpu.memory_space<vmem>> -> memref<1x1x128xi32, #tpu.memory_space<vmem>>
    %dma_start3A_27 = tpu.memref_squeeze %dma_start3A_26 : memref<1x1x128xi32, #tpu.memory_space<vmem>> -> memref<128xi32, #tpu.memory_space<vmem>>
    %dma_start3A_28 = arith.constant 0 : i32
    %dma_start3A_29 = arith.constant 0 : i32
    %dma_start3A_30 = tpu.memref_slice %arg7[%dma_start3A_28, %dma_start3A_29] : memref<20112x8xf32, #tpu.memory_space<vmem_shared>> -> memref<20112x8xf32, #tpu.memory_space<vmem_shared>>
    tpu.enqueue_indirect_dma source(%dma_start3A_30 : memref<20112x8xf32, #tpu.memory_space<vmem_shared>>) target(%dma_start3A_24 : memref<128x8xf32, #tpu.memory_space<vmem>>) offsets(%dma_start3A_27 : memref<128xi32, #tpu.memory_space<vmem>>) semaphore(%arg11 : memref<!tpu.dma_semaphore, #tpu.memory_space<semaphore_mem>>)
    %rem3A_31 = arith.constant 0 : i32
    %rem3A_32 = arith.constant 2 : i32
    %rem3A_33 = arith.remsi %rem3A_31, %rem3A_32 : i32
    %rem3A_34 = arith.constant 1 : i32
    %rem3A_35 = arith.constant 20 : i32
    %rem3A_36 = arith.remsi %rem3A_34, %rem3A_35 : i32
    %rem3A_37 = arith.constant 1 : i32
    %rem3A_38 = arith.constant 4 : i32
    %rem3A_39 = arith.remsi %rem3A_37, %rem3A_38 : i32
    %dma_start3A_40 = arith.constant 0 : i32
    %dma_start3A_41 = arith.constant 0 : i32
    %dma_start3A_42 = tpu.memref_slice %arg10[%rem3A_39, %dma_start3A_40, %dma_start3A_41] : memref<4x128x8xf32, #tpu.memory_space<vmem>> -> memref<1x128x8xf32, #tpu.memory_space<vmem>>
    %dma_start3A_43 = tpu.memref_squeeze %dma_start3A_42 : memref<1x128x8xf32, #tpu.memory_space<vmem>> -> memref<128x8xf32, #tpu.memory_space<vmem>>
    %dma_start3A_44 = arith.constant 0 : i32
    %dma_start3A_45 = tpu.memref_slice %arg8[%rem3A_33, %rem3A_36, %dma_start3A_44] : memref<2x20x128xi32, #tpu.memory_space<vmem>> -> memref<1x1x128xi32, #tpu.memory_space<vmem>>
    %dma_start3A_46 = tpu.memref_squeeze %dma_start3A_45 : memref<1x1x128xi32, #tpu.memory_space<vmem>> -> memref<128xi32, #tpu.memory_space<vmem>>
    %dma_start3A_47 = arith.constant 0 : i32
    %dma_start3A_48 = arith.constant 0 : i32
    %dma_start3A_49 = tpu.memref_slice %arg7[%dma_start3A_47, %dma_start3A_48] : memref<20112x8xf32, #tpu.memory_space<vmem_shared>> -> memref<20112x8xf32, #tpu.memory_space<vmem_shared>>
    tpu.enqueue_indirect_dma source(%dma_start3A_49 : memref<20112x8xf32, #tpu.memory_space<vmem_shared>>) target(%dma_start3A_43 : memref<128x8xf32, #tpu.memory_space<vmem>>) offsets(%dma_start3A_46 : memref<128xi32, #tpu.memory_space<vmem>>) semaphore(%arg11 : memref<!tpu.dma_semaphore, #tpu.memory_space<semaphore_mem>>)
    %scan3A = arith.constant 0 : i32
    %scan3A_50 = arith.constant 0 : i32
    %scan3A_51 = arith.constant 80 : i32
    %scan3A_52 = arith.addi %scan3A_50, %scan3A_51 : i32
    %scan3A_53 = arith.constant 1 : i32
    scf.for %scan3A_93 = %scan3A_50 to %scan3A_52 step %scan3A_53  : i32 {
      %ge3A = arith.constant 2 : i32
      %ge3A_94 = arith.cmpi sge, %scan3A_93, %ge3A : i32
      %convert_element_type3A = arith.extui %ge3A_94 : i1 to i32
      %cond3A = arith.constant 0 : i32
      %cond3A_95 = arith.cmpi ne, %convert_element_type3A, %cond3A : i32
      scf.if %cond3A_95 {
        %sub3A_175 = arith.constant 2 : i32
        %sub3A_176 = arith.subi %scan3A_93, %sub3A_175 : i32
        %rem3A_177 = arith.constant 4 : i32
        %rem3A_178 = arith.remsi %sub3A_176, %rem3A_177 : i32
        %jit3A_179 = arith.constant 20 : i32
        %div3A_180 = arith.divsi %sub3A_176, %jit3A_179 : i32
        %sign3A_181 = arith.constant 0 : i32
        %sign3A_182 = arith.cmpi sgt, %sub3A_176, %sign3A_181 : i32
        %sign3A_183 = arith.extui %sign3A_182 : i1 to i32
        %sign3A_184 = arith.constant 0 : i32
        %sign3A_185 = arith.cmpi slt, %sub3A_176, %sign3A_184 : i32
        %sign3A_186 = arith.extui %sign3A_185 : i1 to i32
        %sign3A_187 = arith.subi %sign3A_183, %sign3A_186 : i32
        %sign3A_188 = arith.constant 0 : i32
        %sign3A_189 = arith.cmpi sgt, %jit3A_179, %sign3A_188 : i32
        %sign3A_190 = arith.extui %sign3A_189 : i1 to i32
        %sign3A_191 = arith.constant 0 : i32
        %sign3A_192 = arith.cmpi slt, %jit3A_179, %sign3A_191 : i32
        %sign3A_193 = arith.extui %sign3A_192 : i1 to i32
        %sign3A_194 = arith.subi %sign3A_190, %sign3A_193 : i32
        %ne3A_195 = arith.cmpi ne, %sign3A_187, %sign3A_194 : i32
        %rem3A_196 = arith.remsi %sub3A_176, %jit3A_179 : i32
        %ne3A_197 = arith.constant 0 : i32
        %ne3A_198 = arith.cmpi ne, %rem3A_196, %ne3A_197 : i32
        %and3A_199 = arith.andi %ne3A_195, %ne3A_198 : i1
        %sub3A_200 = arith.constant 1 : i32
        %sub3A_201 = arith.subi %div3A_180, %sub3A_200 : i32
        %select_n3A_202 = arith.select %and3A_199, %sub3A_201, %div3A_180 : i32
        %rem3A_203 = arith.constant 2 : i32
        %rem3A_204 = arith.remsi %select_n3A_202, %rem3A_203 : i32
        %rem3A_205 = arith.constant 20 : i32
        %rem3A_206 = arith.remsi %sub3A_176, %rem3A_205 : i32
        %dma_wait3A_207 = arith.constant 0 : i32
        %dma_wait3A_208 = arith.constant 0 : i32
        %dma_wait3A_209 = tpu.memref_slice %arg10[%rem3A_178, %dma_wait3A_207, %dma_wait3A_208] : memref<4x128x8xf32, #tpu.memory_space<vmem>> -> memref<1x128x8xf32, #tpu.memory_space<vmem>>
        %dma_wait3A_210 = tpu.memref_squeeze %dma_wait3A_209 : memref<1x128x8xf32, #tpu.memory_space<vmem>> -> memref<128x8xf32, #tpu.memory_space<vmem>>
        %dma_wait3A_211 = arith.constant 0 : i32
        %dma_wait3A_212 = tpu.memref_slice %arg9[%rem3A_204, %rem3A_206, %dma_wait3A_211] : memref<2x20x128xi32, #tpu.memory_space<vmem>> -> memref<1x1x128xi32, #tpu.memory_space<vmem>>
        %dma_wait3A_213 = tpu.memref_squeeze %dma_wait3A_212 : memref<1x1x128xi32, #tpu.memory_space<vmem>> -> memref<128xi32, #tpu.memory_space<vmem>>
        %dma_wait3A_214 = arith.constant 0 : i32
        %dma_wait3A_215 = arith.constant 0 : i32
        %dma_wait3A_216 = tpu.memref_slice %arg7[%dma_wait3A_214, %dma_wait3A_215] : memref<20112x8xf32, #tpu.memory_space<vmem_shared>> -> memref<20112x8xf32, #tpu.memory_space<vmem_shared>>
        tpu.wait_indirect_dma semaphore(%arg12 : memref<!tpu.dma_semaphore, #tpu.memory_space<semaphore_mem>>) src(%dma_wait3A_210 : memref<128x8xf32, #tpu.memory_space<vmem>>) dst(%dma_wait3A_216 : memref<20112x8xf32, #tpu.memory_space<vmem_shared>>)
      } else {
      }
      %add3A_96 = arith.constant 2 : i32
      %add3A_97 = arith.addi %scan3A_93, %add3A_96 : i32
      %lt3A = arith.constant 80 : i32
      %lt3A_98 = arith.cmpi slt, %add3A_97, %lt3A : i32
      %convert_element_type3A_99 = arith.extui %lt3A_98 : i1 to i32
      %cond3A_100 = arith.constant 0 : i32
      %cond3A_101 = arith.cmpi ne, %convert_element_type3A_99, %cond3A_100 : i32
      scf.if %cond3A_101 {
        %rem3A_175 = arith.constant 20 : i32
        %rem3A_176 = arith.remsi %add3A_97, %rem3A_175 : i32
        %eq3A = arith.constant 0 : i32
        %eq3A_177 = arith.cmpi eq, %rem3A_176, %eq3A : i32
        %convert_element_type3A_178 = arith.extui %eq3A_177 : i1 to i32
        %cond3A_179 = arith.constant 0 : i32
        %cond3A_180 = arith.cmpi ne, %convert_element_type3A_178, %cond3A_179 : i32
        scf.if %cond3A_180 {
          %jit3A_221 = arith.constant 20 : i32
          %div3A_222 = arith.divsi %add3A_97, %jit3A_221 : i32
          %sign3A_223 = arith.constant 0 : i32
          %sign3A_224 = arith.cmpi sgt, %add3A_97, %sign3A_223 : i32
          %sign3A_225 = arith.extui %sign3A_224 : i1 to i32
          %sign3A_226 = arith.constant 0 : i32
          %sign3A_227 = arith.cmpi slt, %add3A_97, %sign3A_226 : i32
          %sign3A_228 = arith.extui %sign3A_227 : i1 to i32
          %sign3A_229 = arith.subi %sign3A_225, %sign3A_228 : i32
          %sign3A_230 = arith.constant 0 : i32
          %sign3A_231 = arith.cmpi sgt, %jit3A_221, %sign3A_230 : i32
          %sign3A_232 = arith.extui %sign3A_231 : i1 to i32
          %sign3A_233 = arith.constant 0 : i32
          %sign3A_234 = arith.cmpi slt, %jit3A_221, %sign3A_233 : i32
          %sign3A_235 = arith.extui %sign3A_234 : i1 to i32
          %sign3A_236 = arith.subi %sign3A_232, %sign3A_235 : i32
          %ne3A_237 = arith.cmpi ne, %sign3A_229, %sign3A_236 : i32
          %rem3A_238 = arith.remsi %add3A_97, %jit3A_221 : i32
          %ne3A_239 = arith.constant 0 : i32
          %ne3A_240 = arith.cmpi ne, %rem3A_238, %ne3A_239 : i32
          %and3A_241 = arith.andi %ne3A_237, %ne3A_240 : i1
          %sub3A_242 = arith.constant 1 : i32
          %sub3A_243 = arith.subi %div3A_222, %sub3A_242 : i32
          %select_n3A_244 = arith.select %and3A_241, %sub3A_243, %div3A_222 : i32
          %mul3A_245 = arith.constant 20 : i32
          %mul3A_246 = arith.muli %select_n3A_244, %mul3A_245 : i32
          %add3A_247 = arith.addi %mul3A_8, %mul3A_246 : i32
          %rem3A_248 = arith.constant 2 : i32
          %rem3A_249 = arith.remsi %select_n3A_244, %rem3A_248 : i32
          "tpu.region"() ({
            %run_scoped3A = tpu.sem_alloc : memref<!tpu.dma_semaphore, #tpu.memory_space<semaphore_mem>>
            %dma_start3A_250 = arith.constant 0 : i32
            %dma_start3A_251 = arith.constant 0 : i32
            %dma_start3A_252 = tpu.memref_slice %arg8[%rem3A_249, %dma_start3A_250, %dma_start3A_251] : memref<2x20x128xi32, #tpu.memory_space<vmem>> -> memref<1x20x128xi32, #tpu.memory_space<vmem>>
            %dma_start3A_253 = tpu.memref_squeeze %dma_start3A_252 : memref<1x20x128xi32, #tpu.memory_space<vmem>> -> memref<20x128xi32, #tpu.memory_space<vmem>>
            %dma_start3A_254 = arith.constant 0 : i32
            %dma_start3A_255 = tpu.memref_slice %arg2[%add3A_247, %dma_start3A_254] : memref<2560x128xi32, #tpu.memory_space<hbm>> -> memref<20x128xi32, #tpu.memory_space<hbm>>
            %dma_start3A_256 = arith.constant 0 : i32
            %dma_start3A_257 = arith.constant 0 : i32
            %dma_start3A_258 = tpu.memref_slice %arg8[%rem3A_249, %dma_start3A_256, %dma_start3A_257] : memref<2x20x128xi32, #tpu.memory_space<vmem>> -> memref<1x20x128xi32, #tpu.memory_space<vmem>>
            %dma_start3A_259 = tpu.memref_squeeze %dma_start3A_258 : memref<1x20x128xi32, #tpu.memory_space<vmem>> -> memref<20x128xi32, #tpu.memory_space<vmem>>
            %dma_start3A_260 = arith.constant 0 : i32
            %dma_start3A_261 = tpu.memref_slice %arg2[%add3A_247, %dma_start3A_260] : memref<2560x128xi32, #tpu.memory_space<hbm>> -> memref<20x128xi32, #tpu.memory_space<hbm>>
            tpu.enqueue_dma source(%dma_start3A_261 : memref<20x128xi32, #tpu.memory_space<hbm>>) target(%dma_start3A_259 : memref<20x128xi32, #tpu.memory_space<vmem>>) target_semaphore(%run_scoped3A : memref<!tpu.dma_semaphore, #tpu.memory_space<semaphore_mem>>)
            %dma_wait3A_262 = arith.constant 0 : i32
            %dma_wait3A_263 = arith.constant 0 : i32
            %dma_wait3A_264 = tpu.memref_slice %arg8[%rem3A_249, %dma_wait3A_262, %dma_wait3A_263] : memref<2x20x128xi32, #tpu.memory_space<vmem>> -> memref<1x20x128xi32, #tpu.memory_space<vmem>>
            %dma_wait3A_265 = tpu.memref_squeeze %dma_wait3A_264 : memref<1x20x128xi32, #tpu.memory_space<vmem>> -> memref<20x128xi32, #tpu.memory_space<vmem>>
            %dma_wait3A_266 = arith.constant 0 : i32
            %dma_wait3A_267 = tpu.memref_slice %arg2[%add3A_247, %dma_wait3A_266] : memref<2560x128xi32, #tpu.memory_space<hbm>> -> memref<20x128xi32, #tpu.memory_space<hbm>>
            %dma_wait3A_268 = arith.constant 0 : i32
            %dma_wait3A_269 = arith.constant 0 : i32
            %dma_wait3A_270 = tpu.memref_slice %arg8[%rem3A_249, %dma_wait3A_268, %dma_wait3A_269] : memref<2x20x128xi32, #tpu.memory_space<vmem>> -> memref<1x20x128xi32, #tpu.memory_space<vmem>>
            %dma_wait3A_271 = tpu.memref_squeeze %dma_wait3A_270 : memref<1x20x128xi32, #tpu.memory_space<vmem>> -> memref<20x128xi32, #tpu.memory_space<vmem>>
            %dma_wait3A_272 = arith.constant 0 : i32
            %dma_wait3A_273 = tpu.memref_slice %arg2[%add3A_247, %dma_wait3A_272] : memref<2560x128xi32, #tpu.memory_space<hbm>> -> memref<20x128xi32, #tpu.memory_space<hbm>>
            tpu.wait_dma2 semaphore(%run_scoped3A : memref<!tpu.dma_semaphore, #tpu.memory_space<semaphore_mem>>) src(%dma_wait3A_273 : memref<20x128xi32, #tpu.memory_space<hbm>>) dst(%dma_wait3A_271 : memref<20x128xi32, #tpu.memory_space<vmem>>)
            tpu.yield
          }) : () -> ()
          "tpu.region"() ({
            %run_scoped3A = tpu.sem_alloc : memref<!tpu.dma_semaphore, #tpu.memory_space<semaphore_mem>>
            %dma_start3A_250 = arith.constant 0 : i32
            %dma_start3A_251 = arith.constant 0 : i32
            %dma_start3A_252 = tpu.memref_slice %arg9[%rem3A_249, %dma_start3A_250, %dma_start3A_251] : memref<2x20x128xi32, #tpu.memory_space<vmem>> -> memref<1x20x128xi32, #tpu.memory_space<vmem>>
            %dma_start3A_253 = tpu.memref_squeeze %dma_start3A_252 : memref<1x20x128xi32, #tpu.memory_space<vmem>> -> memref<20x128xi32, #tpu.memory_space<vmem>>
            %dma_start3A_254 = arith.constant 0 : i32
            %dma_start3A_255 = tpu.memref_slice %arg3[%add3A_247, %dma_start3A_254] : memref<2560x128xi32, #tpu.memory_space<hbm>> -> memref<20x128xi32, #tpu.memory_space<hbm>>
            %dma_start3A_256 = arith.constant 0 : i32
            %dma_start3A_257 = arith.constant 0 : i32
            %dma_start3A_258 = tpu.memref_slice %arg9[%rem3A_249, %dma_start3A_256, %dma_start3A_257] : memref<2x20x128xi32, #tpu.memory_space<vmem>> -> memref<1x20x128xi32, #tpu.memory_space<vmem>>
            %dma_start3A_259 = tpu.memref_squeeze %dma_start3A_258 : memref<1x20x128xi32, #tpu.memory_space<vmem>> -> memref<20x128xi32, #tpu.memory_space<vmem>>
            %dma_start3A_260 = arith.constant 0 : i32
            %dma_start3A_261 = tpu.memref_slice %arg3[%add3A_247, %dma_start3A_260] : memref<2560x128xi32, #tpu.memory_space<hbm>> -> memref<20x128xi32, #tpu.memory_space<hbm>>
            tpu.enqueue_dma source(%dma_start3A_261 : memref<20x128xi32, #tpu.memory_space<hbm>>) target(%dma_start3A_259 : memref<20x128xi32, #tpu.memory_space<vmem>>) target_semaphore(%run_scoped3A : memref<!tpu.dma_semaphore, #tpu.memory_space<semaphore_mem>>)
            %dma_wait3A_262 = arith.constant 0 : i32
            %dma_wait3A_263 = arith.constant 0 : i32
            %dma_wait3A_264 = tpu.memref_slice %arg9[%rem3A_249, %dma_wait3A_262, %dma_wait3A_263] : memref<2x20x128xi32, #tpu.memory_space<vmem>> -> memref<1x20x128xi32, #tpu.memory_space<vmem>>
            %dma_wait3A_265 = tpu.memref_squeeze %dma_wait3A_264 : memref<1x20x128xi32, #tpu.memory_space<vmem>> -> memref<20x128xi32, #tpu.memory_space<vmem>>
            %dma_wait3A_266 = arith.constant 0 : i32
            %dma_wait3A_267 = tpu.memref_slice %arg3[%add3A_247, %dma_wait3A_266] : memref<2560x128xi32, #tpu.memory_space<hbm>> -> memref<20x128xi32, #tpu.memory_space<hbm>>
            %dma_wait3A_268 = arith.constant 0 : i32
            %dma_wait3A_269 = arith.constant 0 : i32
            %dma_wait3A_270 = tpu.memref_slice %arg9[%rem3A_249, %dma_wait3A_268, %dma_wait3A_269] : memref<2x20x128xi32, #tpu.memory_space<vmem>> -> memref<1x20x128xi32, #tpu.memory_space<vmem>>
            %dma_wait3A_271 = tpu.memref_squeeze %dma_wait3A_270 : memref<1x20x128xi32, #tpu.memory_space<vmem>> -> memref<20x128xi32, #tpu.memory_space<vmem>>
            %dma_wait3A_272 = arith.constant 0 : i32
            %dma_wait3A_273 = tpu.memref_slice %arg3[%add3A_247, %dma_wait3A_272] : memref<2560x128xi32, #tpu.memory_space<hbm>> -> memref<20x128xi32, #tpu.memory_space<hbm>>
            tpu.wait_dma2 semaphore(%run_scoped3A : memref<!tpu.dma_semaphore, #tpu.memory_space<semaphore_mem>>) src(%dma_wait3A_273 : memref<20x128xi32, #tpu.memory_space<hbm>>) dst(%dma_wait3A_271 : memref<20x128xi32, #tpu.memory_space<vmem>>)
            tpu.yield
          }) : () -> ()
        } else {
        }
        %jit3A_181 = arith.constant 20 : i32
        %div3A_182 = arith.divsi %add3A_97, %jit3A_181 : i32
        %sign3A_183 = arith.constant 0 : i32
        %sign3A_184 = arith.cmpi sgt, %add3A_97, %sign3A_183 : i32
        %sign3A_185 = arith.extui %sign3A_184 : i1 to i32
        %sign3A_186 = arith.constant 0 : i32
        %sign3A_187 = arith.cmpi slt, %add3A_97, %sign3A_186 : i32
        %sign3A_188 = arith.extui %sign3A_187 : i1 to i32
        %sign3A_189 = arith.subi %sign3A_185, %sign3A_188 : i32
        %sign3A_190 = arith.constant 0 : i32
        %sign3A_191 = arith.cmpi sgt, %jit3A_181, %sign3A_190 : i32
        %sign3A_192 = arith.extui %sign3A_191 : i1 to i32
        %sign3A_193 = arith.constant 0 : i32
        %sign3A_194 = arith.cmpi slt, %jit3A_181, %sign3A_193 : i32
        %sign3A_195 = arith.extui %sign3A_194 : i1 to i32
        %sign3A_196 = arith.subi %sign3A_192, %sign3A_195 : i32
        %ne3A_197 = arith.cmpi ne, %sign3A_189, %sign3A_196 : i32
        %rem3A_198 = arith.remsi %add3A_97, %jit3A_181 : i32
        %ne3A_199 = arith.constant 0 : i32
        %ne3A_200 = arith.cmpi ne, %rem3A_198, %ne3A_199 : i32
        %and3A_201 = arith.andi %ne3A_197, %ne3A_200 : i1
        %sub3A_202 = arith.constant 1 : i32
        %sub3A_203 = arith.subi %div3A_182, %sub3A_202 : i32
        %select_n3A_204 = arith.select %and3A_201, %sub3A_203, %div3A_182 : i32
        %rem3A_205 = arith.constant 2 : i32
        %rem3A_206 = arith.remsi %select_n3A_204, %rem3A_205 : i32
        %rem3A_207 = arith.constant 20 : i32
        %rem3A_208 = arith.remsi %add3A_97, %rem3A_207 : i32
        %rem3A_209 = arith.constant 4 : i32
        %rem3A_210 = arith.remsi %add3A_97, %rem3A_209 : i32
        %dma_start3A_211 = arith.constant 0 : i32
        %dma_start3A_212 = arith.constant 0 : i32
        %dma_start3A_213 = tpu.memref_slice %arg10[%rem3A_210, %dma_start3A_211, %dma_start3A_212] : memref<4x128x8xf32, #tpu.memory_space<vmem>> -> memref<1x128x8xf32, #tpu.memory_space<vmem>>
        %dma_start3A_214 = tpu.memref_squeeze %dma_start3A_213 : memref<1x128x8xf32, #tpu.memory_space<vmem>> -> memref<128x8xf32, #tpu.memory_space<vmem>>
        %dma_start3A_215 = arith.constant 0 : i32
        %dma_start3A_216 = tpu.memref_slice %arg8[%rem3A_206, %rem3A_208, %dma_start3A_215] : memref<2x20x128xi32, #tpu.memory_space<vmem>> -> memref<1x1x128xi32, #tpu.memory_space<vmem>>
        %dma_start3A_217 = tpu.memref_squeeze %dma_start3A_216 : memref<1x1x128xi32, #tpu.memory_space<vmem>> -> memref<128xi32, #tpu.memory_space<vmem>>
        %dma_start3A_218 = arith.constant 0 : i32
        %dma_start3A_219 = arith.constant 0 : i32
        %dma_start3A_220 = tpu.memref_slice %arg7[%dma_start3A_218, %dma_start3A_219] : memref<20112x8xf32, #tpu.memory_space<vmem_shared>> -> memref<20112x8xf32, #tpu.memory_space<vmem_shared>>
        tpu.enqueue_indirect_dma source(%dma_start3A_220 : memref<20112x8xf32, #tpu.memory_space<vmem_shared>>) target(%dma_start3A_214 : memref<128x8xf32, #tpu.memory_space<vmem>>) offsets(%dma_start3A_217 : memref<128xi32, #tpu.memory_space<vmem>>) semaphore(%arg11 : memref<!tpu.dma_semaphore, #tpu.memory_space<semaphore_mem>>)
      } else {
      }
      %jit3A = arith.constant 20 : i32
      %div3A = arith.divsi %scan3A_93, %jit3A : i32
      %sign3A = arith.constant 0 : i32
      %sign3A_102 = arith.cmpi sgt, %scan3A_93, %sign3A : i32
      %sign3A_103 = arith.extui %sign3A_102 : i1 to i32
      %sign3A_104 = arith.constant 0 : i32
      %sign3A_105 = arith.cmpi slt, %scan3A_93, %sign3A_104 : i32
      %sign3A_106 = arith.extui %sign3A_105 : i1 to i32
      %sign3A_107 = arith.subi %sign3A_103, %sign3A_106 : i32
      %sign3A_108 = arith.constant 0 : i32
      %sign3A_109 = arith.cmpi sgt, %jit3A, %sign3A_108 : i32
      %sign3A_110 = arith.extui %sign3A_109 : i1 to i32
      %sign3A_111 = arith.constant 0 : i32
      %sign3A_112 = arith.cmpi slt, %jit3A, %sign3A_111 : i32
      %sign3A_113 = arith.extui %sign3A_112 : i1 to i32
      %sign3A_114 = arith.subi %sign3A_110, %sign3A_113 : i32
      %ne3A = arith.cmpi ne, %sign3A_107, %sign3A_114 : i32
      %rem3A_115 = arith.remsi %scan3A_93, %jit3A : i32
      %ne3A_116 = arith.constant 0 : i32
      %ne3A_117 = arith.cmpi ne, %rem3A_115, %ne3A_116 : i32
      %and3A = arith.andi %ne3A, %ne3A_117 : i1
      %sub3A = arith.constant 1 : i32
      %sub3A_118 = arith.subi %div3A, %sub3A : i32
      %select_n3A = arith.select %and3A, %sub3A_118, %div3A : i32
      %rem3A_119 = arith.constant 2 : i32
      %rem3A_120 = arith.remsi %select_n3A, %rem3A_119 : i32
      %rem3A_121 = arith.constant 20 : i32
      %rem3A_122 = arith.remsi %scan3A_93, %rem3A_121 : i32
      %rem3A_123 = arith.constant 4 : i32
      %rem3A_124 = arith.remsi %scan3A_93, %rem3A_123 : i32
      %dma_wait3A_125 = arith.constant 0 : i32
      %dma_wait3A_126 = arith.constant 0 : i32
      %dma_wait3A_127 = tpu.memref_slice %arg10[%rem3A_124, %dma_wait3A_125, %dma_wait3A_126] : memref<4x128x8xf32, #tpu.memory_space<vmem>> -> memref<1x128x8xf32, #tpu.memory_space<vmem>>
      %dma_wait3A_128 = tpu.memref_squeeze %dma_wait3A_127 : memref<1x128x8xf32, #tpu.memory_space<vmem>> -> memref<128x8xf32, #tpu.memory_space<vmem>>
      %dma_wait3A_129 = arith.constant 0 : i32
      %dma_wait3A_130 = tpu.memref_slice %arg8[%rem3A_120, %rem3A_122, %dma_wait3A_129] : memref<2x20x128xi32, #tpu.memory_space<vmem>> -> memref<1x1x128xi32, #tpu.memory_space<vmem>>
      %dma_wait3A_131 = tpu.memref_squeeze %dma_wait3A_130 : memref<1x1x128xi32, #tpu.memory_space<vmem>> -> memref<128xi32, #tpu.memory_space<vmem>>
      %dma_wait3A_132 = arith.constant 0 : i32
      %dma_wait3A_133 = arith.constant 0 : i32
      %dma_wait3A_134 = tpu.memref_slice %arg7[%dma_wait3A_132, %dma_wait3A_133] : memref<20112x8xf32, #tpu.memory_space<vmem_shared>> -> memref<20112x8xf32, #tpu.memory_space<vmem_shared>>
      tpu.wait_indirect_dma semaphore(%arg11 : memref<!tpu.dma_semaphore, #tpu.memory_space<semaphore_mem>>) src(%dma_wait3A_134 : memref<20112x8xf32, #tpu.memory_space<vmem_shared>>) dst(%dma_wait3A_128 : memref<128x8xf32, #tpu.memory_space<vmem>>)
      %rem3A_135 = arith.constant 4 : i32
      %rem3A_136 = arith.remsi %scan3A_93, %rem3A_135 : i32
      %jit3A_137 = arith.constant 20 : i32
      %div3A_138 = arith.divsi %scan3A_93, %jit3A_137 : i32
      %sign3A_139 = arith.constant 0 : i32
      %sign3A_140 = arith.cmpi sgt, %scan3A_93, %sign3A_139 : i32
      %sign3A_141 = arith.extui %sign3A_140 : i1 to i32
      %sign3A_142 = arith.constant 0 : i32
      %sign3A_143 = arith.cmpi slt, %scan3A_93, %sign3A_142 : i32
      %sign3A_144 = arith.extui %sign3A_143 : i1 to i32
      %sign3A_145 = arith.subi %sign3A_141, %sign3A_144 : i32
      %sign3A_146 = arith.constant 0 : i32
      %sign3A_147 = arith.cmpi sgt, %jit3A_137, %sign3A_146 : i32
      %sign3A_148 = arith.extui %sign3A_147 : i1 to i32
      %sign3A_149 = arith.constant 0 : i32
      %sign3A_150 = arith.cmpi slt, %jit3A_137, %sign3A_149 : i32
      %sign3A_151 = arith.extui %sign3A_150 : i1 to i32
      %sign3A_152 = arith.subi %sign3A_148, %sign3A_151 : i32
      %ne3A_153 = arith.cmpi ne, %sign3A_145, %sign3A_152 : i32
      %rem3A_154 = arith.remsi %scan3A_93, %jit3A_137 : i32
      %ne3A_155 = arith.constant 0 : i32
      %ne3A_156 = arith.cmpi ne, %rem3A_154, %ne3A_155 : i32
      %and3A_157 = arith.andi %ne3A_153, %ne3A_156 : i1
      %sub3A_158 = arith.constant 1 : i32
      %sub3A_159 = arith.subi %div3A_138, %sub3A_158 : i32
      %select_n3A_160 = arith.select %and3A_157, %sub3A_159, %div3A_138 : i32
      %rem3A_161 = arith.constant 2 : i32
      %rem3A_162 = arith.remsi %select_n3A_160, %rem3A_161 : i32
      %rem3A_163 = arith.constant 20 : i32
      %rem3A_164 = arith.remsi %scan3A_93, %rem3A_163 : i32
      %dma_start3A_165 = arith.constant 0 : i32
      %dma_start3A_166 = arith.constant 0 : i32
      %dma_start3A_167 = tpu.memref_slice %arg10[%rem3A_136, %dma_start3A_165, %dma_start3A_166] : memref<4x128x8xf32, #tpu.memory_space<vmem>> -> memref<1x128x8xf32, #tpu.memory_space<vmem>>
      %dma_start3A_168 = tpu.memref_squeeze %dma_start3A_167 : memref<1x128x8xf32, #tpu.memory_space<vmem>> -> memref<128x8xf32, #tpu.memory_space<vmem>>
      %dma_start3A_169 = arith.constant 0 : i32
      %dma_start3A_170 = tpu.memref_slice %arg9[%rem3A_162, %rem3A_164, %dma_start3A_169] : memref<2x20x128xi32, #tpu.memory_space<vmem>> -> memref<1x1x128xi32, #tpu.memory_space<vmem>>
      %dma_start3A_171 = tpu.memref_squeeze %dma_start3A_170 : memref<1x1x128xi32, #tpu.memory_space<vmem>> -> memref<128xi32, #tpu.memory_space<vmem>>
      %dma_start3A_172 = arith.constant 0 : i32
      %dma_start3A_173 = arith.constant 0 : i32
      %dma_start3A_174 = tpu.memref_slice %arg7[%dma_start3A_172, %dma_start3A_173] : memref<20112x8xf32, #tpu.memory_space<vmem_shared>> -> memref<20112x8xf32, #tpu.memory_space<vmem_shared>>
      tpu.enqueue_indirect_dma source(%dma_start3A_168 : memref<128x8xf32, #tpu.memory_space<vmem>>) target(%dma_start3A_174 : memref<20112x8xf32, #tpu.memory_space<vmem_shared>>) offsets(%dma_start3A_171 : memref<128xi32, #tpu.memory_space<vmem>>) semaphore(%arg12 : memref<!tpu.dma_semaphore, #tpu.memory_space<semaphore_mem>>) {add = true}
    }
    %scan3A_54 = arith.constant 80 : i32
    %rem3A_55 = arith.constant 78 : i32
    %rem3A_56 = arith.constant 4 : i32
    %rem3A_57 = arith.remsi %rem3A_55, %rem3A_56 : i32
    %rem3A_58 = arith.constant 3 : i32
    %rem3A_59 = arith.constant 2 : i32
    %rem3A_60 = arith.remsi %rem3A_58, %rem3A_59 : i32
    %rem3A_61 = arith.constant 78 : i32
    %rem3A_62 = arith.constant 20 : i32
    %rem3A_63 = arith.remsi %rem3A_61, %rem3A_62 : i32
    %dma_wait3A = arith.constant 0 : i32
    %dma_wait3A_64 = arith.constant 0 : i32
    %dma_wait3A_65 = tpu.memref_slice %arg10[%rem3A_57, %dma_wait3A, %dma_wait3A_64] : memref<4x128x8xf32, #tpu.memory_space<vmem>> -> memref<1x128x8xf32, #tpu.memory_space<vmem>>
    %dma_wait3A_66 = tpu.memref_squeeze %dma_wait3A_65 : memref<1x128x8xf32, #tpu.memory_space<vmem>> -> memref<128x8xf32, #tpu.memory_space<vmem>>
    %dma_wait3A_67 = arith.constant 0 : i32
    %dma_wait3A_68 = tpu.memref_slice %arg9[%rem3A_60, %rem3A_63, %dma_wait3A_67] : memref<2x20x128xi32, #tpu.memory_space<vmem>> -> memref<1x1x128xi32, #tpu.memory_space<vmem>>
    %dma_wait3A_69 = tpu.memref_squeeze %dma_wait3A_68 : memref<1x1x128xi32, #tpu.memory_space<vmem>> -> memref<128xi32, #tpu.memory_space<vmem>>
    %dma_wait3A_70 = arith.constant 0 : i32
    %dma_wait3A_71 = arith.constant 0 : i32
    %dma_wait3A_72 = tpu.memref_slice %arg7[%dma_wait3A_70, %dma_wait3A_71] : memref<20112x8xf32, #tpu.memory_space<vmem_shared>> -> memref<20112x8xf32, #tpu.memory_space<vmem_shared>>
    tpu.wait_indirect_dma semaphore(%arg12 : memref<!tpu.dma_semaphore, #tpu.memory_space<semaphore_mem>>) src(%dma_wait3A_66 : memref<128x8xf32, #tpu.memory_space<vmem>>) dst(%dma_wait3A_72 : memref<20112x8xf32, #tpu.memory_space<vmem_shared>>)
    %rem3A_73 = arith.constant 79 : i32
    %rem3A_74 = arith.constant 4 : i32
    %rem3A_75 = arith.remsi %rem3A_73, %rem3A_74 : i32
    %rem3A_76 = arith.constant 3 : i32
    %rem3A_77 = arith.constant 2 : i32
    %rem3A_78 = arith.remsi %rem3A_76, %rem3A_77 : i32
    %rem3A_79 = arith.constant 79 : i32
    %rem3A_80 = arith.constant 20 : i32
    %rem3A_81 = arith.remsi %rem3A_79, %rem3A_80 : i32
    %dma_wait3A_82 = arith.constant 0 : i32
    %dma_wait3A_83 = arith.constant 0 : i32
    %dma_wait3A_84 = tpu.memref_slice %arg10[%rem3A_75, %dma_wait3A_82, %dma_wait3A_83] : memref<4x128x8xf32, #tpu.memory_space<vmem>> -> memref<1x128x8xf32, #tpu.memory_space<vmem>>
    %dma_wait3A_85 = tpu.memref_squeeze %dma_wait3A_84 : memref<1x128x8xf32, #tpu.memory_space<vmem>> -> memref<128x8xf32, #tpu.memory_space<vmem>>
    %dma_wait3A_86 = arith.constant 0 : i32
    %dma_wait3A_87 = tpu.memref_slice %arg9[%rem3A_78, %rem3A_81, %dma_wait3A_86] : memref<2x20x128xi32, #tpu.memory_space<vmem>> -> memref<1x1x128xi32, #tpu.memory_space<vmem>>
    %dma_wait3A_88 = tpu.memref_squeeze %dma_wait3A_87 : memref<1x1x128xi32, #tpu.memory_space<vmem>> -> memref<128xi32, #tpu.memory_space<vmem>>
    %dma_wait3A_89 = arith.constant 0 : i32
    %dma_wait3A_90 = arith.constant 0 : i32
    %dma_wait3A_91 = tpu.memref_slice %arg7[%dma_wait3A_89, %dma_wait3A_90] : memref<20112x8xf32, #tpu.memory_space<vmem_shared>> -> memref<20112x8xf32, #tpu.memory_space<vmem_shared>>
    tpu.wait_indirect_dma semaphore(%arg12 : memref<!tpu.dma_semaphore, #tpu.memory_space<semaphore_mem>>) src(%dma_wait3A_85 : memref<128x8xf32, #tpu.memory_space<vmem>>) dst(%dma_wait3A_91 : memref<20112x8xf32, #tpu.memory_space<vmem_shared>>)
    %barrier3A_92 = arith.constant 0 : index
    tpu.barrier barrier_id(%barrier3A_92)
    "tpu.region"() ({
      %run_scoped3A = tpu.sem_alloc : memref<!tpu.dma_semaphore, #tpu.memory_space<semaphore_mem>>
      %dma_start3A_93 = arith.constant 0 : i32
      %dma_start3A_94 = tpu.memref_slice %arg6[%arg0, %mul3A_0, %dma_start3A_93] : memref<2x10112x8xf32, #tpu.memory_space<hbm>> -> memref<1x632x8xf32, #tpu.memory_space<hbm>>
      %dma_start3A_95 = tpu.memref_squeeze %dma_start3A_94 : memref<1x632x8xf32, #tpu.memory_space<hbm>> -> memref<632x8xf32, #tpu.memory_space<hbm>>
      %dma_start3A_96 = arith.constant 0 : i32
      %dma_start3A_97 = tpu.memref_slice %arg7[%mul3A_0, %dma_start3A_96] : memref<20112x8xf32, #tpu.memory_space<vmem_shared>> -> memref<632x8xf32, #tpu.memory_space<vmem_shared>>
      tpu.enqueue_dma source(%dma_start3A_97 : memref<632x8xf32, #tpu.memory_space<vmem_shared>>) target(%dma_start3A_95 : memref<632x8xf32, #tpu.memory_space<hbm>>) target_semaphore(%run_scoped3A : memref<!tpu.dma_semaphore, #tpu.memory_space<semaphore_mem>>)
      %dma_wait3A_98 = arith.constant 0 : i32
      %dma_wait3A_99 = tpu.memref_slice %arg6[%arg0, %mul3A_0, %dma_wait3A_98] : memref<2x10112x8xf32, #tpu.memory_space<hbm>> -> memref<1x632x8xf32, #tpu.memory_space<hbm>>
      %dma_wait3A_100 = tpu.memref_squeeze %dma_wait3A_99 : memref<1x632x8xf32, #tpu.memory_space<hbm>> -> memref<632x8xf32, #tpu.memory_space<hbm>>
      %dma_wait3A_101 = arith.constant 0 : i32
      %dma_wait3A_102 = tpu.memref_slice %arg7[%mul3A_0, %dma_wait3A_101] : memref<20112x8xf32, #tpu.memory_space<vmem_shared>> -> memref<632x8xf32, #tpu.memory_space<vmem_shared>>
      tpu.wait_dma2 semaphore(%run_scoped3A : memref<!tpu.dma_semaphore, #tpu.memory_space<semaphore_mem>>) src(%dma_wait3A_102 : memref<632x8xf32, #tpu.memory_space<vmem_shared>>) dst(%dma_wait3A_100 : memref<632x8xf32, #tpu.memory_space<hbm>>)
      tpu.yield
    }) : () -> ()
    return
  }
}

module attributes {stable_mosaic.version = 14 : i64} {
  func.func @_tc1_body(%arg0: memref<2x10112x8xf32, #tpu.memory_space<vmem>>, %arg1: memref<10000x128xf32, #tpu.memory_space<vmem>>, %arg2: memref<128x64xf32, #tpu.memory_space<vmem>>, %arg3: memref<10000x1xf32, #tpu.memory_space<vmem>>, %arg4: memref<10000x64xf32, #tpu.memory_space<vmem>>) attributes {dimension_semantics = [], scalar_prefetch = 0 : i64, scratch_operands = 0 : i64, tpu.core_type = #tpu.core_type<tc>} {
    %get3A = arith.constant 0 : index
    %get3A_0 = arith.constant 0 : index
    %get3A_1 = arith.constant 0 : index
    %get3A_2 = vector.load %arg0[%get3A, %get3A_0, %get3A_1] : memref<2x10112x8xf32, #tpu.memory_space<vmem>>, vector<1x10000x1xf32>
    %get3A_3 = vector.shape_cast %get3A_2 : vector<1x10000x1xf32> to vector<10000x1xf32>
    %get3A_4 = arith.constant 1 : index
    %get3A_5 = arith.constant 0 : index
    %get3A_6 = arith.constant 0 : index
    %get3A_7 = vector.load %arg0[%get3A_4, %get3A_5, %get3A_6] : memref<2x10112x8xf32, #tpu.memory_space<vmem>>, vector<1x10000x1xf32>
    %get3A_8 = vector.shape_cast %get3A_7 : vector<1x10000x1xf32> to vector<10000x1xf32>
    %add3A = arith.addf %get3A_3, %get3A_8 : vector<10000x1xf32>
    %add3A_9 = arith.constant 1.000000e+00 : f32
    %add3A_10 = vector.broadcast %add3A_9 : f32 to vector<10000x1xf32>
    %add3A_11 = arith.addf %add3A, %add3A_10 : vector<10000x1xf32>
    %rsqrt3A = math.rsqrt %add3A_11 : vector<10000x1xf32>
    %swap3A = arith.constant 0 : index
    %swap3A_12 = arith.constant 0 : index
    %swap3A_13 = vector.load %arg3[%swap3A, %swap3A_12] : memref<10000x1xf32, #tpu.memory_space<vmem>>, vector<10000x1xf32>
    tpu.vector_store %arg3[%swap3A, %swap3A_12], %rsqrt3A {strides = array<i32>} : memref<10000x1xf32, #tpu.memory_space<vmem>>, vector<10000x1xf32>,
    %get3A_14 = arith.constant 0 : index
    %get3A_15 = arith.constant 0 : index
    %get3A_16 = vector.load %arg1[%get3A_14, %get3A_15] : memref<10000x128xf32, #tpu.memory_space<vmem>>, vector<10000x128xf32>
    %get3A_17 = arith.constant 0 : index
    %get3A_18 = arith.constant 0 : index
    %get3A_19 = vector.load %arg2[%get3A_17, %get3A_18] : memref<128x64xf32, #tpu.memory_space<vmem>>, vector<128x64xf32>
    %dot_general3A = arith.constant dense<0.000000e+00> : vector<10000x64xf32>
    %dot_general3A_20 = tpu.matmul %get3A_16, %get3A_19, %dot_general3A {dimension_numbers = #tpu.dot_dimension_numbers<[1], [0], [0], [1], [0, 0, 1, 1], [], []>, transpose_lhs_hint = false} : vector<10000x128xf32>, vector<128x64xf32>, vector<10000x64xf32> -> vector<10000x64xf32>
    %mul3A = vector.broadcast %rsqrt3A : vector<10000x1xf32> to vector<10000x64xf32>
    %mul3A_21 = arith.mulf %mul3A, %dot_general3A_20 : vector<10000x64xf32>
    %swap3A_22 = arith.constant 0 : index
    %swap3A_23 = arith.constant 0 : index
    %swap3A_24 = vector.load %arg4[%swap3A_22, %swap3A_23] : memref<10000x64xf32, #tpu.memory_space<vmem>>, vector<10000x64xf32>
    tpu.vector_store %arg4[%swap3A_22, %swap3A_23], %mul3A_21 {strides = array<i32>} : memref<10000x64xf32, #tpu.memory_space<vmem>>, vector<10000x64xf32>,
    return
  }
}

module attributes {stable_mosaic.version = 14 : i64} {
  func.func @_mid_body(%arg0: memref<2x10112x64xf32, #tpu.memory_space<vmem>>, %arg1: memref<10000x64xf32, #tpu.memory_space<vmem>>, %arg2: memref<10000x1xf32, #tpu.memory_space<vmem>>, %arg3: memref<1x64xf32, #tpu.memory_space<vmem>>, %arg4: memref<1x64xf32, #tpu.memory_space<vmem>>, %arg5: memref<1x64xf32, #tpu.memory_space<vmem>>, %arg6: memref<64x64xf32, #tpu.memory_space<vmem>>, %arg7: memref<10000x64xf32, #tpu.memory_space<vmem>>) attributes {dimension_semantics = [], scalar_prefetch = 0 : i64, scratch_operands = 0 : i64, tpu.core_type = #tpu.core_type<tc>} {
    %get3A = arith.constant 0 : index
    %get3A_0 = arith.constant 0 : index
    %get3A_1 = vector.load %arg2[%get3A, %get3A_0] : memref<10000x1xf32, #tpu.memory_space<vmem>>, vector<10000x1xf32>
    %get3A_2 = arith.constant 0 : index
    %get3A_3 = arith.constant 0 : index
    %get3A_4 = arith.constant 0 : index
    %get3A_5 = vector.load %arg0[%get3A_2, %get3A_3, %get3A_4] : memref<2x10112x64xf32, #tpu.memory_space<vmem>>, vector<1x10000x64xf32>
    %get3A_6 = vector.shape_cast %get3A_5 : vector<1x10000x64xf32> to vector<10000x64xf32>
    %get3A_7 = arith.constant 1 : index
    %get3A_8 = arith.constant 0 : index
    %get3A_9 = arith.constant 0 : index
    %get3A_10 = vector.load %arg0[%get3A_7, %get3A_8, %get3A_9] : memref<2x10112x64xf32, #tpu.memory_space<vmem>>, vector<1x10000x64xf32>
    %get3A_11 = vector.shape_cast %get3A_10 : vector<1x10000x64xf32> to vector<10000x64xf32>
    %add3A = arith.addf %get3A_6, %get3A_11 : vector<10000x64xf32>
    %get3A_12 = arith.constant 0 : index
    %get3A_13 = arith.constant 0 : index
    %get3A_14 = vector.load %arg1[%get3A_12, %get3A_13] : memref<10000x64xf32, #tpu.memory_space<vmem>>, vector<10000x64xf32>
    %add3A_15 = arith.addf %add3A, %get3A_14 : vector<10000x64xf32>
    %mul3A = vector.broadcast %get3A_1 : vector<10000x1xf32> to vector<10000x64xf32>
    %mul3A_16 = arith.mulf %mul3A, %add3A_15 : vector<10000x64xf32>
    %get3A_17 = arith.constant 0 : index
    %get3A_18 = arith.constant 0 : index
    %get3A_19 = vector.load %arg3[%get3A_17, %get3A_18] : memref<1x64xf32, #tpu.memory_space<vmem>>, vector<1x64xf32>
    %add3A_20 = vector.broadcast %get3A_19 : vector<1x64xf32> to vector<10000x64xf32>
    %add3A_21 = arith.addf %mul3A_16, %add3A_20 : vector<10000x64xf32>
    %reduce_sum3A = arith.constant dense<0.000000e+00> : vector<64xf32>
    %reduce_sum3A_22 = vector.multi_reduction <add>, %add3A_21, %reduce_sum3A [0] : vector<10000x64xf32> to vector<64xf32>
    %broadcast_in_dim3A = vector.shape_cast %reduce_sum3A_22 : vector<64xf32> to vector<1x64xf32>
    %div3A = arith.constant 1.000000e+04 : f32
    %div3A_23 = vector.broadcast %div3A : f32 to vector<1x64xf32>
    %div3A_24 = arith.divf %broadcast_in_dim3A, %div3A_23 : vector<1x64xf32>
    %sub3A = vector.broadcast %div3A_24 : vector<1x64xf32> to vector<10000x64xf32>
    %sub3A_25 = arith.subf %add3A_21, %sub3A : vector<10000x64xf32>
    %integer_pow3A = arith.mulf %sub3A_25, %sub3A_25 : vector<10000x64xf32>
    %reduce_sum3A_26 = arith.constant dense<0.000000e+00> : vector<64xf32>
    %reduce_sum3A_27 = vector.multi_reduction <add>, %integer_pow3A, %reduce_sum3A_26 [0] : vector<10000x64xf32> to vector<64xf32>
    %broadcast_in_dim3A_28 = vector.shape_cast %reduce_sum3A_27 : vector<64xf32> to vector<1x64xf32>
    %div3A_29 = arith.constant 1.000000e+04 : f32
    %div3A_30 = vector.broadcast %div3A_29 : f32 to vector<1x64xf32>
    %div3A_31 = arith.divf %broadcast_in_dim3A_28, %div3A_30 : vector<1x64xf32>
    %get3A_32 = arith.constant 0 : index
    %get3A_33 = arith.constant 0 : index
    %get3A_34 = vector.load %arg4[%get3A_32, %get3A_33] : memref<1x64xf32, #tpu.memory_space<vmem>>, vector<1x64xf32>
    %sub3A_35 = vector.broadcast %div3A_24 : vector<1x64xf32> to vector<10000x64xf32>
    %sub3A_36 = arith.subf %add3A_21, %sub3A_35 : vector<10000x64xf32>
    %mul3A_37 = vector.broadcast %get3A_34 : vector<1x64xf32> to vector<10000x64xf32>
    %mul3A_38 = arith.mulf %mul3A_37, %sub3A_36 : vector<10000x64xf32>
    %add3A_39 = arith.constant 9.99999974E-6 : f32
    %add3A_40 = vector.broadcast %add3A_39 : f32 to vector<1x64xf32>
    %add3A_41 = arith.addf %div3A_31, %add3A_40 : vector<1x64xf32>
    %rsqrt3A = math.rsqrt %add3A_41 : vector<1x64xf32>
    %mul3A_42 = vector.broadcast %rsqrt3A : vector<1x64xf32> to vector<10000x64xf32>
    %mul3A_43 = arith.mulf %mul3A_38, %mul3A_42 : vector<10000x64xf32>
    %get3A_44 = arith.constant 0 : index
    %get3A_45 = arith.constant 0 : index
    %get3A_46 = vector.load %arg5[%get3A_44, %get3A_45] : memref<1x64xf32, #tpu.memory_space<vmem>>, vector<1x64xf32>
    %add3A_47 = vector.broadcast %get3A_46 : vector<1x64xf32> to vector<10000x64xf32>
    %add3A_48 = arith.addf %mul3A_43, %add3A_47 : vector<10000x64xf32>
    %max3A = arith.constant 0.000000e+00 : f32
    %max3A_49 = vector.broadcast %max3A : f32 to vector<10000x64xf32>
    %max3A_50 = arith.maximumf %add3A_48, %max3A_49 : vector<10000x64xf32>
    %get3A_51 = arith.constant 0 : index
    %get3A_52 = arith.constant 0 : index
    %get3A_53 = vector.load %arg6[%get3A_51, %get3A_52] : memref<64x64xf32, #tpu.memory_space<vmem>>, vector<64x64xf32>
    %dot_general3A = arith.constant dense<0.000000e+00> : vector<10000x64xf32>
    %dot_general3A_54 = tpu.matmul %max3A_50, %get3A_53, %dot_general3A {dimension_numbers = #tpu.dot_dimension_numbers<[1], [0], [0], [1], [0, 0, 1, 1], [], []>, transpose_lhs_hint = false} : vector<10000x64xf32>, vector<64x64xf32>, vector<10000x64xf32> -> vector<10000x64xf32>
    %mul3A_55 = vector.broadcast %get3A_1 : vector<10000x1xf32> to vector<10000x64xf32>
    %mul3A_56 = arith.mulf %mul3A_55, %dot_general3A_54 : vector<10000x64xf32>
    %swap3A = arith.constant 0 : index
    %swap3A_57 = arith.constant 0 : index
    %swap3A_58 = vector.load %arg7[%swap3A, %swap3A_57] : memref<10000x64xf32, #tpu.memory_space<vmem>>, vector<10000x64xf32>
    tpu.vector_store %arg7[%swap3A, %swap3A_57], %mul3A_56 {strides = array<i32>} : memref<10000x64xf32, #tpu.memory_space<vmem>>, vector<10000x64xf32>,
    return
  }
}

module attributes {stable_mosaic.version = 14 : i64} {
  func.func @_mid_body(%arg0: memref<2x10112x64xf32, #tpu.memory_space<vmem>>, %arg1: memref<10000x64xf32, #tpu.memory_space<vmem>>, %arg2: memref<10000x1xf32, #tpu.memory_space<vmem>>, %arg3: memref<1x64xf32, #tpu.memory_space<vmem>>, %arg4: memref<1x64xf32, #tpu.memory_space<vmem>>, %arg5: memref<1x64xf32, #tpu.memory_space<vmem>>, %arg6: memref<64x8xf32, #tpu.memory_space<vmem>>, %arg7: memref<10000x8xf32, #tpu.memory_space<vmem>>) attributes {dimension_semantics = [], scalar_prefetch = 0 : i64, scratch_operands = 0 : i64, tpu.core_type = #tpu.core_type<tc>} {
    %get3A = arith.constant 0 : index
    %get3A_0 = arith.constant 0 : index
    %get3A_1 = vector.load %arg2[%get3A, %get3A_0] : memref<10000x1xf32, #tpu.memory_space<vmem>>, vector<10000x1xf32>
    %get3A_2 = arith.constant 0 : index
    %get3A_3 = arith.constant 0 : index
    %get3A_4 = arith.constant 0 : index
    %get3A_5 = vector.load %arg0[%get3A_2, %get3A_3, %get3A_4] : memref<2x10112x64xf32, #tpu.memory_space<vmem>>, vector<1x10000x64xf32>
    %get3A_6 = vector.shape_cast %get3A_5 : vector<1x10000x64xf32> to vector<10000x64xf32>
    %get3A_7 = arith.constant 1 : index
    %get3A_8 = arith.constant 0 : index
    %get3A_9 = arith.constant 0 : index
    %get3A_10 = vector.load %arg0[%get3A_7, %get3A_8, %get3A_9] : memref<2x10112x64xf32, #tpu.memory_space<vmem>>, vector<1x10000x64xf32>
    %get3A_11 = vector.shape_cast %get3A_10 : vector<1x10000x64xf32> to vector<10000x64xf32>
    %add3A = arith.addf %get3A_6, %get3A_11 : vector<10000x64xf32>
    %get3A_12 = arith.constant 0 : index
    %get3A_13 = arith.constant 0 : index
    %get3A_14 = vector.load %arg1[%get3A_12, %get3A_13] : memref<10000x64xf32, #tpu.memory_space<vmem>>, vector<10000x64xf32>
    %add3A_15 = arith.addf %add3A, %get3A_14 : vector<10000x64xf32>
    %mul3A = vector.broadcast %get3A_1 : vector<10000x1xf32> to vector<10000x64xf32>
    %mul3A_16 = arith.mulf %mul3A, %add3A_15 : vector<10000x64xf32>
    %get3A_17 = arith.constant 0 : index
    %get3A_18 = arith.constant 0 : index
    %get3A_19 = vector.load %arg3[%get3A_17, %get3A_18] : memref<1x64xf32, #tpu.memory_space<vmem>>, vector<1x64xf32>
    %add3A_20 = vector.broadcast %get3A_19 : vector<1x64xf32> to vector<10000x64xf32>
    %add3A_21 = arith.addf %mul3A_16, %add3A_20 : vector<10000x64xf32>
    %reduce_sum3A = arith.constant dense<0.000000e+00> : vector<64xf32>
    %reduce_sum3A_22 = vector.multi_reduction <add>, %add3A_21, %reduce_sum3A [0] : vector<10000x64xf32> to vector<64xf32>
    %broadcast_in_dim3A = vector.shape_cast %reduce_sum3A_22 : vector<64xf32> to vector<1x64xf32>
    %div3A = arith.constant 1.000000e+04 : f32
    %div3A_23 = vector.broadcast %div3A : f32 to vector<1x64xf32>
    %div3A_24 = arith.divf %broadcast_in_dim3A, %div3A_23 : vector<1x64xf32>
    %sub3A = vector.broadcast %div3A_24 : vector<1x64xf32> to vector<10000x64xf32>
    %sub3A_25 = arith.subf %add3A_21, %sub3A : vector<10000x64xf32>
    %integer_pow3A = arith.mulf %sub3A_25, %sub3A_25 : vector<10000x64xf32>
    %reduce_sum3A_26 = arith.constant dense<0.000000e+00> : vector<64xf32>
    %reduce_sum3A_27 = vector.multi_reduction <add>, %integer_pow3A, %reduce_sum3A_26 [0] : vector<10000x64xf32> to vector<64xf32>
    %broadcast_in_dim3A_28 = vector.shape_cast %reduce_sum3A_27 : vector<64xf32> to vector<1x64xf32>
    %div3A_29 = arith.constant 1.000000e+04 : f32
    %div3A_30 = vector.broadcast %div3A_29 : f32 to vector<1x64xf32>
    %div3A_31 = arith.divf %broadcast_in_dim3A_28, %div3A_30 : vector<1x64xf32>
    %get3A_32 = arith.constant 0 : index
    %get3A_33 = arith.constant 0 : index
    %get3A_34 = vector.load %arg4[%get3A_32, %get3A_33] : memref<1x64xf32, #tpu.memory_space<vmem>>, vector<1x64xf32>
    %sub3A_35 = vector.broadcast %div3A_24 : vector<1x64xf32> to vector<10000x64xf32>
    %sub3A_36 = arith.subf %add3A_21, %sub3A_35 : vector<10000x64xf32>
    %mul3A_37 = vector.broadcast %get3A_34 : vector<1x64xf32> to vector<10000x64xf32>
    %mul3A_38 = arith.mulf %mul3A_37, %sub3A_36 : vector<10000x64xf32>
    %add3A_39 = arith.constant 9.99999974E-6 : f32
    %add3A_40 = vector.broadcast %add3A_39 : f32 to vector<1x64xf32>
    %add3A_41 = arith.addf %div3A_31, %add3A_40 : vector<1x64xf32>
    %rsqrt3A = math.rsqrt %add3A_41 : vector<1x64xf32>
    %mul3A_42 = vector.broadcast %rsqrt3A : vector<1x64xf32> to vector<10000x64xf32>
    %mul3A_43 = arith.mulf %mul3A_38, %mul3A_42 : vector<10000x64xf32>
    %get3A_44 = arith.constant 0 : index
    %get3A_45 = arith.constant 0 : index
    %get3A_46 = vector.load %arg5[%get3A_44, %get3A_45] : memref<1x64xf32, #tpu.memory_space<vmem>>, vector<1x64xf32>
    %add3A_47 = vector.broadcast %get3A_46 : vector<1x64xf32> to vector<10000x64xf32>
    %add3A_48 = arith.addf %mul3A_43, %add3A_47 : vector<10000x64xf32>
    %max3A = arith.constant 0.000000e+00 : f32
    %max3A_49 = vector.broadcast %max3A : f32 to vector<10000x64xf32>
    %max3A_50 = arith.maximumf %add3A_48, %max3A_49 : vector<10000x64xf32>
    %get3A_51 = arith.constant 0 : index
    %get3A_52 = arith.constant 0 : index
    %get3A_53 = vector.load %arg6[%get3A_51, %get3A_52] : memref<64x8xf32, #tpu.memory_space<vmem>>, vector<64x8xf32>
    %dot_general3A = arith.constant dense<0.000000e+00> : vector<10000x8xf32>
    %dot_general3A_54 = tpu.matmul %max3A_50, %get3A_53, %dot_general3A {dimension_numbers = #tpu.dot_dimension_numbers<[1], [0], [0], [1], [0, 0, 1, 1], [], []>, transpose_lhs_hint = false} : vector<10000x64xf32>, vector<64x8xf32>, vector<10000x8xf32> -> vector<10000x8xf32>
    %mul3A_55 = vector.broadcast %get3A_1 : vector<10000x1xf32> to vector<10000x8xf32>
    %mul3A_56 = arith.mulf %mul3A_55, %dot_general3A_54 : vector<10000x8xf32>
    %swap3A = arith.constant 0 : index
    %swap3A_57 = arith.constant 0 : index
    %swap3A_58 = vector.load %arg7[%swap3A, %swap3A_57] : memref<10000x8xf32, #tpu.memory_space<vmem>>, vector<10000x8xf32>
    tpu.vector_store %arg7[%swap3A, %swap3A_57], %mul3A_56 {strides = array<i32>} : memref<10000x8xf32, #tpu.memory_space<vmem>>, vector<10000x8xf32>,
    return
  }
}

module attributes {stable_mosaic.version = 14 : i64} {
  func.func @_final_body(%arg0: memref<2x10112x8xf32, #tpu.memory_space<vmem>>, %arg1: memref<10000x8xf32, #tpu.memory_space<vmem>>, %arg2: memref<10000x1xf32, #tpu.memory_space<vmem>>, %arg3: memref<1x8xf32, #tpu.memory_space<vmem>>, %arg4: memref<10000x3xf32, #tpu.memory_space<vmem>>) attributes {dimension_semantics = [], scalar_prefetch = 0 : i64, scratch_operands = 0 : i64, tpu.core_type = #tpu.core_type<tc>} {
    %get3A = arith.constant 0 : index
    %get3A_0 = arith.constant 0 : index
    %get3A_1 = vector.load %arg2[%get3A, %get3A_0] : memref<10000x1xf32, #tpu.memory_space<vmem>>, vector<10000x1xf32>
    %get3A_2 = arith.constant 0 : index
    %get3A_3 = arith.constant 0 : index
    %get3A_4 = arith.constant 0 : index
    %get3A_5 = vector.load %arg0[%get3A_2, %get3A_3, %get3A_4] : memref<2x10112x8xf32, #tpu.memory_space<vmem>>, vector<1x10000x8xf32>
    %get3A_6 = vector.shape_cast %get3A_5 : vector<1x10000x8xf32> to vector<10000x8xf32>
    %get3A_7 = arith.constant 1 : index
    %get3A_8 = arith.constant 0 : index
    %get3A_9 = arith.constant 0 : index
    %get3A_10 = vector.load %arg0[%get3A_7, %get3A_8, %get3A_9] : memref<2x10112x8xf32, #tpu.memory_space<vmem>>, vector<1x10000x8xf32>
    %get3A_11 = vector.shape_cast %get3A_10 : vector<1x10000x8xf32> to vector<10000x8xf32>
    %add3A = arith.addf %get3A_6, %get3A_11 : vector<10000x8xf32>
    %get3A_12 = arith.constant 0 : index
    %get3A_13 = arith.constant 0 : index
    %get3A_14 = vector.load %arg1[%get3A_12, %get3A_13] : memref<10000x8xf32, #tpu.memory_space<vmem>>, vector<10000x8xf32>
    %add3A_15 = arith.addf %add3A, %get3A_14 : vector<10000x8xf32>
    %mul3A = vector.broadcast %get3A_1 : vector<10000x1xf32> to vector<10000x8xf32>
    %mul3A_16 = arith.mulf %mul3A, %add3A_15 : vector<10000x8xf32>
    %get3A_17 = arith.constant 0 : index
    %get3A_18 = arith.constant 0 : index
    %get3A_19 = vector.load %arg3[%get3A_17, %get3A_18] : memref<1x8xf32, #tpu.memory_space<vmem>>, vector<1x8xf32>
    %add3A_20 = vector.broadcast %get3A_19 : vector<1x8xf32> to vector<10000x8xf32>
    %add3A_21 = arith.addf %mul3A_16, %add3A_20 : vector<10000x8xf32>
    %slice3A = vector.extract_strided_slice %add3A_21 {offsets = [0, 0], sizes = [10000, 3], strides = [1, 1]} : vector<10000x8xf32> to vector<10000x3xf32>
    %reduce_max3A = arith.constant dense<0xFF800000> : vector<10000xf32>
    %reduce_max3A_22 = vector.multi_reduction <maximumf>, %slice3A, %reduce_max3A [1] : vector<10000x3xf32> to vector<10000xf32>
    %broadcast_in_dim3A = vector.shape_cast %reduce_max3A_22 : vector<10000xf32> to vector<10000x1xf32>
    %sub3A = vector.broadcast %broadcast_in_dim3A : vector<10000x1xf32> to vector<10000x3xf32>
    %sub3A_23 = arith.subf %slice3A, %sub3A : vector<10000x3xf32>
    %exp3A = math.exp %sub3A_23 : vector<10000x3xf32>
    %reduce_sum3A = arith.constant dense<0.000000e+00> : vector<10000xf32>
    %reduce_sum3A_24 = vector.multi_reduction <add>, %exp3A, %reduce_sum3A [1] : vector<10000x3xf32> to vector<10000xf32>
    %broadcast_in_dim3A_25 = vector.shape_cast %reduce_sum3A_24 : vector<10000xf32> to vector<10000x1xf32>
    %log3A = math.log %broadcast_in_dim3A_25 : vector<10000x1xf32>
    %sub3A_26 = vector.broadcast %broadcast_in_dim3A : vector<10000x1xf32> to vector<10000x3xf32>
    %sub3A_27 = arith.subf %slice3A, %sub3A_26 : vector<10000x3xf32>
    %sub3A_28 = vector.broadcast %log3A : vector<10000x1xf32> to vector<10000x3xf32>
    %sub3A_29 = arith.subf %sub3A_27, %sub3A_28 : vector<10000x3xf32>
    %swap3A = arith.constant 0 : index
    %swap3A_30 = arith.constant 0 : index
    %swap3A_31 = vector.load %arg4[%swap3A, %swap3A_30] : memref<10000x3xf32, #tpu.memory_space<vmem>>, vector<10000x3xf32>
    tpu.vector_store %arg4[%swap3A, %swap3A_30], %sub3A_29 {strides = array<i32>} : memref<10000x3xf32, #tpu.memory_space<vmem>>, vector<10000x3xf32>,
    return
  }
}

</mosaic_0001>

<sc_bundles>
// kernel: kernel.10.cloned.1.call-start
scs
__scs_entry_jumppad:
0x0: {  	(pc) =	sbr.rel $0x88, $3  }
0x1: {  	(tag) =	ssettag $0x0;
	lr =	simm.s32 $0x1  }
0x2: {  	[smem:$0x3F95] =	sst lr;
	_ =	strace $0xD0000000  }
0x3: {  	_ = 	snop  }
0x4: {  	_ = 	snop  }
0x5: {  	_ = 	snop  }
0x6: {  	_ = 	snop  }
0x7: {  	_ = 	snop  }
__scs_overlays_trampoline_lowered:
0x8: {  	[smem:$0x3FA4] =	sst s0  }
0x9: {  	[smem:$0x3FA5] =	sst s1  }
0xa: {  	[smem:$0x3FA6] =	sst s2  }
0xb: {  	[smem:$0x3FA7] =	sst s3  }
0xc: {  	[smem:$0x3FA8] =	sst s4  }
0xd: {  	[smem:$0x3FA9] =	sst s5  }
0xe: {  	[smem:$0x3FAA] =	sst s6  }
0xf: {  	[smem:$0x3FAB] =	sst s7  }
0x10: {  	[smem:$0x3FAC] =	sst s8  }
0x11: {  	[smem:$0x3FAD] =	sst s9;
	s0 =	simm.s32 @!p0 $0x0  }
0x12: {  	s1 =	sld [smem:$0x3F93];
	s0 =	simm.s32 @p0 $0x1  }
0x13: {  	[smem:$0x3FAE] =	sst s0;
	s0 =	simm.s32 @!p1 $0x0  }
0x14: {  	s2 =	sld [smem:$0x3F92];
	s0 =	simm.s32 @p1 $0x1  }
0x15: {  	[smem:$0x3FAF] =	sst s0;
	s0 =	simm.s32 @!p2 $0x0  }
0x16: {  	s3 =	sld [smem:$0x3FDB];
	s0 =	simm.s32 @p2 $0x1  }
0x17: {  	s4 =	simm.s32 $0x1BF5;
	[smem:$0x3FB1] =	sst s0  }
0x18: {  	s0 =	sld [smem:$0x3F94];
	_ =	swait.ge [sflag:s4], $0x0  }
0x19: {  	s7 =	sld [smem:$0x3F95]  }
0x1a: {  	s8 =	sadd.s32 $0xFFFFE003, lr  }
0x1b: {  	s9 =	sadd.s32 $0xFFFFFEF7, lr;
	s5 =	simm.s32 $0xFFFFFFFF;
	p2 =	slt.u32 s8, $0xFFFFF086  }
0x1c: {  	p1 =	slt.u32 s9, $0xF7A;
	s5 =	simm.s32 @!p2 $0x0  }
0x1d: {  	s5 =	simm.s32 @p1 $0x1;
	p0 =	seq.s32 s7, s2  }
0x1e: {  	s7 =	smul.u32 @!p0 $0xF7A, s2;
	p2 =	seq.s32 @!p0 s5, $0x0  }
0x1f: {  	s9 =	smul.u32 $0xF7A, s1;
	s8 =	simm.s32 @!p0 $0x1BF5;
	p2 =	por !p2, p0  }
0x20: {  	[sflag:s8] =	ssyncset.s32 @!p0 $0xFFFFF086;
	s6 =	sadd.s32 @!p0 s3, s7;
	s7 =	simm.s32 @!p0 $0x108  }
0x21: {  	s3 =	sadd.s32 s3, s9;
	s6 =	sadd.s32 @!p0 $0x88, s6;
	s7 =	simm.s32 @p2 $0x1082  }
0x22: {  	[simem:s7], [sflag:s8] =	dma.local @!p0 [hbm:s6], $0xF7A  }
0x23: {  	s9 =	sor.u32 $0xD0000000, s2;
	s6 =	simm.s32 $0x108;
	_ =	swait.ge @!p0 [sflag:s8], $0x0  }
0x24: {  	s3 =	sadd.s32 $0x88, s3;
	s6 =	simm.s32 @!p1 $0x1082;
	[sflag:s4] =	ssyncset.s32 $0xFFFFF086  }
0x25: {  	[simem:s6], [sflag:s4] =	dma.local [hbm:s3], $0xF7A  }
0x26: {  	[smem:$0x3F95] =	sst s1;
	(tag) =	ssettag s2;
	_ =	strace s9  }
0x27: {  	s1 =	sld [smem:$0x3FA5]  }
0x28: {  	s2 =	sld [smem:$0x3FA6]  }
0x29: {  	s4 =	sld [smem:$0x3FA8]  }
0x2a: {  	p0 =	seq.s32 s5, $0x0;
	s5 =	sld [smem:$0x3FA9]  }
0x2b: {  	s6 =	sld [smem:$0x3FAA]  }
0x2c: {  	s7 =	sld [smem:$0x3FAB]  }
0x2d: {  	s3 =	simm.s32 $0x108;
	s8 =	sld [smem:$0x3FAC]  }
0x2e: {  	s3 =	simm.s32 @!p0 $0x1082;
	s9 =	sld [smem:$0x3FAD]  }
0x2f: {  	lr =	sadd.s32 s0, s3;
	s0 =	sld [smem:$0x3FA4]  }
0x30: {  	s3 =	sld [smem:$0x3FA7]  }
0x31: {  	[smem:$0x3FB0] =	sst s10  }
0x32: {  	s10 =	sld [smem:$0x3FAE];
	_ =	sdelay $0x3  }
0x33: {  	p0 =	seq.s32 s10, $0x1;
	s10 =	sld [smem:$0x3FB0];
	_ =	sdelay $0x3  }
0x34: {  	[smem:$0x3FB0] =	sst s10  }
0x35: {  	s10 =	sld [smem:$0x3FAF];
	_ =	sdelay $0x3  }
0x36: {  	p1 =	seq.s32 s10, $0x1;
	s10 =	sld [smem:$0x3FB0];
	_ =	sdelay $0x3  }
0x37: {  	[smem:$0x3FB0] =	sst s10  }
0x38: {  	s10 =	sld [smem:$0x3FB1]  }
0x39: {  	_ = 	snop;
	(pc) =	sbr.ind lr, $3  }
0x3a: {  	_ = 	snop  }
0x3b: {  	_ = 	snop  }
0x3c: {  	p2 =	seq.s32 s10, $0x1;
	s10 =	sld [smem:$0x3FB0]  }
0x3d: {  	_ =	shalt  }
0x3e: {  	_ =	shalt  }
0x3f: {  	_ =	shalt  }
0x40: {  	_ =	shalt  }
0x41: {  	_ =	shalt  }
0x42: {  	_ =	shalt  }
0x43: {  	_ =	shalt  }
0x44: {  	_ =	shalt  }
0x45: {  	_ =	shalt  }
0x46: {  	_ =	shalt  }
0x47: {  	_ =	shalt  }
0x48: {  	_ =	shalt  }
0x49: {  	_ =	shalt  }
0x4a: {  	_ =	shalt  }
0x4b: {  	_ =	shalt  }
0x4c: {  	_ =	shalt  }
0x4d: {  	_ =	shalt  }
0x4e: {  	_ =	shalt  }
0x4f: {  	_ =	shalt  }
0x50: {  	_ =	shalt  }
0x51: {  	_ =	shalt  }
0x52: {  	_ =	shalt  }
0x53: {  	_ =	shalt  }
0x54: {  	_ =	shalt  }
0x55: {  	_ =	shalt  }
0x56: {  	_ =	shalt  }
0x57: {  	_ =	shalt  }
0x58: {  	_ =	shalt  }
0x59: {  	_ =	shalt  }
0x5a: {  	_ =	shalt  }
0x5b: {  	_ =	shalt  }
0x5c: {  	_ =	shalt  }
0x5d: {  	_ =	shalt  }
0x5e: {  	_ =	shalt  }
0x5f: {  	_ =	shalt  }
0x60: {  	_ =	shalt  }
0x61: {  	_ =	shalt  }
0x62: {  	_ =	shalt  }
0x63: {  	_ =	shalt  }
0x64: {  	_ =	shalt  }
0x65: {  	_ =	shalt  }
0x66: {  	_ =	shalt  }
0x67: {  	_ =	shalt  }
0x68: {  	_ =	shalt  }
0x69: {  	_ =	shalt  }
0x6a: {  	_ =	shalt  }
0x6b: {  	_ =	shalt  }
0x6c: {  	_ =	shalt  }
0x6d: {  	_ =	shalt  }
0x6e: {  	_ =	shalt  }
0x6f: {  	_ =	shalt  }
0x70: {  	_ =	shalt  }
0x71: {  	_ =	shalt  }
0x72: {  	_ =	shalt  }
0x73: {  	_ =	shalt  }
0x74: {  	_ =	shalt  }
0x75: {  	_ =	shalt  }
0x76: {  	_ =	shalt  }
0x77: {  	_ =	shalt  }
0x78: {  	_ =	shalt  }
0x79: {  	_ =	shalt  }
0x7a: {  	_ =	shalt  }
0x7b: {  	_ =	shalt  }
0x7c: {  	_ =	shalt  }
0x7d: {  	_ =	shalt  }
0x7e: {  	_ =	shalt  }
0x7f: {  	_ =	shalt  }
0x80: {  	_ =	shalt  }
0x81: {  	_ =	shalt  }
0x82: {  	_ =	shalt  }
0x83: {  	_ =	shalt  }
0x84: {  	_ =	shalt  }
0x85: {  	_ =	shalt  }
0x86: {  	_ =	shalt  }
0x87: {  	_ =	shalt  }
.Lfunc_end0:
.L_simem_size_0:
called_computation_lowered:
.L_overlay_start_0:
0x88: {  	s2 =	sld [smem:$0x3FD9]  }
0x89: {  	s3 =	sld [smem:$0x3FFE];
	_ =	sdelay $0x1  }
0x8a: {  	s1 =	srdreg.scid  }
0x8b: {  	s0 =	sand.u32 $0x1, s1  }
0x8c: {  	s17 =	sshll.u32 s0, $0xA;
	s2 =	sadd.s32 s3, s2  }
0x8d: {  	s2 =	sadd.s32 s2, s17  }
0x8e: {  	[smem:$0x3FBC] =	sst s2  }
0x8f: {  	_ = 	snop  }
0x90: {  	s2 =	sld [smem:$0x3FD0];
	(tm) =	ssettm $0x1  }
0x91: {  	s18 =	sld [smem:$0x3FFB];
	_ =	sdelay $0x3  }
0x92: {  	_ =	strace s18  }
0x93: {  	s3 =	sld [smem:$0x3FFC];
	_ =	sdelay $0x3  }
0x94: {  	_ =	strace s3  }
0x95: {  	s3 =	sld [smem:$0x3FFD];
	_ =	sdelay $0x3  }
0x96: {  	_ =	strace s3  }
0x97: {  	_ =	strace $0x8FFFFFFF  }
0x98: {  	s19 =	sld [smem:$0x3FDB];
	_ =	sdelay $0x1  }
0x99: {  	s4 =	simm.s32 $_scs_section_size  }
0x9a: {  	s5 =	simm.s32 $_size__tile_overlayer_lowered;
	s6 =	simm.s32 $_tile_overlayer_lowered  }
0x9b: {  	s22 =	simm.s32 $0x1BFF;
	s21 =	sshll.u32 s6, $0x1;
	s3 =	sadd.s32 s4, s19  }
0x9c: {  	s7 =	simm.s32 $0x0;
	s20 =	sshll.u32 s5, $0x1;
	s5 =	sadd.s32 s21, s3  }
0x9d: {  	[timem:s7], [sflag:s22] =	dma.local [hbm:s5], s20  }
0x9e: {  	_ =	swait.ge [sflag:s22], s20  }
0x9f: {  	s4 =	ssub.s32 $0x0, s20;
	[sflag:s22] =	ssyncset.done $0x0  }
0xa0: {  	[sflag:s22] =	ssyncadd.s32 s4;
	_ =	sdelay $0x1  }
0xa1: {  	s23 =	simm.s32 $0x1B8B  }
0xa2: {  	_ =	swait.ge [sflag:s23], $0x1  }
0xa3: {  	[sflag:s23] =	ssyncset.done $0x0  }
0xa4: {  	s25 =	simm.s32 $0x1B8E;
	s24 =	sld [smem:$0x3FFE];
	[sflag:s23] =	ssyncadd.s32 $0xFFFFFFFF  }
0xa5: {  	s26 =	simm.s32 $execute0_lowered;
	[smem:$0x3FD2] =	sst s25  }
0xa6: {  	s5 =	sshll.u32 s26, $0x1;
	_ =	strace $0x80000046;
	[dreg:$0x1] =	wrdreg $0xFFFFFFFF  }
0xa7: {  	s28 =	simm.s32 $_size_execute0_lowered;
	s3 =	sadd.s32 s3, s5;
	[dreg:$0x0] =	wrdreg $0x0  }
0xa8: {  	s5 =	sshll.u32 s28, $0x1;
	[dreg:$0x2] =	wrdreg s3  }
0xa9: {  	[dreg:$0x3] =	wrdreg s5  }
0xaa: {  	[dreg:$0x4] =	wrdreg $0xC0  }
0xab: {  	_ =	task [dreg:s7], $0x5FFFF  }
0xac: {  	[dreg:$0x1] =	wrdreg $0xFFFFFFFF  }
0xad: {  	[dreg:$0x0] =	wrdreg $0x60  }
0xae: {  	[dreg:$0x2] =	wrdreg s24  }
0xaf: {  	[dreg:$0x3] =	wrdreg s2  }
0xb0: {  	[dreg:$0x4] =	wrdreg $0x0  }
0xb1: {  	[dreg:$0x5] =	wrdreg $0x9  }
0xb2: {  	_ =	task.clear_ibuf [dreg:s7], $0x6FFFF;
	_ =	strace $0x90000046  }
0xb3: {  	s29 =	simm.s32 $0x9;
	_ =	strace $0x80000048  }
0xb4: {  	_ =	swait.ge [sflag:s29], $0x1  }
0xb5: {  	[sflag:s29] =	ssyncadd.s32 $0xFFFFFFFF  }
0xb6: {  	_ =	strace $0x90000048  }
0xb7: {  	_ =	sfence  }
0xb8: {  	s30 =	sld [smem:$0x0];
	_ =	sdelay $0x2  }
0xb9: {  	s31 =	sshll.u32 s1, $0xD;
	s1 =	sshrl.u32 s1, $0x2  }
0xba: {  	s3 =	sand.u32 $0x4000, s31;
	s1 =	sadd.s32 s1, s30  }
0xbb: {  	s0 =	sor.u32 s3, s0;
	s1 =	sshll.u32 s1, $0x11  }
0xbc: {  	s0 =	sor.u32 s1, s0  }
0xbd: {  	s0 =	sadd.s32 $0x8F2B, s0  }
0xbe: {  	[sflag:s0] =	ssyncadd.remote.s32 $0x1  }
0xbf: {  	_ =	sfence.sel $0xFFFF  }
0xc0: {  	[dreg:$0x0] =	wrdreg $0xFFFFFFFF;
	(pc) =	sbr.abs _section_cstart, $3  }
0xc1: {  	[dreg:$0x1] =	wrdreg $0xFFFFFFFF  }
0xc2: {  	_ =	task.clear_ibuf [dreg:s7], $0x2FFFF;
	_ =	strace $0x9FFFFFFF  }
0xc3: {  	(tm) =	ssettm $0x7FFFFFFF  }
tec
execute0_lowered:
.L_overlay_start_1:
0x0: {  	(tag) =	ssettag $0x1  }
0x1: {  	s6 =	rddreg [dreg:$0x0]  }
0x2: {  	s2 =	rddreg [dreg:$0x1]  }
0x3: {  	s0 =	srdreg.scid;
	s3 =	rddreg [dreg:$0x2];
	s4 =	simm.s32 $0x0  }
0x4: {  	s13 =	simm.s32 $0x3BC0;
	s14 =	simm.s32 $0x80;
	s15 =	simm.s32 $0x1  }
0x5: {  	s16 =	simm.s32 $0x0;
	s5 =	sand.u32 $0x1, s0;
	s0 =	stileid.u32  }
0x6: {  	[smem:$0x7FF] =	sst s4;
	s1 =	sshll.u32 s5, $0x4;
	s8 =	smul.u32 $0x13C0, s0  }
0x7: {  	s9 =	smul.u32 $0x13C00, s5;
	s5 =	ssub.s32 $0x2, s5;
	s1 =	sor.u32 s0, s1  }
0x8: {  	s31 =	sshll.u32 s0, $0x6;
	s30 =	sshrl.u32 s5, $0x1;
	s7 =	smul.u32 $0x500, s1  }
0x9: {  	s1 =	rddreg [dreg:$0x3];
	_ =	strace $0x80000047;
	s9 =	sadd.s32 s8, s9  }
0xa: {  	s10 =	sshrl.u32 s8, $0x3;
	s11 =	ssub.s32 s5, s30;
	s12 =	sadd.s32 s8, s3  }
0xb: {  	s9 =	sshrl.u32 s9, $0x3;
	s10 =	sadd.s32 s10, s6;
	s7 =	sadd.s32 s7, s6  }
0xc: {  	s9 =	sadd.s32 s9, s6;
	s5 =	sadd.s32 $0xC600, s10;
	s6 =	sor.u32 $0x1C02, s31  }
0xd: {  	s10 =	sshrl.u32 s12, $0x3;
	s12 =	simm.s32 $0x13C0;
	s7 =	sadd.s32 $0x2600, s7  }
0xe: {  	s8 =	sadd.s32 $0xEE00, s9;
	s9 =	smax.u32 s11, $0x1;
	s11 =	simm.s32 $0x2  }
.LBB2_1:
0xf: {  	[spmem:s10], [sflag:s6] =	dma.local [hbm:s5], $0x278  }
0x10: {  	_ =	swait.ge [sflag:s11], $0x278  }
0x11: {  	[sflag:s11] =	ssyncset.done $0x0  }
0x12: {  	[sflag:s11] =	ssyncadd.s32 $0xFFFFFD88  }
0x13: {  	[tilespmem:s12], [sflag:$0x2] =	stream.linear.gather [hbm4b:s7+s4], $0x2800, $0x38;
	[tilespmem:$0x3FC0] =	vst v63  }
0x14: {  	_ =	swait.ge [sflag:s11], $0x2800  }
0x15: {  	[sflag:s11] =	ssyncset.done $0x0  }
0x16: {  	[sflag:s11] =	ssyncadd.s32 $0xFFFFD800  }
0x17: {  	[tilespmem:s13], [sflag:$0x2] =	stream.linear.gather [hbm4b:s2+s4], $0x400, $0x38;
	[tilespmem:$0x3FC0] =	vst v63  }
0x18: {  	_ =	swait.ge [sflag:s11], $0x400  }
0x19: {  	[sflag:s11] =	ssyncset.done $0x0  }
0x1a: {  	[sflag:s11] =	ssyncadd.s32 $0xFFFFFC00  }
0x1b: {  	s17 =	simm.s32 $0x13C0;
	[bflag:$0x0] =	sbarrier.arrive $0xFFFF  }
0x1c: {  	[spmem:s3] =	stream.indirect.scatter.add.f32 [tilespmem:s13], [sflag:$0x1], $0x8, s17, s14, $0xb8;
	[tilespmem:$0x3FC0] =	vst v63  }
0x1d: {  	s24 =	simm.s32 $0x1440  }
0x1e: {  	[spmem:s3] =	stream.indirect.scatter.add.f32 [tilespmem:s13], [sflag:$0x1], $0x8, s24, s14, $0xb8;
	[tilespmem:$0x3FC0] =	vst v63  }
0x1f: {  	s25 =	simm.s32 $0x14C0  }
0x20: {  	[spmem:s3] =	stream.indirect.scatter.add.f32 [tilespmem:s13], [sflag:$0x1], $0x8, s25, s14, $0xb8;
	[tilespmem:$0x3FC0] =	vst v63  }
0x21: {  	s26 =	simm.s32 $0x1540  }
0x22: {  	[spmem:s3] =	stream.indirect.scatter.add.f32 [tilespmem:s13], [sflag:$0x1], $0x8, s26, s14, $0xb8;
	[tilespmem:$0x3FC0] =	vst v63  }
0x23: {  	s28 =	simm.s32 $0x15C0  }
0x24: {  	[spmem:s3] =	stream.indirect.scatter.add.f32 [tilespmem:s13], [sflag:$0x1], $0x8, s28, s14, $0xb8;
	[tilespmem:$0x3FC0] =	vst v63  }
0x25: {  	s29 =	simm.s32 $0x1640  }
0x26: {  	[spmem:s3] =	stream.indirect.scatter.add.f32 [tilespmem:s13], [sflag:$0x1], $0x8, s29, s14, $0xb8;
	[tilespmem:$0x3FC0] =	vst v63  }
0x27: {  	s30 =	simm.s32 $0x16C0  }
0x28: {  	[spmem:s3] =	stream.indirect.scatter.add.f32 [tilespmem:s13], [sflag:$0x1], $0x8, s30, s14, $0xb8;
	[tilespmem:$0x3FC0] =	vst v63  }
0x29: {  	s31 =	simm.s32 $0x1740  }
0x2a: {  	[spmem:s3] =	stream.indirect.scatter.add.f32 [tilespmem:s13], [sflag:$0x1], $0x8, s31, s14, $0xb8;
	[tilespmem:$0x3FC0] =	vst v63  }
0x2b: {  	_ =	swait.ge [sflag:s15], $0x400  }
0x2c: {  	[sflag:s15] =	ssyncset.done $0x0  }
0x2d: {  	[sflag:s15] =	ssyncadd.s32 $0xFFFFFC00  }
0x2e: {  	_ =	swait.ge [sflag:s15], $0x400  }
0x2f: {  	[sflag:s15] =	ssyncset.done $0x0  }
0x30: {  	[sflag:s15] =	ssyncadd.s32 $0xFFFFFC00  }
0x31: {  	_ =	swait.ge [sflag:s15], $0x400  }
0x32: {  	[sflag:s15] =	ssyncset.done $0x0  }
0x33: {  	[sflag:s15] =	ssyncadd.s32 $0xFFFFFC00  }
0x34: {  	_ =	swait.ge [sflag:s15], $0x400  }
0x35: {  	[sflag:s15] =	ssyncset.done $0x0  }
0x36: {  	[sflag:s15] =	ssyncadd.s32 $0xFFFFFC00  }
0x37: {  	_ =	swait.ge [sflag:s15], $0x400  }
0x38: {  	[sflag:s15] =	ssyncset.done $0x0  }
0x39: {  	[sflag:s15] =	ssyncadd.s32 $0xFFFFFC00  }
0x3a: {  	_ =	swait.ge [sflag:s15], $0x400  }
0x3b: {  	[sflag:s15] =	ssyncset.done $0x0  }
0x3c: {  	[sflag:s15] =	ssyncadd.s32 $0xFFFFFC00  }
0x3d: {  	_ =	swait.ge [sflag:s15], $0x400  }
0x3e: {  	[sflag:s15] =	ssyncset.done $0x0  }
0x3f: {  	[sflag:s15] =	ssyncadd.s32 $0xFFFFFC00  }
0x40: {  	_ =	swait.ge [sflag:s15], $0x400  }
0x41: {  	s20 =	simm.s32 $0x2000;
	s19 =	simm.s32 $0x400;
	[sflag:s15] =	ssyncset.done $0x0  }
.LBB2_2:
0x42: {  	s21 =	sadd.s32 $0x13C0, s19  }
0x43: {  	[sflag:s15] =	ssyncadd.s32 $0xFFFFFC00;
	s18 =	smov.u32 s20;
	s17 =	sadd.s32 $0x1000, s20  }
0x44: {  	[spmem:s3] =	stream.indirect.scatter.add.f32 [tilespmem:s13], [sflag:$0x1], $0x8, s21, s14, $0xb8;
	[tilespmem:$0x3FC0] =	vst v63  }
0x45: {  	p0 =	sne.s32 s20, $0x9000;
	s20 =	sadd.s32 $0x1440, s19  }
0x46: {  	[spmem:s3] =	stream.indirect.scatter.add.f32 [tilespmem:s13], [sflag:$0x1], $0x8, s20, s14, $0xb8;
	[tilespmem:$0x3FC0] =	vst v63  }
0x47: {  	s20 =	sadd.s32 $0x14C0, s19  }
0x48: {  	[spmem:s3] =	stream.indirect.scatter.add.f32 [tilespmem:s13], [sflag:$0x1], $0x8, s20, s14, $0xb8;
	[tilespmem:$0x3FC0] =	vst v63  }
0x49: {  	s20 =	sadd.s32 $0x1540, s19  }
0x4a: {  	[spmem:s3] =	stream.indirect.scatter.add.f32 [tilespmem:s13], [sflag:$0x1], $0x8, s20, s14, $0xb8;
	[tilespmem:$0x3FC0] =	vst v63  }
0x4b: {  	s20 =	sadd.s32 $0x15C0, s19  }
0x4c: {  	[spmem:s3] =	stream.indirect.scatter.add.f32 [tilespmem:s13], [sflag:$0x1], $0x8, s20, s14, $0xb8;
	[tilespmem:$0x3FC0] =	vst v63  }
0x4d: {  	s20 =	sadd.s32 $0x1640, s19  }
0x4e: {  	[spmem:s3] =	stream.indirect.scatter.add.f32 [tilespmem:s13], [sflag:$0x1], $0x8, s20, s14, $0xb8;
	[tilespmem:$0x3FC0] =	vst v63  }
0x4f: {  	s20 =	sadd.s32 $0x16C0, s19  }
0x50: {  	[spmem:s3] =	stream.indirect.scatter.add.f32 [tilespmem:s13], [sflag:$0x1], $0x8, s20, s14, $0xb8;
	[tilespmem:$0x3FC0] =	vst v63  }
0x51: {  	s19 =	sadd.s32 $0x1740, s19  }
0x52: {  	[spmem:s3] =	stream.indirect.scatter.add.f32 [tilespmem:s13], [sflag:$0x1], $0x8, s19, s14, $0xb8;
	[tilespmem:$0x3FC0] =	vst v63  }
0x53: {  	_ =	swait.ge [sflag:s15], $0x400  }
0x54: {  	[sflag:s15] =	ssyncset.done $0x0  }
0x55: {  	[sflag:s15] =	ssyncadd.s32 $0xFFFFFC00  }
0x56: {  	_ =	swait.ge [sflag:s15], $0x400  }
0x57: {  	[sflag:s15] =	ssyncset.done $0x0  }
0x58: {  	[sflag:s15] =	ssyncadd.s32 $0xFFFFFC00  }
0x59: {  	_ =	swait.ge [sflag:s15], $0x400  }
0x5a: {  	[sflag:s15] =	ssyncset.done $0x0  }
0x5b: {  	[sflag:s15] =	ssyncadd.s32 $0xFFFFFC00  }
0x5c: {  	_ =	swait.ge [sflag:s15], $0x400  }
0x5d: {  	[sflag:s15] =	ssyncset.done $0x0  }
0x5e: {  	[sflag:s15] =	ssyncadd.s32 $0xFFFFFC00  }
0x5f: {  	_ =	swait.ge [sflag:s15], $0x400  }
0x60: {  	[sflag:s15] =	ssyncset.done $0x0  }
0x61: {  	[sflag:s15] =	ssyncadd.s32 $0xFFFFFC00  }
0x62: {  	_ =	swait.ge [sflag:s15], $0x400  }
0x63: {  	[sflag:s15] =	ssyncset.done $0x0  }
0x64: {  	[sflag:s15] =	ssyncadd.s32 $0xFFFFFC00  }
.Ltmp0:
0x65: {  	_ =	swait.ge [sflag:s15], $0x400;
	(pc) =	sbr.rel @p0 .LBB2_2-.Ltmp0, $4  }
0x66: {  	[sflag:s15] =	ssyncset.done $0x0  }
0x67: {  	[sflag:s15] =	ssyncadd.s32 $0xFFFFFC00  }
0x68: {  	_ =	swait.ge [sflag:s15], $0x400  }
0x69: {  	s20 =	smov.u32 s17;
	s19 =	sshra.s32 s18, $0x2;
	[sflag:s15] =	ssyncset.done $0x0  }
0x6a: {  	s17 =	sadd.s32 $0x13C0, s19;
	[sflag:s15] =	ssyncadd.s32 $0xFFFFFC00  }
0x6b: {  	[spmem:s3] =	stream.indirect.scatter.add.f32 [tilespmem:s13], [sflag:$0x1], $0x8, s17, s14, $0xb8;
	[tilespmem:$0x3FC0] =	vst v63  }
0x6c: {  	s24 =	sadd.s32 $0x1440, s19  }
0x6d: {  	[spmem:s3] =	stream.indirect.scatter.add.f32 [tilespmem:s13], [sflag:$0x1], $0x8, s24, s14, $0xb8;
	[tilespmem:$0x3FC0] =	vst v63  }
0x6e: {  	s25 =	sadd.s32 $0x14C0, s19  }
0x6f: {  	[spmem:s3] =	stream.indirect.scatter.add.f32 [tilespmem:s13], [sflag:$0x1], $0x8, s25, s14, $0xb8;
	[tilespmem:$0x3FC0] =	vst v63  }
0x70: {  	s26 =	sadd.s32 $0x1540, s19  }
0x71: {  	[spmem:s3] =	stream.indirect.scatter.add.f32 [tilespmem:s13], [sflag:$0x1], $0x8, s26, s14, $0xb8;
	[tilespmem:$0x3FC0] =	vst v63  }
0x72: {  	s28 =	sadd.s32 $0x15C0, s19  }
0x73: {  	[spmem:s3] =	stream.indirect.scatter.add.f32 [tilespmem:s13], [sflag:$0x1], $0x8, s28, s14, $0xb8;
	[tilespmem:$0x3FC0] =	vst v63  }
0x74: {  	s29 =	sadd.s32 $0x1640, s19  }
0x75: {  	[spmem:s3] =	stream.indirect.scatter.add.f32 [tilespmem:s13], [sflag:$0x1], $0x8, s29, s14, $0xb8;
	[tilespmem:$0x3FC0] =	vst v63  }
0x76: {  	s30 =	sadd.s32 $0x16C0, s19  }
0x77: {  	[spmem:s3] =	stream.indirect.scatter.add.f32 [tilespmem:s13], [sflag:$0x1], $0x8, s30, s14, $0xb8;
	[tilespmem:$0x3FC0] =	vst v63  }
0x78: {  	s31 =	sadd.s32 $0x1740, s19  }
0x79: {  	[spmem:s3] =	stream.indirect.scatter.add.f32 [tilespmem:s13], [sflag:$0x1], $0x8, s31, s14, $0xb8;
	[tilespmem:$0x3FC0] =	vst v63  }
0x7a: {  	_ =	swait.ge [sflag:s15], $0x400  }
0x7b: {  	[sflag:s15] =	ssyncset.done $0x0  }
0x7c: {  	[sflag:s15] =	ssyncadd.s32 $0xFFFFFC00  }
0x7d: {  	_ =	swait.ge [sflag:s15], $0x400  }
0x7e: {  	[sflag:s15] =	ssyncset.done $0x0  }
0x7f: {  	[sflag:s15] =	ssyncadd.s32 $0xFFFFFC00  }
0x80: {  	_ =	swait.ge [sflag:s15], $0x400  }
0x81: {  	[sflag:s15] =	ssyncset.done $0x0  }
0x82: {  	[sflag:s15] =	ssyncadd.s32 $0xFFFFFC00  }
0x83: {  	_ =	swait.ge [sflag:s15], $0x400  }
0x84: {  	[sflag:s15] =	ssyncset.done $0x0  }
0x85: {  	[sflag:s15] =	ssyncadd.s32 $0xFFFFFC00  }
0x86: {  	_ =	swait.ge [sflag:s15], $0x400  }
0x87: {  	[sflag:s15] =	ssyncset.done $0x0  }
0x88: {  	[sflag:s15] =	ssyncadd.s32 $0xFFFFFC00  }
0x89: {  	_ =	swait.ge [sflag:s15], $0x400  }
0x8a: {  	[sflag:s15] =	ssyncset.done $0x0  }
0x8b: {  	[sflag:s15] =	ssyncadd.s32 $0xFFFFFC00  }
0x8c: {  	_ =	swait.ge [sflag:s15], $0x400  }
0x8d: {  	[sflag:s15] =	ssyncset.done $0x0  }
0x8e: {  	[sflag:s15] =	ssyncadd.s32 $0xFFFFFC00  }
0x8f: {  	_ =	swait.ge [sflag:s15], $0x400  }
0x90: {  	s16 =	sadd.s32 $0x1, s16;
	[sflag:s15] =	ssyncset.done $0x0  }
0x91: {  	p0 =	sne.s32 s16, s9;
	[sflag:s15] =	ssyncadd.s32 $0xFFFFFC00  }
.Ltmp1:
0x92: {  	[bflag:$0x0] =	sbarrier.arrive $0xFFFF;
	(pc) =	sbr.rel @p0 .LBB2_1-.Ltmp1, $4  }
0x93: {  	[hbm:s8], [sflag:s6] =	dma.local [spmem:s10], $0x278  }
0x94: {  	_ =	swait.ge [sflag:s11], $0x278  }
0x95: {  	[sflag:s11] =	ssyncset.done $0x0  }
0x96: {  	[sflag:s11] =	ssyncadd.s32 $0xFFFFFD88  }
0x97: {  	_ =	sfence.sel $0x180000  }
0x98: {  	[bflag:$0x0] =	sbarrier.arrive $0xFFFF  }
0x99: {  	p0 =	sne.s32 s0, $0x0;
	_ =	strace $0x90000047  }
0x9a: {  	s0 =	sadd.s32 @!p0 $0x100000, s1;
	[bflag:$0x2] =	sbarrier.arrive $0xFFFF  }
0x9b: {  	[sflag:s0] =	ssyncadd.tile.s32 @!p0 $0x1;
	_ =	shalt  }
.Lfunc_end2:
_tile_overlayer_lowered:
.L_overlay_start_2:
0x9c: {  	(tag) =	ssettag $0x2  }
0x9d: {  	s0 =	rddreg [dreg:$0x0];
	s2 =	stileid.u32  }
0x9e: {  	s1 =	rddreg [dreg:$0x1];
	p0 =	sne.s32 s2, $0x0  }
0x9f: {  	s3 =	rddreg [dreg:$0x2];
	[bflag:$0x3] =	sbarrier.arrive $0xFFFF;
	s2 =	simm.s32 @!p0 $0x1C02  }
0xa0: {  	[timem:s3], [sflag:s2] =	dma.local @!p0 [hbm:s0], s1  }
0xa1: {  	s0 =	simm.s32 @!p0 $0x2  }
0xa2: {  	_ =	swait.ge @!p0 [sflag:s0], s1  }
0xa3: {  	s1 =	ssub.s32 @!p0 $0x0, s1;
	[sflag:s0] =	ssyncset.done @!p0 $0x0  }
0xa4: {  	[sflag:s0] =	ssyncadd.s32 @!p0 s1  }
0xa5: {  	[bflag:$0x3] =	sbarrier.arrive $0xFFFF  }
0xa6: {  	_ =	shalt  }

// kernel: kernel.13.cloned.1.call-start
scs
__scs_entry_jumppad:
0x0: {  	(pc) =	sbr.rel $0x88, $3  }
0x1: {  	(tag) =	ssettag $0x0;
	lr =	simm.s32 $0x1  }
0x2: {  	[smem:$0x3F95] =	sst lr;
	_ =	strace $0xD0000000  }
0x3: {  	_ = 	snop  }
0x4: {  	_ = 	snop  }
0x5: {  	_ = 	snop  }
0x6: {  	_ = 	snop  }
0x7: {  	_ = 	snop  }
__scs_overlays_trampoline_lowered:
0x8: {  	[smem:$0x3FA4] =	sst s0  }
0x9: {  	[smem:$0x3FA5] =	sst s1  }
0xa: {  	[smem:$0x3FA6] =	sst s2  }
0xb: {  	[smem:$0x3FA7] =	sst s3  }
0xc: {  	[smem:$0x3FA8] =	sst s4  }
0xd: {  	[smem:$0x3FA9] =	sst s5  }
0xe: {  	[smem:$0x3FAA] =	sst s6  }
0xf: {  	[smem:$0x3FAB] =	sst s7  }
0x10: {  	[smem:$0x3FAC] =	sst s8  }
0x11: {  	[smem:$0x3FAD] =	sst s9;
	s0 =	simm.s32 @!p0 $0x0  }
0x12: {  	s1 =	sld [smem:$0x3F93];
	s0 =	simm.s32 @p0 $0x1  }
0x13: {  	[smem:$0x3FAE] =	sst s0;
	s0 =	simm.s32 @!p1 $0x0  }
0x14: {  	s2 =	sld [smem:$0x3F92];
	s0 =	simm.s32 @p1 $0x1  }
0x15: {  	[smem:$0x3FAF] =	sst s0;
	s0 =	simm.s32 @!p2 $0x0  }
0x16: {  	s3 =	sld [smem:$0x3FDB];
	s0 =	simm.s32 @p2 $0x1  }
0x17: {  	s4 =	simm.s32 $0x1BF5;
	[smem:$0x3FB1] =	sst s0  }
0x18: {  	s0 =	sld [smem:$0x3F94];
	_ =	swait.ge [sflag:s4], $0x0  }
0x19: {  	s7 =	sld [smem:$0x3F95]  }
0x1a: {  	s8 =	sadd.s32 $0xFFFFE003, lr  }
0x1b: {  	s9 =	sadd.s32 $0xFFFFFEF7, lr;
	s5 =	simm.s32 $0xFFFFFFFF;
	p2 =	slt.u32 s8, $0xFFFFF086  }
0x1c: {  	p1 =	slt.u32 s9, $0xF7A;
	s5 =	simm.s32 @!p2 $0x0  }
0x1d: {  	s5 =	simm.s32 @p1 $0x1;
	p0 =	seq.s32 s7, s2  }
0x1e: {  	s7 =	smul.u32 @!p0 $0xF7A, s2;
	p2 =	seq.s32 @!p0 s5, $0x0  }
0x1f: {  	s9 =	smul.u32 $0xF7A, s1;
	s8 =	simm.s32 @!p0 $0x1BF5;
	p2 =	por !p2, p0  }
0x20: {  	[sflag:s8] =	ssyncset.s32 @!p0 $0xFFFFF086;
	s6 =	sadd.s32 @!p0 s3, s7;
	s7 =	simm.s32 @!p0 $0x108  }
0x21: {  	s3 =	sadd.s32 s3, s9;
	s6 =	sadd.s32 @!p0 $0x88, s6;
	s7 =	simm.s32 @p2 $0x1082  }
0x22: {  	[simem:s7], [sflag:s8] =	dma.local @!p0 [hbm:s6], $0xF7A  }
0x23: {  	s9 =	sor.u32 $0xD0000000, s2;
	s6 =	simm.s32 $0x108;
	_ =	swait.ge @!p0 [sflag:s8], $0x0  }
0x24: {  	s3 =	sadd.s32 $0x88, s3;
	s6 =	simm.s32 @!p1 $0x1082;
	[sflag:s4] =	ssyncset.s32 $0xFFFFF086  }
0x25: {  	[simem:s6], [sflag:s4] =	dma.local [hbm:s3], $0xF7A  }
0x26: {  	[smem:$0x3F95] =	sst s1;
	(tag) =	ssettag s2;
	_ =	strace s9  }
0x27: {  	s1 =	sld [smem:$0x3FA5]  }
0x28: {  	s2 =	sld [smem:$0x3FA6]  }
0x29: {  	s4 =	sld [smem:$0x3FA8]  }
0x2a: {  	p0 =	seq.s32 s5, $0x0;
	s5 =	sld [smem:$0x3FA9]  }
0x2b: {  	s6 =	sld [smem:$0x3FAA]  }
0x2c: {  	s7 =	sld [smem:$0x3FAB]  }
0x2d: {  	s3 =	simm.s32 $0x108;
	s8 =	sld [smem:$0x3FAC]  }
0x2e: {  	s3 =	simm.s32 @!p0 $0x1082;
	s9 =	sld [smem:$0x3FAD]  }
0x2f: {  	lr =	sadd.s32 s0, s3;
	s0 =	sld [smem:$0x3FA4]  }
0x30: {  	s3 =	sld [smem:$0x3FA7]  }
0x31: {  	[smem:$0x3FB0] =	sst s10  }
0x32: {  	s10 =	sld [smem:$0x3FAE];
	_ =	sdelay $0x3  }
0x33: {  	p0 =	seq.s32 s10, $0x1;
	s10 =	sld [smem:$0x3FB0];
	_ =	sdelay $0x3  }
0x34: {  	[smem:$0x3FB0] =	sst s10  }
0x35: {  	s10 =	sld [smem:$0x3FAF];
	_ =	sdelay $0x3  }
0x36: {  	p1 =	seq.s32 s10, $0x1;
	s10 =	sld [smem:$0x3FB0];
	_ =	sdelay $0x3  }
0x37: {  	[smem:$0x3FB0] =	sst s10  }
0x38: {  	s10 =	sld [smem:$0x3FB1]  }
0x39: {  	_ = 	snop;
	(pc) =	sbr.ind lr, $3  }
0x3a: {  	_ = 	snop  }
0x3b: {  	_ = 	snop  }
0x3c: {  	p2 =	seq.s32 s10, $0x1;
	s10 =	sld [smem:$0x3FB0]  }
0x3d: {  	_ =	shalt  }
0x3e: {  	_ =	shalt  }
0x3f: {  	_ =	shalt  }
0x40: {  	_ =	shalt  }
0x41: {  	_ =	shalt  }
0x42: {  	_ =	shalt  }
0x43: {  	_ =	shalt  }
0x44: {  	_ =	shalt  }
0x45: {  	_ =	shalt  }
0x46: {  	_ =	shalt  }
0x47: {  	_ =	shalt  }
0x48: {  	_ =	shalt  }
0x49: {  	_ =	shalt  }
0x4a: {  	_ =	shalt  }
0x4b: {  	_ =	shalt  }
0x4c: {  	_ =	shalt  }
0x4d: {  	_ =	shalt  }
0x4e: {  	_ =	shalt  }
0x4f: {  	_ =	shalt  }
0x50: {  	_ =	shalt  }
0x51: {  	_ =	shalt  }
0x52: {  	_ =	shalt  }
0x53: {  	_ =	shalt  }
0x54: {  	_ =	shalt  }
0x55: {  	_ =	shalt  }
0x56: {  	_ =	shalt  }
0x57: {  	_ =	shalt  }
0x58: {  	_ =	shalt  }
0x59: {  	_ =	shalt  }
0x5a: {  	_ =	shalt  }
0x5b: {  	_ =	shalt  }
0x5c: {  	_ =	shalt  }
0x5d: {  	_ =	shalt  }
0x5e: {  	_ =	shalt  }
0x5f: {  	_ =	shalt  }
0x60: {  	_ =	shalt  }
0x61: {  	_ =	shalt  }
0x62: {  	_ =	shalt  }
0x63: {  	_ =	shalt  }
0x64: {  	_ =	shalt  }
0x65: {  	_ =	shalt  }
0x66: {  	_ =	shalt  }
0x67: {  	_ =	shalt  }
0x68: {  	_ =	shalt  }
0x69: {  	_ =	shalt  }
0x6a: {  	_ =	shalt  }
0x6b: {  	_ =	shalt  }
0x6c: {  	_ =	shalt  }
0x6d: {  	_ =	shalt  }
0x6e: {  	_ =	shalt  }
0x6f: {  	_ =	shalt  }
0x70: {  	_ =	shalt  }
0x71: {  	_ =	shalt  }
0x72: {  	_ =	shalt  }
0x73: {  	_ =	shalt  }
0x74: {  	_ =	shalt  }
0x75: {  	_ =	shalt  }
0x76: {  	_ =	shalt  }
0x77: {  	_ =	shalt  }
0x78: {  	_ =	shalt  }
0x79: {  	_ =	shalt  }
0x7a: {  	_ =	shalt  }
0x7b: {  	_ =	shalt  }
0x7c: {  	_ =	shalt  }
0x7d: {  	_ =	shalt  }
0x7e: {  	_ =	shalt  }
0x7f: {  	_ =	shalt  }
0x80: {  	_ =	shalt  }
0x81: {  	_ =	shalt  }
0x82: {  	_ =	shalt  }
0x83: {  	_ =	shalt  }
0x84: {  	_ =	shalt  }
0x85: {  	_ =	shalt  }
0x86: {  	_ =	shalt  }
0x87: {  	_ =	shalt  }
.Lfunc_end0:
.L_simem_size_0:
called_computation.1_lowered:
.L_overlay_start_0:
0x88: {  	s2 =	sld [smem:$0x3FD9]  }
0x89: {  	s3 =	sld [smem:$0x3FFE];
	_ =	sdelay $0x1  }
0x8a: {  	s1 =	srdreg.scid  }
0x8b: {  	s0 =	sand.u32 $0x1, s1  }
0x8c: {  	s16 =	sshll.u32 s0, $0xA;
	s2 =	sadd.s32 s3, s2  }
0x8d: {  	s2 =	sadd.s32 s2, s16  }
0x8e: {  	[smem:$0x3FBC] =	sst s2  }
0x8f: {  	_ = 	snop  }
0x90: {  	(tm) =	ssettm $0x1  }
0x91: {  	s17 =	sld [smem:$0x3FFB];
	_ =	sdelay $0x3  }
0x92: {  	_ =	strace s17  }
0x93: {  	s2 =	sld [smem:$0x3FFC];
	_ =	sdelay $0x3  }
0x94: {  	_ =	strace s2  }
0x95: {  	s2 =	sld [smem:$0x3FFD];
	_ =	sdelay $0x3  }
0x96: {  	_ =	strace s2  }
0x97: {  	_ =	strace $0x8FFFFFFF  }
0x98: {  	s18 =	sld [smem:$0x3FDB];
	_ =	sdelay $0x1  }
0x99: {  	s19 =	simm.s32 $_scs_section_size  }
0x9a: {  	s4 =	simm.s32 $_size__tile_overlayer_lowered;
	s5 =	simm.s32 $_tile_overlayer_lowered  }
0x9b: {  	s22 =	simm.s32 $0x1BFF;
	s21 =	sshll.u32 s5, $0x1;
	s2 =	sadd.s32 s19, s18  }
0x9c: {  	s6 =	simm.s32 $0x0;
	s20 =	sshll.u32 s4, $0x1;
	s4 =	sadd.s32 s21, s2  }
0x9d: {  	[timem:s6], [sflag:s22] =	dma.local [hbm:s4], s20  }
0x9e: {  	_ =	swait.ge [sflag:s22], s20  }
0x9f: {  	s3 =	ssub.s32 $0x0, s20;
	[sflag:s22] =	ssyncset.done $0x0  }
0xa0: {  	[sflag:s22] =	ssyncadd.s32 s3;
	_ =	sdelay $0x1  }
0xa1: {  	s23 =	simm.s32 $0x1B8B  }
0xa2: {  	_ =	swait.ge [sflag:s23], $0x1  }
0xa3: {  	[sflag:s23] =	ssyncset.done $0x0  }
0xa4: {  	s25 =	simm.s32 $0x1B8E;
	s24 =	sld [smem:$0x3FFE];
	[sflag:s23] =	ssyncadd.s32 $0xFFFFFFFF  }
0xa5: {  	s26 =	simm.s32 $execute0_lowered;
	[smem:$0x3FD2] =	sst s25  }
0xa6: {  	s4 =	sshll.u32 s26, $0x1;
	_ =	strace $0x80000049;
	[dreg:$0x1] =	wrdreg $0xFFFFFFFF  }
0xa7: {  	s28 =	simm.s32 $_size_execute0_lowered;
	s2 =	sadd.s32 s2, s4;
	[dreg:$0x0] =	wrdreg $0x0  }
0xa8: {  	s4 =	sshll.u32 s28, $0x1;
	[dreg:$0x2] =	wrdreg s2  }
0xa9: {  	[dreg:$0x3] =	wrdreg s4  }
0xaa: {  	[dreg:$0x4] =	wrdreg $0xC0  }
0xab: {  	_ =	task [dreg:s6], $0x5FFFF  }
0xac: {  	[dreg:$0x1] =	wrdreg $0xFFFFFFFF  }
0xad: {  	[dreg:$0x0] =	wrdreg $0x60  }
0xae: {  	[dreg:$0x2] =	wrdreg s24  }
0xaf: {  	[dreg:$0x3] =	wrdreg $0x0  }
0xb0: {  	[dreg:$0x4] =	wrdreg $0x9  }
0xb1: {  	_ =	task.clear_ibuf [dreg:s6], $0x5FFFF;
	_ =	strace $0x90000049  }
0xb2: {  	s29 =	simm.s32 $0x9;
	_ =	strace $0x8000004B  }
0xb3: {  	_ =	swait.ge [sflag:s29], $0x1  }
0xb4: {  	[sflag:s29] =	ssyncadd.s32 $0xFFFFFFFF  }
0xb5: {  	_ =	strace $0x9000004B  }
0xb6: {  	_ =	sfence  }
0xb7: {  	s30 =	sld [smem:$0x0];
	_ =	sdelay $0x2  }
0xb8: {  	s31 =	sshll.u32 s1, $0xD;
	s1 =	sshrl.u32 s1, $0x2  }
0xb9: {  	s3 =	sand.u32 $0x4000, s31;
	s1 =	sadd.s32 s1, s30  }
0xba: {  	s0 =	sor.u32 s3, s0;
	s1 =	sshll.u32 s1, $0x11  }
0xbb: {  	s0 =	sor.u32 s1, s0  }
0xbc: {  	s0 =	sadd.s32 $0x8F2B, s0  }
0xbd: {  	[sflag:s0] =	ssyncadd.remote.s32 $0x1  }
0xbe: {  	_ =	sfence.sel $0xFFFF  }
0xbf: {  	[dreg:$0x0] =	wrdreg $0xFFFFFFFF;
	(pc) =	sbr.abs _section_cstart, $3  }
0xc0: {  	[dreg:$0x1] =	wrdreg $0xFFFFFFFF  }
0xc1: {  	_ =	task.clear_ibuf [dreg:s6], $0x2FFFF;
	_ =	strace $0x9FFFFFFF  }
0xc2: {  	(tm) =	ssettm $0x7FFFFFFF  }
0xc3: {  	_ =	shalt  }
tec
execute0_lowered:
.L_overlay_start_1:
0x0: {  	(tag) =	ssettag $0x1  }
0x1: {  	s6 =	rddreg [dreg:$0x0]  }
0x2: {  	s2 =	rddreg [dreg:$0x1];
	s0 =	stileid.u32  }
0x3: {  	s3 =	simm.s32 $0x0;
	s4 =	srdreg.scid;
	s19 =	simm.s32 $0x80  }
0x4: {  	s23 =	simm.s32 $0x1;
	s24 =	simm.s32 $0x2;
	s7 =	smul.u32 $0x1388, s0  }
0x5: {  	s25 =	simm.s32 $0x0;
	[smem:$0x7FF] =	sst s3;
	s8 =	smul.u32 $0x9E00, s0  }
0x6: {  	s9 =	sand.u32 $0x1, s4;
	s4 =	sadd.s32 $0x13E00, s6;
	s5 =	sadd.s32 $0x2600, s6  }
0x7: {  	s14 =	smul.u32 $0x27100, s0;
	s30 =	sshll.u32 s0, $0x6;
	_ =	strace $0x8000004A  }
0x8: {  	s10 =	smul.u32 $0x9E000, s9;
	s12 =	ssub.s32 $0x2, s9;
	s28 =	sshll.u32 s9, $0x4  }
0x9: {  	s11 =	sadd.s32 s7, s6;
	s26 =	sshrl.u32 s8, $0x3;
	s13 =	sshrl.u32 s12, $0x1  }
0xa: {  	s16 =	sadd.s32 s8, s2;
	s29 =	sshrl.u32 s14, $0x2;
	s9 =	sor.u32 s0, s28  }
0xb: {  	s7 =	sadd.s32 s26, s6;
	s10 =	sadd.s32 s8, s10;
	s31 =	smul.u32 $0x500, s9  }
0xc: {  	s13 =	ssub.s32 s12, s13;
	s8 =	sadd.s32 s29, s2;
	s9 =	smul.u32 $0x50, s9  }
.Ltmp0:
0xd: {  	s14 =	sshrl.u32 s16, $0x3;
	s10 =	sshrl.u32 s10, $0x3;
	(pc) =	sbr.rel .LBB2_1-.Ltmp0, $4  }
0xe: {  	s17 =	sadd.s32 $0x9E000, s8;
	s8 =	sadd.s32 $0x1DE00, s11;
	s13 =	smax.u32 s13, $0x1  }
0xf: {  	s15 =	sadd.s32 s10, s6;
	s6 =	sadd.s32 $0x31800, s7;
	s7 =	sor.u32 $0x1C03, s30  }
0x10: {  	s10 =	sadd.s32 s4, s31;
	s11 =	sadd.s32 s5, s31;
	s16 =	sshrl.u32 s17, $0x3  }
0x11: {  	s17 =	simm.s32 $0x13A40;
	s12 =	sadd.s32 $0x45400, s15;
	s15 =	simm.s32 $0x3  }
.LBB2_5:
0x12: {  	_ =	swait.ge [sflag:s24], $0x2000  }
0x13: {  	[sflag:s24] =	ssyncset.done $0x0  }
0x14: {  	[sflag:s24] =	ssyncadd.s32 $0xFFFFE000  }
0x15: {  	_ =	swait.ge [sflag:s24], $0x2000  }
0x16: {  	s25 =	sadd.s32 $0x1, s25;
	[sflag:s24] =	ssyncset.done $0x0  }
0x17: {  	p0 =	sne.s32 s25, s13;
	[sflag:s24] =	ssyncadd.s32 $0xFFFFE000  }
.Ltmp1:
0x18: {  	[bflag:$0x0] =	sbarrier.arrive $0xFFFF;
	(pc) =	sbr.rel @!p0 .LBB2_6-.Ltmp1, $4  }
0x19: {  	[hbm:s12], [sflag:s7] =	dma.local [spmem:s14], $0x13C0  }
0x1a: {  	_ =	swait.ge [sflag:s15], $0x13C0  }
0x1b: {  	[sflag:s15] =	ssyncset.done $0x0  }
0x1c: {  	[sflag:s15] =	ssyncadd.s32 $0xFFFFEC40  }
.LBB2_1:
0x1d: {  	[spmem:s14], [sflag:s7] =	dma.local [hbm:s6], $0x13C0  }
0x1e: {  	_ =	swait.ge [sflag:s15], $0x13C0  }
0x1f: {  	[sflag:s15] =	ssyncset.done $0x0  }
0x20: {  	[sflag:s15] =	ssyncadd.s32 $0xFFFFEC40  }
0x21: {  	[spmem:s16], [sflag:s7] =	dma.local [hbm:s8], $0x1388  }
0x22: {  	_ =	swait.ge [sflag:s15], $0x1388  }
0x23: {  	[sflag:s15] =	ssyncset.done $0x0  }
0x24: {  	[sflag:s15] =	ssyncadd.s32 $0xFFFFEC78  }
0x25: {  	[bflag:$0x0] =	sbarrier.arrive $0xFFFF  }
0x26: {  	[tilespmem:s17], [sflag:$0x3] =	stream.linear.gather [hbm4b:s10+s3], $0xA00, $0x38;
	[tilespmem:$0x1E240] =	vst v63  }
0x27: {  	_ =	swait.ge [sflag:s15], $0xA00  }
0x28: {  	[sflag:s15] =	ssyncset.done $0x0  }
0x29: {  	s0 =	simm.s32 $0x14E40;
	[sflag:s15] =	ssyncadd.s32 $0xFFFFF600  }
0x2a: {  	[tilespmem:s0], [sflag:$0x3] =	stream.linear.gather [hbm4b:s11+s3], $0xA00, $0x38;
	[tilespmem:$0x1E240] =	vst v63  }
0x2b: {  	_ =	swait.ge [sflag:s15], $0xA00  }
.Ltmp2:
0x2c: {  	s30 =	simm.s32 $0x16240;
	[sflag:s15] =	ssyncset.done $0x0;
	(pc) =	sbr.rel .LBB2_2-.Ltmp2, $4  }
0x2d: {  	s31 =	simm.s32 $0x13AC0;
	s1 =	simm.s32 $0x18240;
	[sflag:s15] =	ssyncadd.s32 $0xFFFFF600  }
0x2e: {  	[tilespmem:s30], [sflag:$0x1] =	stream.indirect.gather [spmem:s2], $0x40, s17, s19, $0xb8;
	[tilespmem:$0x1E240] =	vst v63  }
0x2f: {  	s26 =	simm.s32 $0x0;
	s28 =	simm.s32 $0x2;
	s29 =	simm.s32 $0x0  }
0x30: {  	[tilespmem:s1], [sflag:$0x1] =	stream.indirect.gather [spmem:s2], $0x40, s31, s19, $0xb8;
	[tilespmem:$0x1E240] =	vst v63  }
.LBB2_4:
0x31: {  	s0 =	smul.u32 $0xCD, s30;
	_ =	sdelay $0x1  }
0x32: {  	s0 =	sshrl.u32 s0, $0xC  }
0x33: {  	s1 =	sand.u32 $0xF, s0  }
0x34: {  	s18 =	sand.u32 $0x18000, s26;
	s0 =	sand.u32 $0x1, s0;
	s1 =	smul.u32 $0x14, s1  }
0x35: {  	s28 =	sadd.s32 $0x1, s28;
	p0 =	seq.s32 s0, $0x1;
	s0 =	simm.s32 $0xA00  }
0x36: {  	s0 =	simm.s32 @!p0 $0x0;
	p0 =	sne.s32 s28, $0x52;
	s1 =	ssub.s32 s30, s1  }
.Ltmp3:
0x37: {  	_ =	swait.ge [sflag:s23], $0x2000;
	s1 =	sand.u32 $0xFF, s1;
	(pc) =	sbr.rel @!p0 .LBB2_5-.Ltmp3, $4  }
0x38: {  	s29 =	sadd.s32 $0x1, s29;
	s26 =	sadd.s32 $0x8000, s26;
	s1 =	sshll.u32 s1, $0x7  }
0x39: {  	s18 =	sshrl.u32 s18, $0x2;
	[sflag:s23] =	ssyncset.done $0x0;
	s0 =	sadd.s32 s1, s0  }
0x3a: {  	s31 =	sadd.s32 $0x16240, s18;
	[sflag:s23] =	ssyncadd.s32 $0xFFFFE000;
	s0 =	sadd.s32 $0x14E40, s0  }
0x3b: {  	[spmem:s2] =	stream.indirect.scatter.add.f32 [tilespmem:s31], [sflag:$0x2], $0x40, s0, s19, $0xb8;
	[tilespmem:$0x1E240] =	vst v63  }
.LBB2_2:
0x3c: {  	s30 =	sadd.s32 $0xFFFFFFFE, s28  }
0x3d: {  	p0 =	slt.u32 s30, $0x2  }
0x3e: {  	p1 =	sgt.u32 @!p0 s30, $0x4D  }
0x3f: {  	p1 =	por p0, !p1  }
.Ltmp4:
0x40: {  	_ = 	snop;
	(pc) =	sbr.rel @!p1 .LBB2_4-.Ltmp4, $4  }
0x41: {  	s31 =	simm.s32 @!p0 $0x2  }
0x42: {  	_ =	swait.ge @!p0 [sflag:s31], $0x2000  }
0x43: {  	[sflag:s31] =	ssyncset.done @!p0 $0x0  }
0x44: {  	[sflag:s31] =	ssyncadd.s32 @!p0 $0xFFFFE000  }
0x45: {  	s31 =	sadd.s32 @!p0 $0x2, s29  }
0x46: {  	s31 =	smov.u32 @p0 s28  }
0x47: {  	s0 =	smul.u32 $0xCD, s31;
	_ =	sdelay $0x1  }
0x48: {  	s0 =	sshrl.u32 s0, $0xC  }
0x49: {  	s1 =	sand.u32 $0xF, s0  }
0x4a: {  	s18 =	smul.u32 $0x14, s1;
	_ =	sdelay $0x1  }
0x4b: {  	s18 =	ssub.s32 s31, s18  }
0x4c: {  	s18 =	sand.u32 $0xFF, s18  }
0x4d: {  	p0 =	sne.s32 s18, $0x0  }
0x4e: {  	s1 =	smul.u32 @!p0 $0x14, s1;
	_ =	sdelay $0x1  }
0x4f: {  	s0 =	sand.u32 $0x1, s0;
	s1 =	sand.u32 @!p0 $0xFC, s1  }
0x50: {  	p1 =	seq.s32 s0, $0x1;
	s0 =	sadd.s32 @!p0 s1, s9  }
0x51: {  	p2 =	por !p1, p0;
	s1 =	simm.s32 @!p0 $0xA00;
	s0 =	sshll.u32 @!p0 s0, $0x4  }
0x52: {  	s1 =	simm.s32 @p2 $0x0;
	s0 =	sand.u32 @!p0 $0x1FFC0, s0  }
0x53: {  	s22 =	simm.s32 @!p0 $0x0;
	s20 =	sadd.s32 @!p0 $0x13A40, s1;
	s21 =	sadd.s32 @!p0 s4, s0  }
0x54: {  	[tilespmem:s20], [sflag:$0x3] =	stream.linear.gather @!p0 [hbm4b:s21+s22], $0xA00, $0x38;
	[tilespmem:$0x1E240] =	vst v63  }
0x55: {  	s20 =	simm.s32 @!p0 $0x3  }
0x56: {  	_ =	swait.ge @!p0 [sflag:s20], $0xA00  }
0x57: {  	[sflag:s20] =	ssyncset.done @!p0 $0x0  }
0x58: {  	s1 =	sadd.s32 @!p0 $0x14E40, s1;
	s0 =	sadd.s32 @!p0 s5, s0;
	[sflag:s20] =	ssyncadd.s32 @!p0 $0xFFFFF600  }
0x59: {  	[tilespmem:s1], [sflag:$0x3] =	stream.linear.gather @!p0 [hbm4b:s0+s22], $0xA00, $0x38;
	[tilespmem:$0x1E240] =	vst v63  }
.Ltmp5:
0x5a: {  	s31 =	sshll.u32 s31, $0xD;
	s0 =	simm.s32 $0xA00;
	(pc) =	sbr.rel .LBB2_4-.Ltmp5, $4  }
0x5b: {  	s18 =	sshll.u32 s18, $0x7;
	_ =	swait.ge @!p0 [sflag:s20], $0xA00;
	s0 =	simm.s32 @!p1 $0x0  }
0x5c: {  	s1 =	sand.u32 $0x6000, s31;
	[sflag:s20] =	ssyncset.done @!p0 $0x0;
	s0 =	sadd.s32 s18, s0  }
0x5d: {  	s1 =	sadd.s32 $0x16240, s1;
	[sflag:s20] =	ssyncadd.s32 @!p0 $0xFFFFF600;
	s0 =	sadd.s32 $0x13A40, s0  }
0x5e: {  	[tilespmem:s1], [sflag:$0x1] =	stream.indirect.gather [spmem:s2], $0x40, s0, s19, $0xb8;
	[tilespmem:$0x1E240] =	vst v63  }
.LBB2_6:
0x5f: {  	_ =	sfence.sel $0x180000  }
0x60: {  	[bflag:$0x0] =	sbarrier.arrive $0xFFFF  }
0x61: {  	_ =	strace $0x9000004A  }
0x62: {  	s0 =	stileid.u32;
	[bflag:$0x2] =	sbarrier.arrive $0xFFFF  }
0x63: {  	p0 =	sne.s32 s0, $0x0;
	s0 =	rddreg [dreg:$0x2]  }
0x64: {  	s0 =	sadd.s32 @!p0 $0x100000, s0  }
0x65: {  	[sflag:s0] =	ssyncadd.tile.s32 @!p0 $0x1;
	_ =	shalt  }
.Lfunc_end2:
_tile_overlayer_lowered:
.L_overlay_start_2:
0x66: {  	(tag) =	ssettag $0x2  }
0x67: {  	s0 =	rddreg [dreg:$0x0];
	s2 =	stileid.u32  }
0x68: {  	s1 =	rddreg [dreg:$0x1];
	p0 =	sne.s32 s2, $0x0  }
0x69: {  	s3 =	rddreg [dreg:$0x2];
	[bflag:$0x3] =	sbarrier.arrive $0xFFFF;
	s2 =	simm.s32 @!p0 $0x1C03  }
0x6a: {  	[timem:s3], [sflag:s2] =	dma.local @!p0 [hbm:s0], s1  }
0x6b: {  	s0 =	simm.s32 @!p0 $0x3  }
0x6c: {  	_ =	swait.ge @!p0 [sflag:s0], s1  }
0x6d: {  	s1 =	ssub.s32 @!p0 $0x0, s1;
	[sflag:s0] =	ssyncset.done @!p0 $0x0  }
0x6e: {  	[sflag:s0] =	ssyncadd.s32 @!p0 s1  }
0x6f: {  	[bflag:$0x3] =	sbarrier.arrive $0xFFFF  }
0x70: {  	_ =	shalt  }

// kernel: kernel.16.cloned.1.call-start
scs
__scs_entry_jumppad:
0x0: {  	(pc) =	sbr.rel $0x88, $3  }
0x1: {  	(tag) =	ssettag $0x0;
	lr =	simm.s32 $0x1  }
0x2: {  	[smem:$0x3F95] =	sst lr;
	_ =	strace $0xD0000000  }
0x3: {  	_ = 	snop  }
0x4: {  	_ = 	snop  }
0x5: {  	_ = 	snop  }
0x6: {  	_ = 	snop  }
0x7: {  	_ = 	snop  }
__scs_overlays_trampoline_lowered:
0x8: {  	[smem:$0x3FA4] =	sst s0  }
0x9: {  	[smem:$0x3FA5] =	sst s1  }
0xa: {  	[smem:$0x3FA6] =	sst s2  }
0xb: {  	[smem:$0x3FA7] =	sst s3  }
0xc: {  	[smem:$0x3FA8] =	sst s4  }
0xd: {  	[smem:$0x3FA9] =	sst s5  }
0xe: {  	[smem:$0x3FAA] =	sst s6  }
0xf: {  	[smem:$0x3FAB] =	sst s7  }
0x10: {  	[smem:$0x3FAC] =	sst s8  }
0x11: {  	[smem:$0x3FAD] =	sst s9;
	s0 =	simm.s32 @!p0 $0x0  }
0x12: {  	s1 =	sld [smem:$0x3F93];
	s0 =	simm.s32 @p0 $0x1  }
0x13: {  	[smem:$0x3FAE] =	sst s0;
	s0 =	simm.s32 @!p1 $0x0  }
0x14: {  	s2 =	sld [smem:$0x3F92];
	s0 =	simm.s32 @p1 $0x1  }
0x15: {  	[smem:$0x3FAF] =	sst s0;
	s0 =	simm.s32 @!p2 $0x0  }
0x16: {  	s3 =	sld [smem:$0x3FDB];
	s0 =	simm.s32 @p2 $0x1  }
0x17: {  	s4 =	simm.s32 $0x1BF5;
	[smem:$0x3FB1] =	sst s0  }
0x18: {  	s0 =	sld [smem:$0x3F94];
	_ =	swait.ge [sflag:s4], $0x0  }
0x19: {  	s7 =	sld [smem:$0x3F95]  }
0x1a: {  	s8 =	sadd.s32 $0xFFFFE003, lr  }
0x1b: {  	s9 =	sadd.s32 $0xFFFFFEF7, lr;
	s5 =	simm.s32 $0xFFFFFFFF;
	p2 =	slt.u32 s8, $0xFFFFF086  }
0x1c: {  	p1 =	slt.u32 s9, $0xF7A;
	s5 =	simm.s32 @!p2 $0x0  }
0x1d: {  	s5 =	simm.s32 @p1 $0x1;
	p0 =	seq.s32 s7, s2  }
0x1e: {  	s7 =	smul.u32 @!p0 $0xF7A, s2;
	p2 =	seq.s32 @!p0 s5, $0x0  }
0x1f: {  	s9 =	smul.u32 $0xF7A, s1;
	s8 =	simm.s32 @!p0 $0x1BF5;
	p2 =	por !p2, p0  }
0x20: {  	[sflag:s8] =	ssyncset.s32 @!p0 $0xFFFFF086;
	s6 =	sadd.s32 @!p0 s3, s7;
	s7 =	simm.s32 @!p0 $0x108  }
0x21: {  	s3 =	sadd.s32 s3, s9;
	s6 =	sadd.s32 @!p0 $0x88, s6;
	s7 =	simm.s32 @p2 $0x1082  }
0x22: {  	[simem:s7], [sflag:s8] =	dma.local @!p0 [hbm:s6], $0xF7A  }
0x23: {  	s9 =	sor.u32 $0xD0000000, s2;
	s6 =	simm.s32 $0x108;
	_ =	swait.ge @!p0 [sflag:s8], $0x0  }
0x24: {  	s3 =	sadd.s32 $0x88, s3;
	s6 =	simm.s32 @!p1 $0x1082;
	[sflag:s4] =	ssyncset.s32 $0xFFFFF086  }
0x25: {  	[simem:s6], [sflag:s4] =	dma.local [hbm:s3], $0xF7A  }
0x26: {  	[smem:$0x3F95] =	sst s1;
	(tag) =	ssettag s2;
	_ =	strace s9  }
0x27: {  	s1 =	sld [smem:$0x3FA5]  }
0x28: {  	s2 =	sld [smem:$0x3FA6]  }
0x29: {  	s4 =	sld [smem:$0x3FA8]  }
0x2a: {  	p0 =	seq.s32 s5, $0x0;
	s5 =	sld [smem:$0x3FA9]  }
0x2b: {  	s6 =	sld [smem:$0x3FAA]  }
0x2c: {  	s7 =	sld [smem:$0x3FAB]  }
0x2d: {  	s3 =	simm.s32 $0x108;
	s8 =	sld [smem:$0x3FAC]  }
0x2e: {  	s3 =	simm.s32 @!p0 $0x1082;
	s9 =	sld [smem:$0x3FAD]  }
0x2f: {  	lr =	sadd.s32 s0, s3;
	s0 =	sld [smem:$0x3FA4]  }
0x30: {  	s3 =	sld [smem:$0x3FA7]  }
0x31: {  	[smem:$0x3FB0] =	sst s10  }
0x32: {  	s10 =	sld [smem:$0x3FAE];
	_ =	sdelay $0x3  }
0x33: {  	p0 =	seq.s32 s10, $0x1;
	s10 =	sld [smem:$0x3FB0];
	_ =	sdelay $0x3  }
0x34: {  	[smem:$0x3FB0] =	sst s10  }
0x35: {  	s10 =	sld [smem:$0x3FAF];
	_ =	sdelay $0x3  }
0x36: {  	p1 =	seq.s32 s10, $0x1;
	s10 =	sld [smem:$0x3FB0];
	_ =	sdelay $0x3  }
0x37: {  	[smem:$0x3FB0] =	sst s10  }
0x38: {  	s10 =	sld [smem:$0x3FB1]  }
0x39: {  	_ = 	snop;
	(pc) =	sbr.ind lr, $3  }
0x3a: {  	_ = 	snop  }
0x3b: {  	_ = 	snop  }
0x3c: {  	p2 =	seq.s32 s10, $0x1;
	s10 =	sld [smem:$0x3FB0]  }
0x3d: {  	_ =	shalt  }
0x3e: {  	_ =	shalt  }
0x3f: {  	_ =	shalt  }
0x40: {  	_ =	shalt  }
0x41: {  	_ =	shalt  }
0x42: {  	_ =	shalt  }
0x43: {  	_ =	shalt  }
0x44: {  	_ =	shalt  }
0x45: {  	_ =	shalt  }
0x46: {  	_ =	shalt  }
0x47: {  	_ =	shalt  }
0x48: {  	_ =	shalt  }
0x49: {  	_ =	shalt  }
0x4a: {  	_ =	shalt  }
0x4b: {  	_ =	shalt  }
0x4c: {  	_ =	shalt  }
0x4d: {  	_ =	shalt  }
0x4e: {  	_ =	shalt  }
0x4f: {  	_ =	shalt  }
0x50: {  	_ =	shalt  }
0x51: {  	_ =	shalt  }
0x52: {  	_ =	shalt  }
0x53: {  	_ =	shalt  }
0x54: {  	_ =	shalt  }
0x55: {  	_ =	shalt  }
0x56: {  	_ =	shalt  }
0x57: {  	_ =	shalt  }
0x58: {  	_ =	shalt  }
0x59: {  	_ =	shalt  }
0x5a: {  	_ =	shalt  }
0x5b: {  	_ =	shalt  }
0x5c: {  	_ =	shalt  }
0x5d: {  	_ =	shalt  }
0x5e: {  	_ =	shalt  }
0x5f: {  	_ =	shalt  }
0x60: {  	_ =	shalt  }
0x61: {  	_ =	shalt  }
0x62: {  	_ =	shalt  }
0x63: {  	_ =	shalt  }
0x64: {  	_ =	shalt  }
0x65: {  	_ =	shalt  }
0x66: {  	_ =	shalt  }
0x67: {  	_ =	shalt  }
0x68: {  	_ =	shalt  }
0x69: {  	_ =	shalt  }
0x6a: {  	_ =	shalt  }
0x6b: {  	_ =	shalt  }
0x6c: {  	_ =	shalt  }
0x6d: {  	_ =	shalt  }
0x6e: {  	_ =	shalt  }
0x6f: {  	_ =	shalt  }
0x70: {  	_ =	shalt  }
0x71: {  	_ =	shalt  }
0x72: {  	_ =	shalt  }
0x73: {  	_ =	shalt  }
0x74: {  	_ =	shalt  }
0x75: {  	_ =	shalt  }
0x76: {  	_ =	shalt  }
0x77: {  	_ =	shalt  }
0x78: {  	_ =	shalt  }
0x79: {  	_ =	shalt  }
0x7a: {  	_ =	shalt  }
0x7b: {  	_ =	shalt  }
0x7c: {  	_ =	shalt  }
0x7d: {  	_ =	shalt  }
0x7e: {  	_ =	shalt  }
0x7f: {  	_ =	shalt  }
0x80: {  	_ =	shalt  }
0x81: {  	_ =	shalt  }
0x82: {  	_ =	shalt  }
0x83: {  	_ =	shalt  }
0x84: {  	_ =	shalt  }
0x85: {  	_ =	shalt  }
0x86: {  	_ =	shalt  }
0x87: {  	_ =	shalt  }
.Lfunc_end0:
.L_simem_size_0:
called_computation.2_lowered:
.L_overlay_start_0:
0x88: {  	s2 =	sld [smem:$0x3FD9]  }
0x89: {  	s3 =	sld [smem:$0x3FFE];
	_ =	sdelay $0x1  }
0x8a: {  	s1 =	srdreg.scid  }
0x8b: {  	s0 =	sand.u32 $0x1, s1  }
0x8c: {  	s16 =	sshll.u32 s0, $0xA;
	s2 =	sadd.s32 s3, s2  }
0x8d: {  	s2 =	sadd.s32 s2, s16  }
0x8e: {  	[smem:$0x3FBC] =	sst s2  }
0x8f: {  	_ = 	snop  }
0x90: {  	(tm) =	ssettm $0x1  }
0x91: {  	s17 =	sld [smem:$0x3FFB];
	_ =	sdelay $0x3  }
0x92: {  	_ =	strace s17  }
0x93: {  	s2 =	sld [smem:$0x3FFC];
	_ =	sdelay $0x3  }
0x94: {  	_ =	strace s2  }
0x95: {  	s2 =	sld [smem:$0x3FFD];
	_ =	sdelay $0x3  }
0x96: {  	_ =	strace s2  }
0x97: {  	_ =	strace $0x8FFFFFFF  }
0x98: {  	s18 =	sld [smem:$0x3FDB];
	_ =	sdelay $0x1  }
0x99: {  	s19 =	simm.s32 $_scs_section_size  }
0x9a: {  	s4 =	simm.s32 $_size__tile_overlayer_lowered;
	s5 =	simm.s32 $_tile_overlayer_lowered  }
0x9b: {  	s22 =	simm.s32 $0x1BFF;
	s21 =	sshll.u32 s5, $0x1;
	s2 =	sadd.s32 s19, s18  }
0x9c: {  	s6 =	simm.s32 $0x0;
	s20 =	sshll.u32 s4, $0x1;
	s4 =	sadd.s32 s21, s2  }
0x9d: {  	[timem:s6], [sflag:s22] =	dma.local [hbm:s4], s20  }
0x9e: {  	_ =	swait.ge [sflag:s22], s20  }
0x9f: {  	s3 =	ssub.s32 $0x0, s20;
	[sflag:s22] =	ssyncset.done $0x0  }
0xa0: {  	[sflag:s22] =	ssyncadd.s32 s3;
	_ =	sdelay $0x1  }
0xa1: {  	s23 =	simm.s32 $0x1B8B  }
0xa2: {  	_ =	swait.ge [sflag:s23], $0x1  }
0xa3: {  	[sflag:s23] =	ssyncset.done $0x0  }
0xa4: {  	s25 =	simm.s32 $0x1B8E;
	s24 =	sld [smem:$0x3FFE];
	[sflag:s23] =	ssyncadd.s32 $0xFFFFFFFF  }
0xa5: {  	s26 =	simm.s32 $execute0_lowered;
	[smem:$0x3FD2] =	sst s25  }
0xa6: {  	s4 =	sshll.u32 s26, $0x1;
	_ =	strace $0x8000004C;
	[dreg:$0x1] =	wrdreg $0xFFFFFFFF  }
0xa7: {  	s28 =	simm.s32 $_size_execute0_lowered;
	s2 =	sadd.s32 s2, s4;
	[dreg:$0x0] =	wrdreg $0x0  }
0xa8: {  	s4 =	sshll.u32 s28, $0x1;
	[dreg:$0x2] =	wrdreg s2  }
0xa9: {  	[dreg:$0x3] =	wrdreg s4  }
0xaa: {  	[dreg:$0x4] =	wrdreg $0xC0  }
0xab: {  	_ =	task [dreg:s6], $0x5FFFF  }
0xac: {  	[dreg:$0x1] =	wrdreg $0xFFFFFFFF  }
0xad: {  	[dreg:$0x0] =	wrdreg $0x60  }
0xae: {  	[dreg:$0x2] =	wrdreg s24  }
0xaf: {  	[dreg:$0x3] =	wrdreg $0x0  }
0xb0: {  	[dreg:$0x4] =	wrdreg $0x9  }
0xb1: {  	_ =	task.clear_ibuf [dreg:s6], $0x5FFFF;
	_ =	strace $0x9000004C  }
0xb2: {  	s29 =	simm.s32 $0x9;
	_ =	strace $0x8000004E  }
0xb3: {  	_ =	swait.ge [sflag:s29], $0x1  }
0xb4: {  	[sflag:s29] =	ssyncadd.s32 $0xFFFFFFFF  }
0xb5: {  	_ =	strace $0x9000004E  }
0xb6: {  	_ =	sfence  }
0xb7: {  	s30 =	sld [smem:$0x0];
	_ =	sdelay $0x2  }
0xb8: {  	s31 =	sshll.u32 s1, $0xD;
	s1 =	sshrl.u32 s1, $0x2  }
0xb9: {  	s3 =	sand.u32 $0x4000, s31;
	s1 =	sadd.s32 s1, s30  }
0xba: {  	s0 =	sor.u32 s3, s0;
	s1 =	sshll.u32 s1, $0x11  }
0xbb: {  	s0 =	sor.u32 s1, s0  }
0xbc: {  	s0 =	sadd.s32 $0x8F2B, s0  }
0xbd: {  	[sflag:s0] =	ssyncadd.remote.s32 $0x1  }
0xbe: {  	_ =	sfence.sel $0xFFFF  }
0xbf: {  	[dreg:$0x0] =	wrdreg $0xFFFFFFFF;
	(pc) =	sbr.abs _section_cstart, $3  }
0xc0: {  	[dreg:$0x1] =	wrdreg $0xFFFFFFFF  }
0xc1: {  	_ =	task.clear_ibuf [dreg:s6], $0x2FFFF;
	_ =	strace $0x9FFFFFFF  }
0xc2: {  	(tm) =	ssettm $0x7FFFFFFF  }
0xc3: {  	_ =	shalt  }
tec
execute0_lowered:
.L_overlay_start_1:
0x0: {  	(tag) =	ssettag $0x1  }
0x1: {  	s6 =	rddreg [dreg:$0x0]  }
0x2: {  	s2 =	rddreg [dreg:$0x1];
	s0 =	stileid.u32  }
0x3: {  	s3 =	simm.s32 $0x0;
	s4 =	srdreg.scid;
	s19 =	simm.s32 $0x80  }
0x4: {  	s23 =	simm.s32 $0x1;
	s24 =	simm.s32 $0x2;
	s7 =	smul.u32 $0x1388, s0  }
0x5: {  	s25 =	simm.s32 $0x0;
	[smem:$0x7FF] =	sst s3;
	s8 =	smul.u32 $0x9E00, s0  }
0x6: {  	s9 =	sand.u32 $0x1, s4;
	s4 =	sadd.s32 $0x13E00, s6;
	s5 =	sadd.s32 $0x2600, s6  }
0x7: {  	s14 =	smul.u32 $0x27100, s0;
	s30 =	sshll.u32 s0, $0x6;
	_ =	strace $0x8000004D  }
0x8: {  	s10 =	smul.u32 $0x9E000, s9;
	s12 =	ssub.s32 $0x2, s9;
	s28 =	sshll.u32 s9, $0x4  }
0x9: {  	s11 =	sadd.s32 s7, s6;
	s26 =	sshrl.u32 s8, $0x3;
	s13 =	sshrl.u32 s12, $0x1  }
0xa: {  	s16 =	sadd.s32 s8, s2;
	s29 =	sshrl.u32 s14, $0x2;
	s9 =	sor.u32 s0, s28  }
0xb: {  	s7 =	sadd.s32 s26, s6;
	s10 =	sadd.s32 s8, s10;
	s31 =	smul.u32 $0x500, s9  }
0xc: {  	s13 =	ssub.s32 s12, s13;
	s8 =	sadd.s32 s29, s2;
	s9 =	smul.u32 $0x50, s9  }
.Ltmp0:
0xd: {  	s14 =	sshrl.u32 s16, $0x3;
	s10 =	sshrl.u32 s10, $0x3;
	(pc) =	sbr.rel .LBB2_1-.Ltmp0, $4  }
0xe: {  	s17 =	sadd.s32 $0x9E000, s8;
	s8 =	sadd.s32 $0x1DE00, s11;
	s13 =	smax.u32 s13, $0x1  }
0xf: {  	s15 =	sadd.s32 s10, s6;
	s6 =	sadd.s32 $0x31800, s7;
	s7 =	sor.u32 $0x1C03, s30  }
0x10: {  	s10 =	sadd.s32 s4, s31;
	s11 =	sadd.s32 s5, s31;
	s16 =	sshrl.u32 s17, $0x3  }
0x11: {  	s17 =	simm.s32 $0x13A40;
	s12 =	sadd.s32 $0x45400, s15;
	s15 =	simm.s32 $0x3  }
.LBB2_5:
0x12: {  	_ =	swait.ge [sflag:s24], $0x2000  }
0x13: {  	[sflag:s24] =	ssyncset.done $0x0  }
0x14: {  	[sflag:s24] =	ssyncadd.s32 $0xFFFFE000  }
0x15: {  	_ =	swait.ge [sflag:s24], $0x2000  }
0x16: {  	s25 =	sadd.s32 $0x1, s25;
	[sflag:s24] =	ssyncset.done $0x0  }
0x17: {  	p0 =	sne.s32 s25, s13;
	[sflag:s24] =	ssyncadd.s32 $0xFFFFE000  }
.Ltmp1:
0x18: {  	[bflag:$0x0] =	sbarrier.arrive $0xFFFF;
	(pc) =	sbr.rel @!p0 .LBB2_6-.Ltmp1, $4  }
0x19: {  	[hbm:s12], [sflag:s7] =	dma.local [spmem:s14], $0x13C0  }
0x1a: {  	_ =	swait.ge [sflag:s15], $0x13C0  }
0x1b: {  	[sflag:s15] =	ssyncset.done $0x0  }
0x1c: {  	[sflag:s15] =	ssyncadd.s32 $0xFFFFEC40  }
.LBB2_1:
0x1d: {  	[spmem:s14], [sflag:s7] =	dma.local [hbm:s6], $0x13C0  }
0x1e: {  	_ =	swait.ge [sflag:s15], $0x13C0  }
0x1f: {  	[sflag:s15] =	ssyncset.done $0x0  }
0x20: {  	[sflag:s15] =	ssyncadd.s32 $0xFFFFEC40  }
0x21: {  	[spmem:s16], [sflag:s7] =	dma.local [hbm:s8], $0x1388  }
0x22: {  	_ =	swait.ge [sflag:s15], $0x1388  }
0x23: {  	[sflag:s15] =	ssyncset.done $0x0  }
0x24: {  	[sflag:s15] =	ssyncadd.s32 $0xFFFFEC78  }
0x25: {  	[bflag:$0x0] =	sbarrier.arrive $0xFFFF  }
0x26: {  	[tilespmem:s17], [sflag:$0x3] =	stream.linear.gather [hbm4b:s10+s3], $0xA00, $0x38;
	[tilespmem:$0x1E240] =	vst v63  }
0x27: {  	_ =	swait.ge [sflag:s15], $0xA00  }
0x28: {  	[sflag:s15] =	ssyncset.done $0x0  }
0x29: {  	s0 =	simm.s32 $0x14E40;
	[sflag:s15] =	ssyncadd.s32 $0xFFFFF600  }
0x2a: {  	[tilespmem:s0], [sflag:$0x3] =	stream.linear.gather [hbm4b:s11+s3], $0xA00, $0x38;
	[tilespmem:$0x1E240] =	vst v63  }
0x2b: {  	_ =	swait.ge [sflag:s15], $0xA00  }
.Ltmp2:
0x2c: {  	s30 =	simm.s32 $0x16240;
	[sflag:s15] =	ssyncset.done $0x0;
	(pc) =	sbr.rel .LBB2_2-.Ltmp2, $4  }
0x2d: {  	s31 =	simm.s32 $0x13AC0;
	s1 =	simm.s32 $0x18240;
	[sflag:s15] =	ssyncadd.s32 $0xFFFFF600  }
0x2e: {  	[tilespmem:s30], [sflag:$0x1] =	stream.indirect.gather [spmem:s2], $0x40, s17, s19, $0xb8;
	[tilespmem:$0x1E240] =	vst v63  }
0x2f: {  	s26 =	simm.s32 $0x0;
	s28 =	simm.s32 $0x2;
	s29 =	simm.s32 $0x0  }
0x30: {  	[tilespmem:s1], [sflag:$0x1] =	stream.indirect.gather [spmem:s2], $0x40, s31, s19, $0xb8;
	[tilespmem:$0x1E240] =	vst v63  }
.LBB2_4:
0x31: {  	s0 =	smul.u32 $0xCD, s30;
	_ =	sdelay $0x1  }
0x32: {  	s0 =	sshrl.u32 s0, $0xC  }
0x33: {  	s1 =	sand.u32 $0xF, s0  }
0x34: {  	s18 =	sand.u32 $0x18000, s26;
	s0 =	sand.u32 $0x1, s0;
	s1 =	smul.u32 $0x14, s1  }
0x35: {  	s28 =	sadd.s32 $0x1, s28;
	p0 =	seq.s32 s0, $0x1;
	s0 =	simm.s32 $0xA00  }
0x36: {  	s0 =	simm.s32 @!p0 $0x0;
	p0 =	sne.s32 s28, $0x52;
	s1 =	ssub.s32 s30, s1  }
.Ltmp3:
0x37: {  	_ =	swait.ge [sflag:s23], $0x2000;
	s1 =	sand.u32 $0xFF, s1;
	(pc) =	sbr.rel @!p0 .LBB2_5-.Ltmp3, $4  }
0x38: {  	s29 =	sadd.s32 $0x1, s29;
	s26 =	sadd.s32 $0x8000, s26;
	s1 =	sshll.u32 s1, $0x7  }
0x39: {  	s18 =	sshrl.u32 s18, $0x2;
	[sflag:s23] =	ssyncset.done $0x0;
	s0 =	sadd.s32 s1, s0  }
0x3a: {  	s31 =	sadd.s32 $0x16240, s18;
	[sflag:s23] =	ssyncadd.s32 $0xFFFFE000;
	s0 =	sadd.s32 $0x14E40, s0  }
0x3b: {  	[spmem:s2] =	stream.indirect.scatter.add.f32 [tilespmem:s31], [sflag:$0x2], $0x40, s0, s19, $0xb8;
	[tilespmem:$0x1E240] =	vst v63  }
.LBB2_2:
0x3c: {  	s30 =	sadd.s32 $0xFFFFFFFE, s28  }
0x3d: {  	p0 =	slt.u32 s30, $0x2  }
0x3e: {  	p1 =	sgt.u32 @!p0 s30, $0x4D  }
0x3f: {  	p1 =	por p0, !p1  }
.Ltmp4:
0x40: {  	_ = 	snop;
	(pc) =	sbr.rel @!p1 .LBB2_4-.Ltmp4, $4  }
0x41: {  	s31 =	simm.s32 @!p0 $0x2  }
0x42: {  	_ =	swait.ge @!p0 [sflag:s31], $0x2000  }
0x43: {  	[sflag:s31] =	ssyncset.done @!p0 $0x0  }
0x44: {  	[sflag:s31] =	ssyncadd.s32 @!p0 $0xFFFFE000  }
0x45: {  	s31 =	sadd.s32 @!p0 $0x2, s29  }
0x46: {  	s31 =	smov.u32 @p0 s28  }
0x47: {  	s0 =	smul.u32 $0xCD, s31;
	_ =	sdelay $0x1  }
0x48: {  	s0 =	sshrl.u32 s0, $0xC  }
0x49: {  	s1 =	sand.u32 $0xF, s0  }
0x4a: {  	s18 =	smul.u32 $0x14, s1;
	_ =	sdelay $0x1  }
0x4b: {  	s18 =	ssub.s32 s31, s18  }
0x4c: {  	s18 =	sand.u32 $0xFF, s18  }
0x4d: {  	p0 =	sne.s32 s18, $0x0  }
0x4e: {  	s1 =	smul.u32 @!p0 $0x14, s1;
	_ =	sdelay $0x1  }
0x4f: {  	s0 =	sand.u32 $0x1, s0;
	s1 =	sand.u32 @!p0 $0xFC, s1  }
0x50: {  	p1 =	seq.s32 s0, $0x1;
	s0 =	sadd.s32 @!p0 s1, s9  }
0x51: {  	p2 =	por !p1, p0;
	s1 =	simm.s32 @!p0 $0xA00;
	s0 =	sshll.u32 @!p0 s0, $0x4  }
0x52: {  	s1 =	simm.s32 @p2 $0x0;
	s0 =	sand.u32 @!p0 $0x1FFC0, s0  }
0x53: {  	s22 =	simm.s32 @!p0 $0x0;
	s20 =	sadd.s32 @!p0 $0x13A40, s1;
	s21 =	sadd.s32 @!p0 s4, s0  }
0x54: {  	[tilespmem:s20], [sflag:$0x3] =	stream.linear.gather @!p0 [hbm4b:s21+s22], $0xA00, $0x38;
	[tilespmem:$0x1E240] =	vst v63  }
0x55: {  	s20 =	simm.s32 @!p0 $0x3  }
0x56: {  	_ =	swait.ge @!p0 [sflag:s20], $0xA00  }
0x57: {  	[sflag:s20] =	ssyncset.done @!p0 $0x0  }
0x58: {  	s1 =	sadd.s32 @!p0 $0x14E40, s1;
	s0 =	sadd.s32 @!p0 s5, s0;
	[sflag:s20] =	ssyncadd.s32 @!p0 $0xFFFFF600  }
0x59: {  	[tilespmem:s1], [sflag:$0x3] =	stream.linear.gather @!p0 [hbm4b:s0+s22], $0xA00, $0x38;
	[tilespmem:$0x1E240] =	vst v63  }
.Ltmp5:
0x5a: {  	s31 =	sshll.u32 s31, $0xD;
	s0 =	simm.s32 $0xA00;
	(pc) =	sbr.rel .LBB2_4-.Ltmp5, $4  }
0x5b: {  	s18 =	sshll.u32 s18, $0x7;
	_ =	swait.ge @!p0 [sflag:s20], $0xA00;
	s0 =	simm.s32 @!p1 $0x0  }
0x5c: {  	s1 =	sand.u32 $0x6000, s31;
	[sflag:s20] =	ssyncset.done @!p0 $0x0;
	s0 =	sadd.s32 s18, s0  }
0x5d: {  	s1 =	sadd.s32 $0x16240, s1;
	[sflag:s20] =	ssyncadd.s32 @!p0 $0xFFFFF600;
	s0 =	sadd.s32 $0x13A40, s0  }
0x5e: {  	[tilespmem:s1], [sflag:$0x1] =	stream.indirect.gather [spmem:s2], $0x40, s0, s19, $0xb8;
	[tilespmem:$0x1E240] =	vst v63  }
.LBB2_6:
0x5f: {  	_ =	sfence.sel $0x180000  }
0x60: {  	[bflag:$0x0] =	sbarrier.arrive $0xFFFF  }
0x61: {  	_ =	strace $0x9000004D  }
0x62: {  	s0 =	stileid.u32;
	[bflag:$0x2] =	sbarrier.arrive $0xFFFF  }
0x63: {  	p0 =	sne.s32 s0, $0x0;
	s0 =	rddreg [dreg:$0x2]  }
0x64: {  	s0 =	sadd.s32 @!p0 $0x100000, s0  }
0x65: {  	[sflag:s0] =	ssyncadd.tile.s32 @!p0 $0x1;
	_ =	shalt  }
.Lfunc_end2:
_tile_overlayer_lowered:
.L_overlay_start_2:
0x66: {  	(tag) =	ssettag $0x2  }
0x67: {  	s0 =	rddreg [dreg:$0x0];
	s2 =	stileid.u32  }
0x68: {  	s1 =	rddreg [dreg:$0x1];
	p0 =	sne.s32 s2, $0x0  }
0x69: {  	s3 =	rddreg [dreg:$0x2];
	[bflag:$0x3] =	sbarrier.arrive $0xFFFF;
	s2 =	simm.s32 @!p0 $0x1C03  }
0x6a: {  	[timem:s3], [sflag:s2] =	dma.local @!p0 [hbm:s0], s1  }
0x6b: {  	s0 =	simm.s32 @!p0 $0x3  }
0x6c: {  	_ =	swait.ge @!p0 [sflag:s0], s1  }
0x6d: {  	s1 =	ssub.s32 @!p0 $0x0, s1;
	[sflag:s0] =	ssyncset.done @!p0 $0x0  }
0x6e: {  	[sflag:s0] =	ssyncadd.s32 @!p0 s1  }
0x6f: {  	[bflag:$0x3] =	sbarrier.arrive $0xFFFF  }
0x70: {  	_ =	shalt  }

// kernel: kernel.19.cloned.1.call-start
scs
__scs_entry_jumppad:
0x0: {  	(pc) =	sbr.rel $0x88, $3  }
0x1: {  	(tag) =	ssettag $0x0;
	lr =	simm.s32 $0x1  }
0x2: {  	[smem:$0x3F95] =	sst lr;
	_ =	strace $0xD0000000  }
0x3: {  	_ = 	snop  }
0x4: {  	_ = 	snop  }
0x5: {  	_ = 	snop  }
0x6: {  	_ = 	snop  }
0x7: {  	_ = 	snop  }
__scs_overlays_trampoline_lowered:
0x8: {  	[smem:$0x3FA4] =	sst s0  }
0x9: {  	[smem:$0x3FA5] =	sst s1  }
0xa: {  	[smem:$0x3FA6] =	sst s2  }
0xb: {  	[smem:$0x3FA7] =	sst s3  }
0xc: {  	[smem:$0x3FA8] =	sst s4  }
0xd: {  	[smem:$0x3FA9] =	sst s5  }
0xe: {  	[smem:$0x3FAA] =	sst s6  }
0xf: {  	[smem:$0x3FAB] =	sst s7  }
0x10: {  	[smem:$0x3FAC] =	sst s8  }
0x11: {  	[smem:$0x3FAD] =	sst s9;
	s0 =	simm.s32 @!p0 $0x0  }
0x12: {  	s1 =	sld [smem:$0x3F93];
	s0 =	simm.s32 @p0 $0x1  }
0x13: {  	[smem:$0x3FAE] =	sst s0;
	s0 =	simm.s32 @!p1 $0x0  }
0x14: {  	s2 =	sld [smem:$0x3F92];
	s0 =	simm.s32 @p1 $0x1  }
0x15: {  	[smem:$0x3FAF] =	sst s0;
	s0 =	simm.s32 @!p2 $0x0  }
0x16: {  	s3 =	sld [smem:$0x3FDB];
	s0 =	simm.s32 @p2 $0x1  }
0x17: {  	s4 =	simm.s32 $0x1BF5;
	[smem:$0x3FB1] =	sst s0  }
0x18: {  	s0 =	sld [smem:$0x3F94];
	_ =	swait.ge [sflag:s4], $0x0  }
0x19: {  	s7 =	sld [smem:$0x3F95]  }
0x1a: {  	s8 =	sadd.s32 $0xFFFFE003, lr  }
0x1b: {  	s9 =	sadd.s32 $0xFFFFFEF7, lr;
	s5 =	simm.s32 $0xFFFFFFFF;
	p2 =	slt.u32 s8, $0xFFFFF086  }
0x1c: {  	p1 =	slt.u32 s9, $0xF7A;
	s5 =	simm.s32 @!p2 $0x0  }
0x1d: {  	s5 =	simm.s32 @p1 $0x1;
	p0 =	seq.s32 s7, s2  }
0x1e: {  	s7 =	smul.u32 @!p0 $0xF7A, s2;
	p2 =	seq.s32 @!p0 s5, $0x0  }
0x1f: {  	s9 =	smul.u32 $0xF7A, s1;
	s8 =	simm.s32 @!p0 $0x1BF5;
	p2 =	por !p2, p0  }
0x20: {  	[sflag:s8] =	ssyncset.s32 @!p0 $0xFFFFF086;
	s6 =	sadd.s32 @!p0 s3, s7;
	s7 =	simm.s32 @!p0 $0x108  }
0x21: {  	s3 =	sadd.s32 s3, s9;
	s6 =	sadd.s32 @!p0 $0x88, s6;
	s7 =	simm.s32 @p2 $0x1082  }
0x22: {  	[simem:s7], [sflag:s8] =	dma.local @!p0 [hbm:s6], $0xF7A  }
0x23: {  	s9 =	sor.u32 $0xD0000000, s2;
	s6 =	simm.s32 $0x108;
	_ =	swait.ge @!p0 [sflag:s8], $0x0  }
0x24: {  	s3 =	sadd.s32 $0x88, s3;
	s6 =	simm.s32 @!p1 $0x1082;
	[sflag:s4] =	ssyncset.s32 $0xFFFFF086  }
0x25: {  	[simem:s6], [sflag:s4] =	dma.local [hbm:s3], $0xF7A  }
0x26: {  	[smem:$0x3F95] =	sst s1;
	(tag) =	ssettag s2;
	_ =	strace s9  }
0x27: {  	s1 =	sld [smem:$0x3FA5]  }
0x28: {  	s2 =	sld [smem:$0x3FA6]  }
0x29: {  	s4 =	sld [smem:$0x3FA8]  }
0x2a: {  	p0 =	seq.s32 s5, $0x0;
	s5 =	sld [smem:$0x3FA9]  }
0x2b: {  	s6 =	sld [smem:$0x3FAA]  }
0x2c: {  	s7 =	sld [smem:$0x3FAB]  }
0x2d: {  	s3 =	simm.s32 $0x108;
	s8 =	sld [smem:$0x3FAC]  }
0x2e: {  	s3 =	simm.s32 @!p0 $0x1082;
	s9 =	sld [smem:$0x3FAD]  }
0x2f: {  	lr =	sadd.s32 s0, s3;
	s0 =	sld [smem:$0x3FA4]  }
0x30: {  	s3 =	sld [smem:$0x3FA7]  }
0x31: {  	[smem:$0x3FB0] =	sst s10  }
0x32: {  	s10 =	sld [smem:$0x3FAE];
	_ =	sdelay $0x3  }
0x33: {  	p0 =	seq.s32 s10, $0x1;
	s10 =	sld [smem:$0x3FB0];
	_ =	sdelay $0x3  }
0x34: {  	[smem:$0x3FB0] =	sst s10  }
0x35: {  	s10 =	sld [smem:$0x3FAF];
	_ =	sdelay $0x3  }
0x36: {  	p1 =	seq.s32 s10, $0x1;
	s10 =	sld [smem:$0x3FB0];
	_ =	sdelay $0x3  }
0x37: {  	[smem:$0x3FB0] =	sst s10  }
0x38: {  	s10 =	sld [smem:$0x3FB1]  }
0x39: {  	_ = 	snop;
	(pc) =	sbr.ind lr, $3  }
0x3a: {  	_ = 	snop  }
0x3b: {  	_ = 	snop  }
0x3c: {  	p2 =	seq.s32 s10, $0x1;
	s10 =	sld [smem:$0x3FB0]  }
0x3d: {  	_ =	shalt  }
0x3e: {  	_ =	shalt  }
0x3f: {  	_ =	shalt  }
0x40: {  	_ =	shalt  }
0x41: {  	_ =	shalt  }
0x42: {  	_ =	shalt  }
0x43: {  	_ =	shalt  }
0x44: {  	_ =	shalt  }
0x45: {  	_ =	shalt  }
0x46: {  	_ =	shalt  }
0x47: {  	_ =	shalt  }
0x48: {  	_ =	shalt  }
0x49: {  	_ =	shalt  }
0x4a: {  	_ =	shalt  }
0x4b: {  	_ =	shalt  }
0x4c: {  	_ =	shalt  }
0x4d: {  	_ =	shalt  }
0x4e: {  	_ =	shalt  }
0x4f: {  	_ =	shalt  }
0x50: {  	_ =	shalt  }
0x51: {  	_ =	shalt  }
0x52: {  	_ =	shalt  }
0x53: {  	_ =	shalt  }
0x54: {  	_ =	shalt  }
0x55: {  	_ =	shalt  }
0x56: {  	_ =	shalt  }
0x57: {  	_ =	shalt  }
0x58: {  	_ =	shalt  }
0x59: {  	_ =	shalt  }
0x5a: {  	_ =	shalt  }
0x5b: {  	_ =	shalt  }
0x5c: {  	_ =	shalt  }
0x5d: {  	_ =	shalt  }
0x5e: {  	_ =	shalt  }
0x5f: {  	_ =	shalt  }
0x60: {  	_ =	shalt  }
0x61: {  	_ =	shalt  }
0x62: {  	_ =	shalt  }
0x63: {  	_ =	shalt  }
0x64: {  	_ =	shalt  }
0x65: {  	_ =	shalt  }
0x66: {  	_ =	shalt  }
0x67: {  	_ =	shalt  }
0x68: {  	_ =	shalt  }
0x69: {  	_ =	shalt  }
0x6a: {  	_ =	shalt  }
0x6b: {  	_ =	shalt  }
0x6c: {  	_ =	shalt  }
0x6d: {  	_ =	shalt  }
0x6e: {  	_ =	shalt  }
0x6f: {  	_ =	shalt  }
0x70: {  	_ =	shalt  }
0x71: {  	_ =	shalt  }
0x72: {  	_ =	shalt  }
0x73: {  	_ =	shalt  }
0x74: {  	_ =	shalt  }
0x75: {  	_ =	shalt  }
0x76: {  	_ =	shalt  }
0x77: {  	_ =	shalt  }
0x78: {  	_ =	shalt  }
0x79: {  	_ =	shalt  }
0x7a: {  	_ =	shalt  }
0x7b: {  	_ =	shalt  }
0x7c: {  	_ =	shalt  }
0x7d: {  	_ =	shalt  }
0x7e: {  	_ =	shalt  }
0x7f: {  	_ =	shalt  }
0x80: {  	_ =	shalt  }
0x81: {  	_ =	shalt  }
0x82: {  	_ =	shalt  }
0x83: {  	_ =	shalt  }
0x84: {  	_ =	shalt  }
0x85: {  	_ =	shalt  }
0x86: {  	_ =	shalt  }
0x87: {  	_ =	shalt  }
.Lfunc_end0:
.L_simem_size_0:
called_computation.3_lowered:
.L_overlay_start_0:
0x88: {  	s2 =	sld [smem:$0x3FD9]  }
0x89: {  	s3 =	sld [smem:$0x3FFE];
	_ =	sdelay $0x1  }
0x8a: {  	s1 =	srdreg.scid  }
0x8b: {  	s0 =	sand.u32 $0x1, s1  }
0x8c: {  	s16 =	sshll.u32 s0, $0xA;
	s2 =	sadd.s32 s3, s2  }
0x8d: {  	s2 =	sadd.s32 s2, s16  }
0x8e: {  	[smem:$0x3FBC] =	sst s2  }
0x8f: {  	_ = 	snop  }
0x90: {  	(tm) =	ssettm $0x1  }
0x91: {  	s17 =	sld [smem:$0x3FFB];
	_ =	sdelay $0x3  }
0x92: {  	_ =	strace s17  }
0x93: {  	s2 =	sld [smem:$0x3FFC];
	_ =	sdelay $0x3  }
0x94: {  	_ =	strace s2  }
0x95: {  	s2 =	sld [smem:$0x3FFD];
	_ =	sdelay $0x3  }
0x96: {  	_ =	strace s2  }
0x97: {  	_ =	strace $0x8FFFFFFF  }
0x98: {  	s18 =	sld [smem:$0x3FDB];
	_ =	sdelay $0x1  }
0x99: {  	s19 =	simm.s32 $_scs_section_size  }
0x9a: {  	s4 =	simm.s32 $_size__tile_overlayer_lowered;
	s5 =	simm.s32 $_tile_overlayer_lowered  }
0x9b: {  	s22 =	simm.s32 $0x1BFF;
	s21 =	sshll.u32 s5, $0x1;
	s2 =	sadd.s32 s19, s18  }
0x9c: {  	s6 =	simm.s32 $0x0;
	s20 =	sshll.u32 s4, $0x1;
	s4 =	sadd.s32 s21, s2  }
0x9d: {  	[timem:s6], [sflag:s22] =	dma.local [hbm:s4], s20  }
0x9e: {  	_ =	swait.ge [sflag:s22], s20  }
0x9f: {  	s3 =	ssub.s32 $0x0, s20;
	[sflag:s22] =	ssyncset.done $0x0  }
0xa0: {  	[sflag:s22] =	ssyncadd.s32 s3;
	_ =	sdelay $0x1  }
0xa1: {  	s23 =	simm.s32 $0x1B8B  }
0xa2: {  	_ =	swait.ge [sflag:s23], $0x1  }
0xa3: {  	[sflag:s23] =	ssyncset.done $0x0  }
0xa4: {  	s25 =	simm.s32 $0x1B8E;
	s24 =	sld [smem:$0x3FFE];
	[sflag:s23] =	ssyncadd.s32 $0xFFFFFFFF  }
0xa5: {  	s26 =	simm.s32 $execute0_lowered;
	[smem:$0x3FD2] =	sst s25  }
0xa6: {  	s4 =	sshll.u32 s26, $0x1;
	_ =	strace $0x8000004F;
	[dreg:$0x1] =	wrdreg $0xFFFFFFFF  }
0xa7: {  	s28 =	simm.s32 $_size_execute0_lowered;
	s2 =	sadd.s32 s2, s4;
	[dreg:$0x0] =	wrdreg $0x0  }
0xa8: {  	s4 =	sshll.u32 s28, $0x1;
	[dreg:$0x2] =	wrdreg s2  }
0xa9: {  	[dreg:$0x3] =	wrdreg s4  }
0xaa: {  	[dreg:$0x4] =	wrdreg $0xC0  }
0xab: {  	_ =	task [dreg:s6], $0x5FFFF  }
0xac: {  	[dreg:$0x1] =	wrdreg $0xFFFFFFFF  }
0xad: {  	[dreg:$0x0] =	wrdreg $0x60  }
0xae: {  	[dreg:$0x2] =	wrdreg s24  }
0xaf: {  	[dreg:$0x3] =	wrdreg $0x0  }
0xb0: {  	[dreg:$0x4] =	wrdreg $0x9  }
0xb1: {  	_ =	task.clear_ibuf [dreg:s6], $0x5FFFF;
	_ =	strace $0x9000004F  }
0xb2: {  	s29 =	simm.s32 $0x9;
	_ =	strace $0x80000051  }
0xb3: {  	_ =	swait.ge [sflag:s29], $0x1  }
0xb4: {  	[sflag:s29] =	ssyncadd.s32 $0xFFFFFFFF  }
0xb5: {  	_ =	strace $0x90000051  }
0xb6: {  	_ =	sfence  }
0xb7: {  	s30 =	sld [smem:$0x0];
	_ =	sdelay $0x2  }
0xb8: {  	s31 =	sshll.u32 s1, $0xD;
	s1 =	sshrl.u32 s1, $0x2  }
0xb9: {  	s3 =	sand.u32 $0x4000, s31;
	s1 =	sadd.s32 s1, s30  }
0xba: {  	s0 =	sor.u32 s3, s0;
	s1 =	sshll.u32 s1, $0x11  }
0xbb: {  	s0 =	sor.u32 s1, s0  }
0xbc: {  	s0 =	sadd.s32 $0x8F2B, s0  }
0xbd: {  	[sflag:s0] =	ssyncadd.remote.s32 $0x1  }
0xbe: {  	_ =	sfence.sel $0xFFFF  }
0xbf: {  	[dreg:$0x0] =	wrdreg $0xFFFFFFFF;
	(pc) =	sbr.abs _section_cstart, $3  }
0xc0: {  	[dreg:$0x1] =	wrdreg $0xFFFFFFFF  }
0xc1: {  	_ =	task.clear_ibuf [dreg:s6], $0x2FFFF;
	_ =	strace $0x9FFFFFFF  }
0xc2: {  	(tm) =	ssettm $0x7FFFFFFF  }
0xc3: {  	_ =	shalt  }
tec
execute0_lowered:
.L_overlay_start_1:
0x0: {  	(tag) =	ssettag $0x1  }
0x1: {  	s6 =	rddreg [dreg:$0x0]  }
0x2: {  	s2 =	rddreg [dreg:$0x1];
	s0 =	stileid.u32  }
0x3: {  	s3 =	simm.s32 $0x0;
	s4 =	srdreg.scid;
	s19 =	simm.s32 $0x80  }
0x4: {  	s23 =	simm.s32 $0x1;
	s24 =	simm.s32 $0x2;
	s7 =	smul.u32 $0x271, s0  }
0x5: {  	s25 =	simm.s32 $0x0;
	[smem:$0x7FF] =	sst s3;
	s8 =	smul.u32 $0x13C0, s0  }
0x6: {  	s9 =	sand.u32 $0x1, s4;
	s4 =	sadd.s32 $0x13E00, s6;
	s5 =	sadd.s32 $0x2600, s6  }
0x7: {  	s14 =	smul.u32 $0x4E20, s0;
	s30 =	sshll.u32 s0, $0x6;
	_ =	strace $0x80000050  }
0x8: {  	s10 =	smul.u32 $0x13C00, s9;
	s12 =	ssub.s32 $0x2, s9;
	s28 =	sshll.u32 s9, $0x4  }
0x9: {  	s11 =	sadd.s32 s7, s6;
	s26 =	sshrl.u32 s8, $0x3;
	s13 =	sshrl.u32 s12, $0x1  }
0xa: {  	s16 =	sadd.s32 s8, s2;
	s29 =	sshrl.u32 s14, $0x2;
	s9 =	sor.u32 s0, s28  }
0xb: {  	s7 =	sadd.s32 s26, s6;
	s10 =	sadd.s32 s8, s10;
	s31 =	smul.u32 $0x500, s9  }
0xc: {  	s13 =	ssub.s32 s12, s13;
	s8 =	sadd.s32 s29, s2;
	s9 =	smul.u32 $0x50, s9  }
.Ltmp0:
0xd: {  	s14 =	sshrl.u32 s16, $0x3;
	s10 =	sshrl.u32 s10, $0x3;
	(pc) =	sbr.rel .LBB2_1-.Ltmp0, $4  }
0xe: {  	s17 =	sadd.s32 $0x13C00, s8;
	s8 =	sadd.s32 $0xEE00, s11;
	s13 =	smax.u32 s13, $0x1  }
0xf: {  	s15 =	sadd.s32 s10, s6;
	s6 =	sadd.s32 $0xC600, s7;
	s7 =	sor.u32 $0x1C03, s30  }
0x10: {  	s10 =	sadd.s32 s4, s31;
	s11 =	sadd.s32 s5, s31;
	s16 =	sshrl.u32 s17, $0x3  }
0x11: {  	s17 =	simm.s32 $0x2748;
	s12 =	sadd.s32 $0x1DE00, s15;
	s15 =	simm.s32 $0x3  }
.LBB2_5:
0x12: {  	_ =	swait.ge [sflag:s24], $0x400  }
0x13: {  	[sflag:s24] =	ssyncset.done $0x0  }
0x14: {  	[sflag:s24] =	ssyncadd.s32 $0xFFFFFC00  }
0x15: {  	_ =	swait.ge [sflag:s24], $0x400  }
0x16: {  	s25 =	sadd.s32 $0x1, s25;
	[sflag:s24] =	ssyncset.done $0x0  }
0x17: {  	p0 =	sne.s32 s25, s13;
	[sflag:s24] =	ssyncadd.s32 $0xFFFFFC00  }
.Ltmp1:
0x18: {  	[bflag:$0x0] =	sbarrier.arrive $0xFFFF;
	(pc) =	sbr.rel @!p0 .LBB2_6-.Ltmp1, $4  }
0x19: {  	[hbm:s12], [sflag:s7] =	dma.local [spmem:s14], $0x278  }
0x1a: {  	_ =	swait.ge [sflag:s15], $0x278  }
0x1b: {  	[sflag:s15] =	ssyncset.done $0x0  }
0x1c: {  	[sflag:s15] =	ssyncadd.s32 $0xFFFFFD88  }
.LBB2_1:
0x1d: {  	[spmem:s14], [sflag:s7] =	dma.local [hbm:s6], $0x278  }
0x1e: {  	_ =	swait.ge [sflag:s15], $0x278  }
0x1f: {  	[sflag:s15] =	ssyncset.done $0x0  }
0x20: {  	[sflag:s15] =	ssyncadd.s32 $0xFFFFFD88  }
0x21: {  	[spmem:s16], [sflag:s7] =	dma.local [hbm:s8], $0x271  }
0x22: {  	_ =	swait.ge [sflag:s15], $0x271  }
0x23: {  	[sflag:s15] =	ssyncset.done $0x0  }
0x24: {  	[sflag:s15] =	ssyncadd.s32 $0xFFFFFD8F  }
0x25: {  	[bflag:$0x0] =	sbarrier.arrive $0xFFFF  }
0x26: {  	[tilespmem:s17], [sflag:$0x3] =	stream.linear.gather [hbm4b:s10+s3], $0xA00, $0x38;
	[tilespmem:$0x5F48] =	vst v63  }
0x27: {  	_ =	swait.ge [sflag:s15], $0xA00  }
0x28: {  	[sflag:s15] =	ssyncset.done $0x0  }
0x29: {  	s0 =	simm.s32 $0x3B48;
	[sflag:s15] =	ssyncadd.s32 $0xFFFFF600  }
0x2a: {  	[tilespmem:s0], [sflag:$0x3] =	stream.linear.gather [hbm4b:s11+s3], $0xA00, $0x38;
	[tilespmem:$0x5F48] =	vst v63  }
0x2b: {  	_ =	swait.ge [sflag:s15], $0xA00  }
.Ltmp2:
0x2c: {  	s30 =	simm.s32 $0x4F48;
	[sflag:s15] =	ssyncset.done $0x0;
	(pc) =	sbr.rel .LBB2_2-.Ltmp2, $4  }
0x2d: {  	s31 =	simm.s32 $0x27C8;
	s1 =	simm.s32 $0x5348;
	[sflag:s15] =	ssyncadd.s32 $0xFFFFF600  }
0x2e: {  	[tilespmem:s30], [sflag:$0x1] =	stream.indirect.gather [spmem:s2], $0x8, s17, s19, $0xb8;
	[tilespmem:$0x5F48] =	vst v63  }
0x2f: {  	s26 =	simm.s32 $0x0;
	s28 =	simm.s32 $0x2;
	s29 =	simm.s32 $0x0  }
0x30: {  	[tilespmem:s1], [sflag:$0x1] =	stream.indirect.gather [spmem:s2], $0x8, s31, s19, $0xb8;
	[tilespmem:$0x5F48] =	vst v63  }
.LBB2_4:
0x31: {  	s0 =	smul.u32 $0xCD, s30;
	_ =	sdelay $0x1  }
0x32: {  	s0 =	sshrl.u32 s0, $0xC  }
0x33: {  	s1 =	sand.u32 $0xF, s0  }
0x34: {  	s18 =	sand.u32 $0x3000, s26;
	s0 =	sand.u32 $0x1, s0;
	s1 =	smul.u32 $0x14, s1  }
0x35: {  	s28 =	sadd.s32 $0x1, s28;
	p0 =	seq.s32 s0, $0x1;
	s0 =	simm.s32 $0xA00  }
0x36: {  	s0 =	simm.s32 @!p0 $0x0;
	p0 =	sne.s32 s28, $0x52;
	s1 =	ssub.s32 s30, s1  }
.Ltmp3:
0x37: {  	_ =	swait.ge [sflag:s23], $0x400;
	s1 =	sand.u32 $0xFF, s1;
	(pc) =	sbr.rel @!p0 .LBB2_5-.Ltmp3, $4  }
0x38: {  	s29 =	sadd.s32 $0x1, s29;
	s26 =	sadd.s32 $0x1000, s26;
	s1 =	sshll.u32 s1, $0x7  }
0x39: {  	s18 =	sshrl.u32 s18, $0x2;
	[sflag:s23] =	ssyncset.done $0x0;
	s0 =	sadd.s32 s1, s0  }
0x3a: {  	s31 =	sadd.s32 $0x4F48, s18;
	[sflag:s23] =	ssyncadd.s32 $0xFFFFFC00;
	s0 =	sadd.s32 $0x3B48, s0  }
0x3b: {  	[spmem:s2] =	stream.indirect.scatter.add.f32 [tilespmem:s31], [sflag:$0x2], $0x8, s0, s19, $0xb8;
	[tilespmem:$0x5F48] =	vst v63  }
.LBB2_2:
0x3c: {  	s30 =	sadd.s32 $0xFFFFFFFE, s28  }
0x3d: {  	p0 =	slt.u32 s30, $0x2  }
0x3e: {  	p1 =	sgt.u32 @!p0 s30, $0x4D  }
0x3f: {  	p1 =	por p0, !p1  }
.Ltmp4:
0x40: {  	_ = 	snop;
	(pc) =	sbr.rel @!p1 .LBB2_4-.Ltmp4, $4  }
0x41: {  	s31 =	simm.s32 @!p0 $0x2  }
0x42: {  	_ =	swait.ge @!p0 [sflag:s31], $0x400  }
0x43: {  	[sflag:s31] =	ssyncset.done @!p0 $0x0  }
0x44: {  	[sflag:s31] =	ssyncadd.s32 @!p0 $0xFFFFFC00  }
0x45: {  	s31 =	sadd.s32 @!p0 $0x2, s29  }
0x46: {  	s31 =	smov.u32 @p0 s28  }
0x47: {  	s0 =	smul.u32 $0xCD, s31;
	_ =	sdelay $0x1  }
0x48: {  	s0 =	sshrl.u32 s0, $0xC  }
0x49: {  	s1 =	sand.u32 $0xF, s0  }
0x4a: {  	s18 =	smul.u32 $0x14, s1;
	_ =	sdelay $0x1  }
0x4b: {  	s18 =	ssub.s32 s31, s18  }
0x4c: {  	s18 =	sand.u32 $0xFF, s18  }
0x4d: {  	p0 =	sne.s32 s18, $0x0  }
0x4e: {  	s1 =	smul.u32 @!p0 $0x14, s1;
	_ =	sdelay $0x1  }
0x4f: {  	s0 =	sand.u32 $0x1, s0;
	s1 =	sand.u32 @!p0 $0xFC, s1  }
0x50: {  	p1 =	seq.s32 s0, $0x1;
	s0 =	sadd.s32 @!p0 s1, s9  }
0x51: {  	p2 =	por !p1, p0;
	s1 =	simm.s32 @!p0 $0xA00;
	s0 =	sshll.u32 @!p0 s0, $0x4  }
0x52: {  	s1 =	simm.s32 @p2 $0x0;
	s0 =	sand.u32 @!p0 $0x1FFC0, s0  }
0x53: {  	s22 =	simm.s32 @!p0 $0x0;
	s20 =	sadd.s32 @!p0 $0x2748, s1;
	s21 =	sadd.s32 @!p0 s4, s0  }
0x54: {  	[tilespmem:s20], [sflag:$0x3] =	stream.linear.gather @!p0 [hbm4b:s21+s22], $0xA00, $0x38;
	[tilespmem:$0x5F48] =	vst v63  }
0x55: {  	s20 =	simm.s32 @!p0 $0x3  }
0x56: {  	_ =	swait.ge @!p0 [sflag:s20], $0xA00  }
0x57: {  	[sflag:s20] =	ssyncset.done @!p0 $0x0  }
0x58: {  	s1 =	sadd.s32 @!p0 $0x3B48, s1;
	s0 =	sadd.s32 @!p0 s5, s0;
	[sflag:s20] =	ssyncadd.s32 @!p0 $0xFFFFF600  }
0x59: {  	[tilespmem:s1], [sflag:$0x3] =	stream.linear.gather @!p0 [hbm4b:s0+s22], $0xA00, $0x38;
	[tilespmem:$0x5F48] =	vst v63  }
.Ltmp5:
0x5a: {  	s31 =	sshll.u32 s31, $0xA;
	s0 =	simm.s32 $0xA00;
	(pc) =	sbr.rel .LBB2_4-.Ltmp5, $4  }
0x5b: {  	s18 =	sshll.u32 s18, $0x7;
	_ =	swait.ge @!p0 [sflag:s20], $0xA00;
	s0 =	simm.s32 @!p1 $0x0  }
0x5c: {  	s1 =	sand.u32 $0xC00, s31;
	[sflag:s20] =	ssyncset.done @!p0 $0x0;
	s0 =	sadd.s32 s18, s0  }
0x5d: {  	s1 =	sadd.s32 $0x4F48, s1;
	[sflag:s20] =	ssyncadd.s32 @!p0 $0xFFFFF600;
	s0 =	sadd.s32 $0x2748, s0  }
0x5e: {  	[tilespmem:s1], [sflag:$0x1] =	stream.indirect.gather [spmem:s2], $0x8, s0, s19, $0xb8;
	[tilespmem:$0x5F48] =	vst v63  }
.LBB2_6:
0x5f: {  	_ =	sfence.sel $0x180000  }
0x60: {  	[bflag:$0x0] =	sbarrier.arrive $0xFFFF  }
0x61: {  	_ =	strace $0x90000050  }
0x62: {  	s0 =	stileid.u32;
	[bflag:$0x2] =	sbarrier.arrive $0xFFFF  }
0x63: {  	p0 =	sne.s32 s0, $0x0;
	s0 =	rddreg [dreg:$0x2]  }
0x64: {  	s0 =	sadd.s32 @!p0 $0x100000, s0  }
0x65: {  	[sflag:s0] =	ssyncadd.tile.s32 @!p0 $0x1;
	_ =	shalt  }
.Lfunc_end2:
_tile_overlayer_lowered:
.L_overlay_start_2:
0x66: {  	(tag) =	ssettag $0x2  }
0x67: {  	s0 =	rddreg [dreg:$0x0];
	s2 =	stileid.u32  }
0x68: {  	s1 =	rddreg [dreg:$0x1];
	p0 =	sne.s32 s2, $0x0  }
0x69: {  	s3 =	rddreg [dreg:$0x2];
	[bflag:$0x3] =	sbarrier.arrive $0xFFFF;
	s2 =	simm.s32 @!p0 $0x1C03  }
0x6a: {  	[timem:s3], [sflag:s2] =	dma.local @!p0 [hbm:s0], s1  }
0x6b: {  	s0 =	simm.s32 @!p0 $0x3  }
0x6c: {  	_ =	swait.ge @!p0 [sflag:s0], s1  }
0x6d: {  	s1 =	ssub.s32 @!p0 $0x0, s1;
	[sflag:s0] =	ssyncset.done @!p0 $0x0  }
0x6e: {  	[sflag:s0] =	ssyncadd.s32 @!p0 s1  }
0x6f: {  	[bflag:$0x3] =	sbarrier.arrive $0xFFFF  }
0x70: {  	_ =	shalt  }

</sc_bundles>
